<compile_context>
chip_gen: v7x
topology: tpu7x:2x2x1
jax: 0.10.2.dev20260603
libtpu: 0.0.44.dev20260713+nightly
codegen_flags: <defaults>
</compile_context>

<pallas_src>
import functools

import jax
import jax.numpy as jnp
from jax import lax
from jax.experimental import pallas as pl
from jax.experimental.pallas import tpu as pltpu
from jax.experimental.pallas import tpu_sc as plsc

N = 10000
E = 320000
D = 128

NC = 2
NS = 16
NW = NC * NS
EPW = E // NW
KB = 80
NBLK = EPW // KB
NPAD = 10240
RPT = NPAD // NS
DEGW = 16


def _zero_vmem(buf, rows, cols):
    zeros16 = jnp.zeros((16,), jnp.float32)
    cpr = cols // 16

    def body(t, _):
        r = t // cpr
        c = (t % cpr) * 16
        buf[r, pl.ds(c, 16)] = zeros16
        return 0

    lax.fori_loop(0, rows * cpr, body, 0)


def _agg_body(h_hbm, src_hbm, dst_hbm, out_hbm, sidx, didx, rows_a, rows_b,
              agg_sh, gsa, gsb, ssa, ssb):
    c = lax.axis_index("c")
    s = lax.axis_index("s")
    w = c * NS + s

    pltpu.async_copy(src_hbm.at[w], sidx, gsa)
    pltpu.async_copy(dst_hbm.at[w], didx, gsb)

    _zero_vmem(rows_a, KB, D)
    for k in range(RPT // KB):
        pltpu.sync_copy(rows_a, agg_sh.at[pl.ds(s * RPT + k * KB, KB)])
    pltpu.make_async_copy(src_hbm.at[w], sidx, gsa).wait()
    pltpu.make_async_copy(dst_hbm.at[w], didx, gsb).wait()
    plsc.subcore_barrier()

    pltpu.async_copy(h_hbm.at[sidx.at[pl.ds(0, KB)]], rows_a, gsa)

    def body(j, _):
        a = 2 * j
        b = a + 1
        pltpu.make_async_copy(h_hbm.at[sidx.at[pl.ds(a * KB, KB)]], rows_a,
                              gsa).wait()
        pltpu.async_copy(rows_a, agg_sh.at[didx.at[a]], ssa, add=True)
        pltpu.async_copy(h_hbm.at[sidx.at[pl.ds(b * KB, KB)]], rows_b, gsb)
        pltpu.make_async_copy(h_hbm.at[sidx.at[pl.ds(b * KB, KB)]], rows_b,
                              gsb).wait()
        pltpu.async_copy(rows_b, agg_sh.at[didx.at[b]], ssb, add=True)
        pltpu.make_async_copy(rows_a, agg_sh.at[didx.at[a]], ssa).wait()
        pltpu.async_copy(h_hbm.at[sidx.at[pl.ds((a + 2) * KB, KB)]],
                         rows_a, gsa)
        pltpu.make_async_copy(rows_b, agg_sh.at[didx.at[b]], ssb).wait()
        return 0

    lax.fori_loop(0, NBLK // 2, body, 0)
    last = NBLK - 1
    pltpu.make_async_copy(h_hbm.at[sidx.at[pl.ds(last * KB, KB)]], rows_a,
                          gsa).wait()
    pltpu.sync_copy(rows_a, agg_sh.at[didx.at[last]], add=True)
    plsc.subcore_barrier()

    pltpu.sync_copy(agg_sh.at[pl.ds(s * RPT, RPT)],
                    out_hbm.at[c, pl.ds(s * RPT, RPT)])


_sc_agg = pl.kernel(
    _agg_body,
    out_type=jax.ShapeDtypeStruct((NC, NPAD, D), jnp.float32),
    mesh=plsc.VectorSubcoreMesh(core_axis_name="c", subcore_axis_name="s"),
    scratch_types=[
        pltpu.VMEM((EPW,), jnp.int32),
        pltpu.VMEM((NBLK, KB), jnp.int32),
        pltpu.VMEM((KB, D), jnp.float32),
        pltpu.VMEM((KB, D), jnp.float32),
        pltpu.VMEM_SHARED((NPAD, D), jnp.float32),
        pltpu.SemaphoreType.DMA,
        pltpu.SemaphoreType.DMA,
        pltpu.SemaphoreType.DMA,
        pltpu.SemaphoreType.DMA,
    ],
)


def _deg_body(dst_hbm, out_hbm, didx, ones, deg_sh, gsa, ssa, ssb):
    c = lax.axis_index("c")
    s = lax.axis_index("s")
    w = c * NS + s

    pltpu.async_copy(dst_hbm.at[w], didx, gsa)
    _zero_vmem(ones, KB, D)
    for k in range(RPT // KB):
        pltpu.sync_copy(ones, deg_sh.at[pl.ds(s * RPT + k * KB, KB)])
    ones16 = jnp.ones((16,), jnp.float32)

    def fill(t, _):
        r = t // 8
        col = (t % 8) * 16
        ones[r, pl.ds(col, 16)] = ones16
        return 0

    lax.fori_loop(0, KB * 8, fill, 0)
    pltpu.make_async_copy(dst_hbm.at[w], didx, gsa).wait()
    plsc.subcore_barrier()

    def body(j, _):
        a = 2 * j
        b = a + 1
        pltpu.async_copy(ones, deg_sh.at[didx.at[a]], ssa, add=True)
        pltpu.async_copy(ones, deg_sh.at[didx.at[b]], ssb, add=True)
        pltpu.make_async_copy(ones, deg_sh.at[didx.at[a]], ssa).wait()
        pltpu.make_async_copy(ones, deg_sh.at[didx.at[b]], ssb).wait()
        return 0

    lax.fori_loop(0, NBLK // 2, body, 0)
    pltpu.sync_copy(ones, deg_sh.at[didx.at[NBLK - 1]], add=True)
    plsc.subcore_barrier()
    pltpu.sync_copy(deg_sh.at[pl.ds(s * RPT, RPT)],
                    out_hbm.at[c, pl.ds(s * RPT, RPT)])


_sc_deg = pl.kernel(
    _deg_body,
    out_type=jax.ShapeDtypeStruct((NC, NPAD, D), jnp.float32),
    mesh=plsc.VectorSubcoreMesh(core_axis_name="c", subcore_axis_name="s"),
    scratch_types=[
        pltpu.VMEM((NBLK, KB), jnp.int32),
        pltpu.VMEM((KB, D), jnp.float32),
        pltpu.VMEM_SHARED((NPAD, D), jnp.float32),
        pltpu.SemaphoreType.DMA,
        pltpu.SemaphoreType.DMA,
        pltpu.SemaphoreType.DMA,
    ],
)


NB = 2000


def _dense_block(p_ref, degp_ref, h_ref, wl_ref, wr_ref, b_ref, o_ref, *,
                 act):
    deg = degp_ref[0, :, 0] + degp_ref[1, :, 0]
    deginv = 1.0 / jnp.maximum(deg, 1.0)
    mean = (p_ref[0] + p_ref[1]) * deginv[:, None]
    y = (jnp.dot(mean, wl_ref[...], preferred_element_type=jnp.float32)
         + jnp.dot(h_ref[...], wr_ref[...], preferred_element_type=jnp.float32)
         + b_ref[...])
    if act == "relu":
        o_ref[...] = jnp.maximum(y, 0.0)
    else:
        m = jnp.max(y, axis=-1, keepdims=True)
        z = y - m
        lse = jnp.log(jnp.sum(jnp.exp(z), axis=-1, keepdims=True))
        o_ref[...] = z - lse


def _dense(p, degp, h, wl, wr, b, act):
    fn = pl.pallas_call(
        functools.partial(_dense_block, act=act),
        grid=(N // NB,),
        in_specs=[
            pl.BlockSpec((NC, NB, D), lambda i: (0, i, 0)),
            pl.BlockSpec((NC, NB, DEGW), lambda i: (0, i, 0)),
            pl.BlockSpec((NB, D), lambda i: (i, 0)),
            pl.BlockSpec((D, D), lambda i: (0, 0)),
            pl.BlockSpec((D, D), lambda i: (0, 0)),
            pl.BlockSpec((1, D), lambda i: (0, 0)),
        ],
        out_specs=pl.BlockSpec((NB, D), lambda i: (i, 0)),
        out_shape=jax.ShapeDtypeStruct((N, D), jnp.float32),
    )
    return fn(p, degp, h, wl, wr, b.reshape(1, D))


def kernel(x, adj_t, W1l, b1, W1r, W2l, b2, W2r, W3l, b3, W3r):
    src = adj_t[0].reshape(NW, EPW)
    dst = adj_t[1].reshape(NW, NBLK, KB)
    degp = _sc_deg(dst)[:, :, :DEGW]
    p = _sc_agg(x, src, dst)
    h1 = _dense(p, degp, x, W1l, W1r, b1, "relu")
    p = _sc_agg(h1, src, dst)
    h2 = _dense(p, degp, h1, W2l, W2r, b2, "relu")
    p = _sc_agg(h2, src, dst)
    return _dense(p, degp, h2, W3l, W3r, b3, "logsoftmax")

# --- scband reference (transcript-rebuilt; emitter-appended) ---
"""Pipeline reference for scband-sage-32160715112816 (READ-ONLY COPY).

The authoritative reference and input builder live on the scoring server;
editing this copy changes nothing except your own understanding.
"""

import jax, jax.numpy as jnp
import numpy as np

N = 10000
E = 320000
D_IN = 128
D_H = 128
D_OUT = 128


def setup_inputs(seed: int = 0) -> dict:
    key = jax.random.key(seed)
    ks = jax.random.split(key, 12)
    x = jax.random.normal(ks[0], (N, D_IN), dtype=jnp.float32)
    adj_t = jax.random.randint(ks[1], (2, E), 0, N, dtype=jnp.int32)
    def lin(k, fin, fout):
        return jax.random.normal(k, (fin, fout), dtype=jnp.float32) * (1.0 / np.sqrt(fin))
    W1l = lin(ks[2], D_IN, D_H)
    b1 = jnp.zeros((D_H,), dtype=jnp.float32)
    W1r = lin(ks[3], D_IN, D_H)
    W2l = lin(ks[4], D_H, D_H)
    b2 = jnp.zeros((D_H,), dtype=jnp.float32)
    W2r = lin(ks[5], D_H, D_H)
    W3l = lin(ks[6], D_H, D_OUT)
    b3 = jnp.zeros((D_OUT,), dtype=jnp.float32)
    W3r = lin(ks[7], D_H, D_OUT)
    return {"x": x, "adj_t": adj_t, "W1l": W1l, "b1": b1, "W1r": W1r,
            "W2l": W2l, "b2": b2, "W2r": W2r, "W3l": W3l, "b3": b3, "W3r": W3r}


def _sage_conv(h, src, dst, Wl, b, Wr):
    # PyG SAGEConv (normalize=False): out = lin_l(mean_j x_j) + lin_r(x_i)
    msg = jnp.take(h, src, axis=0)
    agg = jax.ops.segment_sum(msg, dst, num_segments=N)
    deg = jax.ops.segment_sum(jnp.ones((src.shape[0],), dtype=h.dtype), dst, num_segments=N)
    mean = agg / jnp.clip(deg, 1.0)[:, None]
    return mean @ Wl + b + h @ Wr


def reference(x, adj_t, W1l, b1, W1r, W2l, b2, W2r, W3l, b3, W3r):
    src = adj_t[0]
    dst = adj_t[1]
    h = jax.nn.relu(_sage_conv(x, src, dst, W1l, b1, W1r))
    # dropout is identity in eval mode
    h = jax.nn.relu(_sage_conv(h, src, dst, W2l, b2, W2r))
    h = _sage_conv(h, src, dst, W3l, b3, W3r)
    return jax.nn.log_softmax(h, axis=-1)

if __name__ == "__main__":
    import jax
    _d = setup_inputs()
    print(jax.jit(kernel)(*tuple(_d.values())))

</pallas_src>

<mosaic_0001>
#map = affine_map<(d0, d1) -> (0, 0)>
#map1 = affine_map<(d0, d1) -> (0, 0, 0)>
module attributes {stable_mosaic.version = 14 : i64} {
  func.func @_agg_body(%arg0: i32, %arg1: i32, %arg2: memref<10000x128xf32, #tpu.memory_space<hbm>>, %arg3: memref<32x10000xi32, #tpu.memory_space<hbm>>, %arg4: memref<32x125x80xi32, #tpu.memory_space<hbm>>, %arg5: memref<2x10240x128xf32, #tpu.memory_space<hbm>>, %arg6: memref<10000xi32, #tpu.memory_space<vmem>>, %arg7: memref<125x80xi32, #tpu.memory_space<vmem>>, %arg8: memref<80x128xf32, #tpu.memory_space<vmem>>, %arg9: memref<80x128xf32, #tpu.memory_space<vmem>>, %arg10: memref<10240x128xf32, #tpu.memory_space<vmem_shared>>, %arg11: memref<!tpu.dma_semaphore, #tpu.memory_space<semaphore_mem>>, %arg12: memref<!tpu.dma_semaphore, #tpu.memory_space<semaphore_mem>>, %arg13: memref<!tpu.dma_semaphore, #tpu.memory_space<semaphore_mem>>, %arg14: memref<!tpu.dma_semaphore, #tpu.memory_space<semaphore_mem>>) attributes {dimension_semantics = [#tpu.dimension_semantics<core_parallel>, #tpu.dimension_semantics<subcore_parallel>], iteration_bounds = array<i64: 2, 16>, scalar_prefetch = 0 : i64, scratch_operands = 9 : i64, tpu.core_type = #tpu.core_type<sc_vector_subcore>, window_params = [{transform_indices = #map}, {transform_indices = #map}, {transform_indices = #map1}, {transform_indices = #map1}]} {
    %mul3A = arith.constant 16 : i32
    %mul3A_0 = arith.muli %arg0, %mul3A : i32
    %add3A = arith.addi %mul3A_0, %arg1 : i32
    %dma_start3A = arith.constant 0 : i32
    %dma_start3A_1 = tpu.memref_slice %arg3[%add3A, %dma_start3A] : memref<32x10000xi32, #tpu.memory_space<hbm>> -> memref<1x10000xi32, #tpu.memory_space<hbm>>
    %dma_start3A_2 = tpu.memref_squeeze %dma_start3A_1 : memref<1x10000xi32, #tpu.memory_space<hbm>> -> memref<10000xi32, #tpu.memory_space<hbm>>
    %dma_start3A_3 = arith.constant 0 : i32
    %dma_start3A_4 = tpu.memref_slice %arg3[%add3A, %dma_start3A_3] : memref<32x10000xi32, #tpu.memory_space<hbm>> -> memref<1x10000xi32, #tpu.memory_space<hbm>>
    %dma_start3A_5 = tpu.memref_squeeze %dma_start3A_4 : memref<1x10000xi32, #tpu.memory_space<hbm>> -> memref<10000xi32, #tpu.memory_space<hbm>>
    tpu.enqueue_dma source(%dma_start3A_5 : memref<10000xi32, #tpu.memory_space<hbm>>) target(%arg6 : memref<10000xi32, #tpu.memory_space<vmem>>) target_semaphore(%arg11 : memref<!tpu.dma_semaphore, #tpu.memory_space<semaphore_mem>>)
    %dma_start3A_6 = arith.constant 0 : i32
    %dma_start3A_7 = arith.constant 0 : i32
    %dma_start3A_8 = tpu.memref_slice %arg4[%add3A, %dma_start3A_6, %dma_start3A_7] : memref<32x125x80xi32, #tpu.memory_space<hbm>> -> memref<1x125x80xi32, #tpu.memory_space<hbm>>
    %dma_start3A_9 = tpu.memref_squeeze %dma_start3A_8 : memref<1x125x80xi32, #tpu.memory_space<hbm>> -> memref<125x80xi32, #tpu.memory_space<hbm>>
    %dma_start3A_10 = arith.constant 0 : i32
    %dma_start3A_11 = arith.constant 0 : i32
    %dma_start3A_12 = tpu.memref_slice %arg4[%add3A, %dma_start3A_10, %dma_start3A_11] : memref<32x125x80xi32, #tpu.memory_space<hbm>> -> memref<1x125x80xi32, #tpu.memory_space<hbm>>
    %dma_start3A_13 = tpu.memref_squeeze %dma_start3A_12 : memref<1x125x80xi32, #tpu.memory_space<hbm>> -> memref<125x80xi32, #tpu.memory_space<hbm>>
    tpu.enqueue_dma source(%dma_start3A_13 : memref<125x80xi32, #tpu.memory_space<hbm>>) target(%arg7 : memref<125x80xi32, #tpu.memory_space<vmem>>) target_semaphore(%arg12 : memref<!tpu.dma_semaphore, #tpu.memory_space<semaphore_mem>>)
    %broadcast_in_dim3A = arith.constant 0.000000e+00 : f32
    %broadcast_in_dim3A_14 = vector.broadcast %broadcast_in_dim3A : f32 to vector<16xf32>
    %scan3A = arith.constant 0 : i32
    %scan3A_15 = arith.constant 0 : i32
    %scan3A_16 = arith.constant 640 : i32
    %scan3A_17 = arith.addi %scan3A_15, %scan3A_16 : i32
    %scan3A_18 = arith.constant 1 : i32
    %scan3A_19 = scf.for %scan3A_88 = %scan3A_15 to %scan3A_17 step %scan3A_18 iter_args(%scan3A_89 = %scan3A) -> (i32)  : i32 {
      %jit3A = arith.constant 8 : i32
      %div3A = arith.divsi %scan3A_88, %jit3A : i32
      %sign3A = arith.constant 0 : i32
      %sign3A_90 = arith.cmpi sgt, %scan3A_88, %sign3A : i32
      %sign3A_91 = arith.extui %sign3A_90 : i1 to i32
      %sign3A_92 = arith.constant 0 : i32
      %sign3A_93 = arith.cmpi slt, %scan3A_88, %sign3A_92 : i32
      %sign3A_94 = arith.extui %sign3A_93 : i1 to i32
      %sign3A_95 = arith.subi %sign3A_91, %sign3A_94 : i32
      %sign3A_96 = arith.constant 0 : i32
      %sign3A_97 = arith.cmpi sgt, %jit3A, %sign3A_96 : i32
      %sign3A_98 = arith.extui %sign3A_97 : i1 to i32
      %sign3A_99 = arith.constant 0 : i32
      %sign3A_100 = arith.cmpi slt, %jit3A, %sign3A_99 : i32
      %sign3A_101 = arith.extui %sign3A_100 : i1 to i32
      %sign3A_102 = arith.subi %sign3A_98, %sign3A_101 : i32
      %ne3A = arith.cmpi ne, %sign3A_95, %sign3A_102 : i32
      %rem3A = arith.remsi %scan3A_88, %jit3A : i32
      %ne3A_103 = arith.constant 0 : i32
      %ne3A_104 = arith.cmpi ne, %rem3A, %ne3A_103 : i32
      %and3A = arith.andi %ne3A, %ne3A_104 : i1
      %sub3A = arith.constant 1 : i32
      %sub3A_105 = arith.subi %div3A, %sub3A : i32
      %select_n3A = arith.select %and3A, %sub3A_105, %div3A : i32
      %jit3A_106 = arith.constant 8 : i32
      %eq3A = arith.constant 0 : i32
      %eq3A_107 = arith.cmpi eq, %jit3A_106, %eq3A : i32
      %jit3A_108 = arith.constant 1 : i32
      %select_n3A_109 = arith.select %eq3A_107, %jit3A_108, %jit3A_106 : i32
      %rem3A_110 = arith.remsi %scan3A_88, %select_n3A_109 : i32
      %ne3A_111 = arith.constant 0 : i32
      %ne3A_112 = arith.cmpi ne, %rem3A_110, %ne3A_111 : i32
      %lt3A = arith.constant 0 : i32
      %lt3A_113 = arith.cmpi slt, %rem3A_110, %lt3A : i32
      %lt3A_114 = arith.constant 0 : i32
      %lt3A_115 = arith.cmpi slt, %select_n3A_109, %lt3A_114 : i32
      %ne3A_116 = arith.xori %lt3A_113, %lt3A_115 : i1
      %and3A_117 = arith.andi %ne3A_116, %ne3A_112 : i1
      %add3A_118 = arith.addi %rem3A_110, %select_n3A_109 : i32
      %select_n3A_119 = arith.select %and3A_117, %add3A_118, %rem3A_110 : i32
      %mul3A_120 = arith.constant 16 : i32
      %mul3A_121 = arith.muli %select_n3A_119, %mul3A_120 : i32
      %swap3A = arith.index_cast %select_n3A : i32 to index
      %swap3A_122 = arith.index_cast %mul3A_121 : i32 to index
      %swap3A_123 = tpu.vector_load %arg8[%swap3A, %swap3A_122] {strides = array<i32>} : memref<80x128xf32, #tpu.memory_space<vmem>>, vector<1x16xf32>,
      %swap3A_124 = vector.shape_cast %swap3A_123 : vector<1x16xf32> to vector<16xf32>
      %swap3A_125 = vector.shape_cast %broadcast_in_dim3A_14 : vector<16xf32> to vector<1x16xf32>
      tpu.vector_store %arg8[%swap3A, %swap3A_122], %swap3A_125 {strides = array<i32>} : memref<80x128xf32, #tpu.memory_space<vmem>>, vector<1x16xf32>,
      %scan3A_126 = arith.constant 0 : i32
      scf.yield %scan3A_126 : i32
    }
    %scan3A_20 = arith.constant 640 : i32
    %mul3A_21 = arith.constant 640 : i32
    %mul3A_22 = arith.muli %arg1, %mul3A_21 : i32
    %add3A_23 = arith.constant 0 : i32
    %add3A_24 = arith.addi %mul3A_22, %add3A_23 : i32
    "tpu.region"() ({
      %run_scoped3A_88 = tpu.sem_alloc : memref<!tpu.dma_semaphore, #tpu.memory_space<semaphore_mem>>
      %dma_start3A_89 = arith.constant 0 : i32
      %dma_start3A_90 = tpu.memref_slice %arg10[%add3A_24, %dma_start3A_89] : memref<10240x128xf32, #tpu.memory_space<vmem_shared>> -> memref<80x128xf32, #tpu.memory_space<vmem_shared>>
      %dma_start3A_91 = arith.constant 0 : i32
      %dma_start3A_92 = tpu.memref_slice %arg10[%add3A_24, %dma_start3A_91] : memref<10240x128xf32, #tpu.memory_space<vmem_shared>> -> memref<80x128xf32, #tpu.memory_space<vmem_shared>>
      tpu.enqueue_dma source(%arg8 : memref<80x128xf32, #tpu.memory_space<vmem>>) target(%dma_start3A_92 : memref<80x128xf32, #tpu.memory_space<vmem_shared>>) target_semaphore(%run_scoped3A_88 : memref<!tpu.dma_semaphore, #tpu.memory_space<semaphore_mem>>)
      %dma_wait3A_93 = arith.constant 0 : i32
      %dma_wait3A_94 = tpu.memref_slice %arg10[%add3A_24, %dma_wait3A_93] : memref<10240x128xf32, #tpu.memory_space<vmem_shared>> -> memref<80x128xf32, #tpu.memory_space<vmem_shared>>
      %dma_wait3A_95 = arith.constant 0 : i32
      %dma_wait3A_96 = tpu.memref_slice %arg10[%add3A_24, %dma_wait3A_95] : memref<10240x128xf32, #tpu.memory_space<vmem_shared>> -> memref<80x128xf32, #tpu.memory_space<vmem_shared>>
      tpu.wait_dma2 semaphore(%run_scoped3A_88 : memref<!tpu.dma_semaphore, #tpu.memory_space<semaphore_mem>>) src(%arg8 : memref<80x128xf32, #tpu.memory_space<vmem>>) dst(%dma_wait3A_96 : memref<80x128xf32, #tpu.memory_space<vmem_shared>>)
      tpu.yield
    }) : () -> ()
    %mul3A_25 = arith.constant 640 : i32
    %mul3A_26 = arith.muli %arg1, %mul3A_25 : i32
    %add3A_27 = arith.constant 80 : i32
    %add3A_28 = arith.addi %mul3A_26, %add3A_27 : i32
    "tpu.region"() ({
      %run_scoped3A_88 = tpu.sem_alloc : memref<!tpu.dma_semaphore, #tpu.memory_space<semaphore_mem>>
      %dma_start3A_89 = arith.constant 0 : i32
      %dma_start3A_90 = tpu.memref_slice %arg10[%add3A_28, %dma_start3A_89] : memref<10240x128xf32, #tpu.memory_space<vmem_shared>> -> memref<80x128xf32, #tpu.memory_space<vmem_shared>>
      %dma_start3A_91 = arith.constant 0 : i32
      %dma_start3A_92 = tpu.memref_slice %arg10[%add3A_28, %dma_start3A_91] : memref<10240x128xf32, #tpu.memory_space<vmem_shared>> -> memref<80x128xf32, #tpu.memory_space<vmem_shared>>
      tpu.enqueue_dma source(%arg8 : memref<80x128xf32, #tpu.memory_space<vmem>>) target(%dma_start3A_92 : memref<80x128xf32, #tpu.memory_space<vmem_shared>>) target_semaphore(%run_scoped3A_88 : memref<!tpu.dma_semaphore, #tpu.memory_space<semaphore_mem>>)
      %dma_wait3A_93 = arith.constant 0 : i32
      %dma_wait3A_94 = tpu.memref_slice %arg10[%add3A_28, %dma_wait3A_93] : memref<10240x128xf32, #tpu.memory_space<vmem_shared>> -> memref<80x128xf32, #tpu.memory_space<vmem_shared>>
      %dma_wait3A_95 = arith.constant 0 : i32
      %dma_wait3A_96 = tpu.memref_slice %arg10[%add3A_28, %dma_wait3A_95] : memref<10240x128xf32, #tpu.memory_space<vmem_shared>> -> memref<80x128xf32, #tpu.memory_space<vmem_shared>>
      tpu.wait_dma2 semaphore(%run_scoped3A_88 : memref<!tpu.dma_semaphore, #tpu.memory_space<semaphore_mem>>) src(%arg8 : memref<80x128xf32, #tpu.memory_space<vmem>>) dst(%dma_wait3A_96 : memref<80x128xf32, #tpu.memory_space<vmem_shared>>)
      tpu.yield
    }) : () -> ()
    %mul3A_29 = arith.constant 640 : i32
    %mul3A_30 = arith.muli %arg1, %mul3A_29 : i32
    %add3A_31 = arith.constant 160 : i32
    %add3A_32 = arith.addi %mul3A_30, %add3A_31 : i32
    "tpu.region"() ({
      %run_scoped3A_88 = tpu.sem_alloc : memref<!tpu.dma_semaphore, #tpu.memory_space<semaphore_mem>>
      %dma_start3A_89 = arith.constant 0 : i32
      %dma_start3A_90 = tpu.memref_slice %arg10[%add3A_32, %dma_start3A_89] : memref<10240x128xf32, #tpu.memory_space<vmem_shared>> -> memref<80x128xf32, #tpu.memory_space<vmem_shared>>
      %dma_start3A_91 = arith.constant 0 : i32
      %dma_start3A_92 = tpu.memref_slice %arg10[%add3A_32, %dma_start3A_91] : memref<10240x128xf32, #tpu.memory_space<vmem_shared>> -> memref<80x128xf32, #tpu.memory_space<vmem_shared>>
      tpu.enqueue_dma source(%arg8 : memref<80x128xf32, #tpu.memory_space<vmem>>) target(%dma_start3A_92 : memref<80x128xf32, #tpu.memory_space<vmem_shared>>) target_semaphore(%run_scoped3A_88 : memref<!tpu.dma_semaphore, #tpu.memory_space<semaphore_mem>>)
      %dma_wait3A_93 = arith.constant 0 : i32
      %dma_wait3A_94 = tpu.memref_slice %arg10[%add3A_32, %dma_wait3A_93] : memref<10240x128xf32, #tpu.memory_space<vmem_shared>> -> memref<80x128xf32, #tpu.memory_space<vmem_shared>>
      %dma_wait3A_95 = arith.constant 0 : i32
      %dma_wait3A_96 = tpu.memref_slice %arg10[%add3A_32, %dma_wait3A_95] : memref<10240x128xf32, #tpu.memory_space<vmem_shared>> -> memref<80x128xf32, #tpu.memory_space<vmem_shared>>
      tpu.wait_dma2 semaphore(%run_scoped3A_88 : memref<!tpu.dma_semaphore, #tpu.memory_space<semaphore_mem>>) src(%arg8 : memref<80x128xf32, #tpu.memory_space<vmem>>) dst(%dma_wait3A_96 : memref<80x128xf32, #tpu.memory_space<vmem_shared>>)
      tpu.yield
    }) : () -> ()
    %mul3A_33 = arith.constant 640 : i32
    %mul3A_34 = arith.muli %arg1, %mul3A_33 : i32
    %add3A_35 = arith.constant 240 : i32
    %add3A_36 = arith.addi %mul3A_34, %add3A_35 : i32
    "tpu.region"() ({
      %run_scoped3A_88 = tpu.sem_alloc : memref<!tpu.dma_semaphore, #tpu.memory_space<semaphore_mem>>
      %dma_start3A_89 = arith.constant 0 : i32
      %dma_start3A_90 = tpu.memref_slice %arg10[%add3A_36, %dma_start3A_89] : memref<10240x128xf32, #tpu.memory_space<vmem_shared>> -> memref<80x128xf32, #tpu.memory_space<vmem_shared>>
      %dma_start3A_91 = arith.constant 0 : i32
      %dma_start3A_92 = tpu.memref_slice %arg10[%add3A_36, %dma_start3A_91] : memref<10240x128xf32, #tpu.memory_space<vmem_shared>> -> memref<80x128xf32, #tpu.memory_space<vmem_shared>>
      tpu.enqueue_dma source(%arg8 : memref<80x128xf32, #tpu.memory_space<vmem>>) target(%dma_start3A_92 : memref<80x128xf32, #tpu.memory_space<vmem_shared>>) target_semaphore(%run_scoped3A_88 : memref<!tpu.dma_semaphore, #tpu.memory_space<semaphore_mem>>)
      %dma_wait3A_93 = arith.constant 0 : i32
      %dma_wait3A_94 = tpu.memref_slice %arg10[%add3A_36, %dma_wait3A_93] : memref<10240x128xf32, #tpu.memory_space<vmem_shared>> -> memref<80x128xf32, #tpu.memory_space<vmem_shared>>
      %dma_wait3A_95 = arith.constant 0 : i32
      %dma_wait3A_96 = tpu.memref_slice %arg10[%add3A_36, %dma_wait3A_95] : memref<10240x128xf32, #tpu.memory_space<vmem_shared>> -> memref<80x128xf32, #tpu.memory_space<vmem_shared>>
      tpu.wait_dma2 semaphore(%run_scoped3A_88 : memref<!tpu.dma_semaphore, #tpu.memory_space<semaphore_mem>>) src(%arg8 : memref<80x128xf32, #tpu.memory_space<vmem>>) dst(%dma_wait3A_96 : memref<80x128xf32, #tpu.memory_space<vmem_shared>>)
      tpu.yield
    }) : () -> ()
    %mul3A_37 = arith.constant 640 : i32
    %mul3A_38 = arith.muli %arg1, %mul3A_37 : i32
    %add3A_39 = arith.constant 320 : i32
    %add3A_40 = arith.addi %mul3A_38, %add3A_39 : i32
    "tpu.region"() ({
      %run_scoped3A_88 = tpu.sem_alloc : memref<!tpu.dma_semaphore, #tpu.memory_space<semaphore_mem>>
      %dma_start3A_89 = arith.constant 0 : i32
      %dma_start3A_90 = tpu.memref_slice %arg10[%add3A_40, %dma_start3A_89] : memref<10240x128xf32, #tpu.memory_space<vmem_shared>> -> memref<80x128xf32, #tpu.memory_space<vmem_shared>>
      %dma_start3A_91 = arith.constant 0 : i32
      %dma_start3A_92 = tpu.memref_slice %arg10[%add3A_40, %dma_start3A_91] : memref<10240x128xf32, #tpu.memory_space<vmem_shared>> -> memref<80x128xf32, #tpu.memory_space<vmem_shared>>
      tpu.enqueue_dma source(%arg8 : memref<80x128xf32, #tpu.memory_space<vmem>>) target(%dma_start3A_92 : memref<80x128xf32, #tpu.memory_space<vmem_shared>>) target_semaphore(%run_scoped3A_88 : memref<!tpu.dma_semaphore, #tpu.memory_space<semaphore_mem>>)
      %dma_wait3A_93 = arith.constant 0 : i32
      %dma_wait3A_94 = tpu.memref_slice %arg10[%add3A_40, %dma_wait3A_93] : memref<10240x128xf32, #tpu.memory_space<vmem_shared>> -> memref<80x128xf32, #tpu.memory_space<vmem_shared>>
      %dma_wait3A_95 = arith.constant 0 : i32
      %dma_wait3A_96 = tpu.memref_slice %arg10[%add3A_40, %dma_wait3A_95] : memref<10240x128xf32, #tpu.memory_space<vmem_shared>> -> memref<80x128xf32, #tpu.memory_space<vmem_shared>>
      tpu.wait_dma2 semaphore(%run_scoped3A_88 : memref<!tpu.dma_semaphore, #tpu.memory_space<semaphore_mem>>) src(%arg8 : memref<80x128xf32, #tpu.memory_space<vmem>>) dst(%dma_wait3A_96 : memref<80x128xf32, #tpu.memory_space<vmem_shared>>)
      tpu.yield
    }) : () -> ()
    %mul3A_41 = arith.constant 640 : i32
    %mul3A_42 = arith.muli %arg1, %mul3A_41 : i32
    %add3A_43 = arith.constant 400 : i32
    %add3A_44 = arith.addi %mul3A_42, %add3A_43 : i32
    "tpu.region"() ({
      %run_scoped3A_88 = tpu.sem_alloc : memref<!tpu.dma_semaphore, #tpu.memory_space<semaphore_mem>>
      %dma_start3A_89 = arith.constant 0 : i32
      %dma_start3A_90 = tpu.memref_slice %arg10[%add3A_44, %dma_start3A_89] : memref<10240x128xf32, #tpu.memory_space<vmem_shared>> -> memref<80x128xf32, #tpu.memory_space<vmem_shared>>
      %dma_start3A_91 = arith.constant 0 : i32
      %dma_start3A_92 = tpu.memref_slice %arg10[%add3A_44, %dma_start3A_91] : memref<10240x128xf32, #tpu.memory_space<vmem_shared>> -> memref<80x128xf32, #tpu.memory_space<vmem_shared>>
      tpu.enqueue_dma source(%arg8 : memref<80x128xf32, #tpu.memory_space<vmem>>) target(%dma_start3A_92 : memref<80x128xf32, #tpu.memory_space<vmem_shared>>) target_semaphore(%run_scoped3A_88 : memref<!tpu.dma_semaphore, #tpu.memory_space<semaphore_mem>>)
      %dma_wait3A_93 = arith.constant 0 : i32
      %dma_wait3A_94 = tpu.memref_slice %arg10[%add3A_44, %dma_wait3A_93] : memref<10240x128xf32, #tpu.memory_space<vmem_shared>> -> memref<80x128xf32, #tpu.memory_space<vmem_shared>>
      %dma_wait3A_95 = arith.constant 0 : i32
      %dma_wait3A_96 = tpu.memref_slice %arg10[%add3A_44, %dma_wait3A_95] : memref<10240x128xf32, #tpu.memory_space<vmem_shared>> -> memref<80x128xf32, #tpu.memory_space<vmem_shared>>
      tpu.wait_dma2 semaphore(%run_scoped3A_88 : memref<!tpu.dma_semaphore, #tpu.memory_space<semaphore_mem>>) src(%arg8 : memref<80x128xf32, #tpu.memory_space<vmem>>) dst(%dma_wait3A_96 : memref<80x128xf32, #tpu.memory_space<vmem_shared>>)
      tpu.yield
    }) : () -> ()
    %mul3A_45 = arith.constant 640 : i32
    %mul3A_46 = arith.muli %arg1, %mul3A_45 : i32
    %add3A_47 = arith.constant 480 : i32
    %add3A_48 = arith.addi %mul3A_46, %add3A_47 : i32
    "tpu.region"() ({
      %run_scoped3A_88 = tpu.sem_alloc : memref<!tpu.dma_semaphore, #tpu.memory_space<semaphore_mem>>
      %dma_start3A_89 = arith.constant 0 : i32
      %dma_start3A_90 = tpu.memref_slice %arg10[%add3A_48, %dma_start3A_89] : memref<10240x128xf32, #tpu.memory_space<vmem_shared>> -> memref<80x128xf32, #tpu.memory_space<vmem_shared>>
      %dma_start3A_91 = arith.constant 0 : i32
      %dma_start3A_92 = tpu.memref_slice %arg10[%add3A_48, %dma_start3A_91] : memref<10240x128xf32, #tpu.memory_space<vmem_shared>> -> memref<80x128xf32, #tpu.memory_space<vmem_shared>>
      tpu.enqueue_dma source(%arg8 : memref<80x128xf32, #tpu.memory_space<vmem>>) target(%dma_start3A_92 : memref<80x128xf32, #tpu.memory_space<vmem_shared>>) target_semaphore(%run_scoped3A_88 : memref<!tpu.dma_semaphore, #tpu.memory_space<semaphore_mem>>)
      %dma_wait3A_93 = arith.constant 0 : i32
      %dma_wait3A_94 = tpu.memref_slice %arg10[%add3A_48, %dma_wait3A_93] : memref<10240x128xf32, #tpu.memory_space<vmem_shared>> -> memref<80x128xf32, #tpu.memory_space<vmem_shared>>
      %dma_wait3A_95 = arith.constant 0 : i32
      %dma_wait3A_96 = tpu.memref_slice %arg10[%add3A_48, %dma_wait3A_95] : memref<10240x128xf32, #tpu.memory_space<vmem_shared>> -> memref<80x128xf32, #tpu.memory_space<vmem_shared>>
      tpu.wait_dma2 semaphore(%run_scoped3A_88 : memref<!tpu.dma_semaphore, #tpu.memory_space<semaphore_mem>>) src(%arg8 : memref<80x128xf32, #tpu.memory_space<vmem>>) dst(%dma_wait3A_96 : memref<80x128xf32, #tpu.memory_space<vmem_shared>>)
      tpu.yield
    }) : () -> ()
    %mul3A_49 = arith.constant 640 : i32
    %mul3A_50 = arith.muli %arg1, %mul3A_49 : i32
    %add3A_51 = arith.constant 560 : i32
    %add3A_52 = arith.addi %mul3A_50, %add3A_51 : i32
    "tpu.region"() ({
      %run_scoped3A_88 = tpu.sem_alloc : memref<!tpu.dma_semaphore, #tpu.memory_space<semaphore_mem>>
      %dma_start3A_89 = arith.constant 0 : i32
      %dma_start3A_90 = tpu.memref_slice %arg10[%add3A_52, %dma_start3A_89] : memref<10240x128xf32, #tpu.memory_space<vmem_shared>> -> memref<80x128xf32, #tpu.memory_space<vmem_shared>>
      %dma_start3A_91 = arith.constant 0 : i32
      %dma_start3A_92 = tpu.memref_slice %arg10[%add3A_52, %dma_start3A_91] : memref<10240x128xf32, #tpu.memory_space<vmem_shared>> -> memref<80x128xf32, #tpu.memory_space<vmem_shared>>
      tpu.enqueue_dma source(%arg8 : memref<80x128xf32, #tpu.memory_space<vmem>>) target(%dma_start3A_92 : memref<80x128xf32, #tpu.memory_space<vmem_shared>>) target_semaphore(%run_scoped3A_88 : memref<!tpu.dma_semaphore, #tpu.memory_space<semaphore_mem>>)
      %dma_wait3A_93 = arith.constant 0 : i32
      %dma_wait3A_94 = tpu.memref_slice %arg10[%add3A_52, %dma_wait3A_93] : memref<10240x128xf32, #tpu.memory_space<vmem_shared>> -> memref<80x128xf32, #tpu.memory_space<vmem_shared>>
      %dma_wait3A_95 = arith.constant 0 : i32
      %dma_wait3A_96 = tpu.memref_slice %arg10[%add3A_52, %dma_wait3A_95] : memref<10240x128xf32, #tpu.memory_space<vmem_shared>> -> memref<80x128xf32, #tpu.memory_space<vmem_shared>>
      tpu.wait_dma2 semaphore(%run_scoped3A_88 : memref<!tpu.dma_semaphore, #tpu.memory_space<semaphore_mem>>) src(%arg8 : memref<80x128xf32, #tpu.memory_space<vmem>>) dst(%dma_wait3A_96 : memref<80x128xf32, #tpu.memory_space<vmem_shared>>)
      tpu.yield
    }) : () -> ()
    %dma_wait3A = arith.constant 0 : i32
    %dma_wait3A_53 = tpu.memref_slice %arg3[%add3A, %dma_wait3A] : memref<32x10000xi32, #tpu.memory_space<hbm>> -> memref<1x10000xi32, #tpu.memory_space<hbm>>
    %dma_wait3A_54 = tpu.memref_squeeze %dma_wait3A_53 : memref<1x10000xi32, #tpu.memory_space<hbm>> -> memref<10000xi32, #tpu.memory_space<hbm>>
    %dma_wait3A_55 = arith.constant 0 : i32
    %dma_wait3A_56 = tpu.memref_slice %arg3[%add3A, %dma_wait3A_55] : memref<32x10000xi32, #tpu.memory_space<hbm>> -> memref<1x10000xi32, #tpu.memory_space<hbm>>
    %dma_wait3A_57 = tpu.memref_squeeze %dma_wait3A_56 : memref<1x10000xi32, #tpu.memory_space<hbm>> -> memref<10000xi32, #tpu.memory_space<hbm>>
    tpu.wait_dma2 semaphore(%arg11 : memref<!tpu.dma_semaphore, #tpu.memory_space<semaphore_mem>>) src(%dma_wait3A_57 : memref<10000xi32, #tpu.memory_space<hbm>>) dst(%arg6 : memref<10000xi32, #tpu.memory_space<vmem>>)
    %dma_wait3A_58 = arith.constant 0 : i32
    %dma_wait3A_59 = arith.constant 0 : i32
    %dma_wait3A_60 = tpu.memref_slice %arg4[%add3A, %dma_wait3A_58, %dma_wait3A_59] : memref<32x125x80xi32, #tpu.memory_space<hbm>> -> memref<1x125x80xi32, #tpu.memory_space<hbm>>
    %dma_wait3A_61 = tpu.memref_squeeze %dma_wait3A_60 : memref<1x125x80xi32, #tpu.memory_space<hbm>> -> memref<125x80xi32, #tpu.memory_space<hbm>>
    %dma_wait3A_62 = arith.constant 0 : i32
    %dma_wait3A_63 = arith.constant 0 : i32
    %dma_wait3A_64 = tpu.memref_slice %arg4[%add3A, %dma_wait3A_62, %dma_wait3A_63] : memref<32x125x80xi32, #tpu.memory_space<hbm>> -> memref<1x125x80xi32, #tpu.memory_space<hbm>>
    %dma_wait3A_65 = tpu.memref_squeeze %dma_wait3A_64 : memref<1x125x80xi32, #tpu.memory_space<hbm>> -> memref<125x80xi32, #tpu.memory_space<hbm>>
    tpu.wait_dma2 semaphore(%arg12 : memref<!tpu.dma_semaphore, #tpu.memory_space<semaphore_mem>>) src(%dma_wait3A_65 : memref<125x80xi32, #tpu.memory_space<hbm>>) dst(%arg7 : memref<125x80xi32, #tpu.memory_space<vmem>>)
    %barrier3A = arith.constant 0 : index
    tpu.barrier barrier_id(%barrier3A)
    %dma_start3A_66 = arith.constant 0 : i32
    %dma_start3A_67 = tpu.memref_slice %arg6[%dma_start3A_66] : memref<10000xi32, #tpu.memory_space<vmem>> -> memref<80xi32, #tpu.memory_space<vmem>>
    %dma_start3A_68 = arith.constant 0 : i32
    %dma_start3A_69 = arith.constant 0 : i32
    %dma_start3A_70 = tpu.memref_slice %arg2[%dma_start3A_68, %dma_start3A_69] : memref<10000x128xf32, #tpu.memory_space<hbm>> -> memref<10000x128xf32, #tpu.memory_space<hbm>>
    tpu.enqueue_indirect_dma source(%dma_start3A_70 : memref<10000x128xf32, #tpu.memory_space<hbm>>) target(%arg8 : memref<80x128xf32, #tpu.memory_space<vmem>>) offsets(%dma_start3A_67 : memref<80xi32, #tpu.memory_space<vmem>>) semaphore(%arg11 : memref<!tpu.dma_semaphore, #tpu.memory_space<semaphore_mem>>)
    %scan3A_71 = arith.constant 0 : i32
    %scan3A_72 = arith.constant 0 : i32
    %scan3A_73 = arith.constant 62 : i32
    %scan3A_74 = arith.addi %scan3A_72, %scan3A_73 : i32
    %scan3A_75 = arith.constant 1 : i32
    %scan3A_76 = scf.for %scan3A_88 = %scan3A_72 to %scan3A_74 step %scan3A_75 iter_args(%scan3A_89 = %scan3A_71) -> (i32)  : i32 {
      %mul3A_90 = arith.constant 2 : i32
      %mul3A_91 = arith.muli %mul3A_90, %scan3A_88 : i32
      %add3A_92 = arith.constant 1 : i32
      %add3A_93 = arith.addi %mul3A_91, %add3A_92 : i32
      %mul3A_94 = arith.constant 80 : i32
      %mul3A_95 = arith.muli %mul3A_91, %mul3A_94 : i32
      %dma_wait3A_96 = tpu.memref_slice %arg6[%mul3A_95] : memref<10000xi32, #tpu.memory_space<vmem>> -> memref<80xi32, #tpu.memory_space<vmem>>
      %dma_wait3A_97 = arith.constant 0 : i32
      %dma_wait3A_98 = arith.constant 0 : i32
      %dma_wait3A_99 = tpu.memref_slice %arg2[%dma_wait3A_97, %dma_wait3A_98] : memref<10000x128xf32, #tpu.memory_space<hbm>> -> memref<10000x128xf32, #tpu.memory_space<hbm>>
      tpu.wait_indirect_dma semaphore(%arg11 : memref<!tpu.dma_semaphore, #tpu.memory_space<semaphore_mem>>) src(%dma_wait3A_99 : memref<10000x128xf32, #tpu.memory_space<hbm>>) dst(%arg8 : memref<80x128xf32, #tpu.memory_space<vmem>>)
      %dma_start3A_100 = arith.constant 0 : i32
      %dma_start3A_101 = tpu.memref_slice %arg7[%mul3A_91, %dma_start3A_100] : memref<125x80xi32, #tpu.memory_space<vmem>> -> memref<1x80xi32, #tpu.memory_space<vmem>>
      %dma_start3A_102 = tpu.memref_squeeze %dma_start3A_101 : memref<1x80xi32, #tpu.memory_space<vmem>> -> memref<80xi32, #tpu.memory_space<vmem>>
      %dma_start3A_103 = arith.constant 0 : i32
      %dma_start3A_104 = arith.constant 0 : i32
      %dma_start3A_105 = tpu.memref_slice %arg10[%dma_start3A_103, %dma_start3A_104] : memref<10240x128xf32, #tpu.memory_space<vmem_shared>> -> memref<10240x128xf32, #tpu.memory_space<vmem_shared>>
      tpu.enqueue_indirect_dma source(%arg8 : memref<80x128xf32, #tpu.memory_space<vmem>>) target(%dma_start3A_105 : memref<10240x128xf32, #tpu.memory_space<vmem_shared>>) offsets(%dma_start3A_102 : memref<80xi32, #tpu.memory_space<vmem>>) semaphore(%arg13 : memref<!tpu.dma_semaphore, #tpu.memory_space<semaphore_mem>>) {add = true}
      %mul3A_106 = arith.constant 80 : i32
      %mul3A_107 = arith.muli %add3A_93, %mul3A_106 : i32
      %dma_start3A_108 = tpu.memref_slice %arg6[%mul3A_107] : memref<10000xi32, #tpu.memory_space<vmem>> -> memref<80xi32, #tpu.memory_space<vmem>>
      %dma_start3A_109 = arith.constant 0 : i32
      %dma_start3A_110 = arith.constant 0 : i32
      %dma_start3A_111 = tpu.memref_slice %arg2[%dma_start3A_109, %dma_start3A_110] : memref<10000x128xf32, #tpu.memory_space<hbm>> -> memref<10000x128xf32, #tpu.memory_space<hbm>>
      tpu.enqueue_indirect_dma source(%dma_start3A_111 : memref<10000x128xf32, #tpu.memory_space<hbm>>) target(%arg9 : memref<80x128xf32, #tpu.memory_space<vmem>>) offsets(%dma_start3A_108 : memref<80xi32, #tpu.memory_space<vmem>>) semaphore(%arg12 : memref<!tpu.dma_semaphore, #tpu.memory_space<semaphore_mem>>)
      %mul3A_112 = arith.constant 80 : i32
      %mul3A_113 = arith.muli %add3A_93, %mul3A_112 : i32
      %dma_wait3A_114 = tpu.memref_slice %arg6[%mul3A_113] : memref<10000xi32, #tpu.memory_space<vmem>> -> memref<80xi32, #tpu.memory_space<vmem>>
      %dma_wait3A_115 = arith.constant 0 : i32
      %dma_wait3A_116 = arith.constant 0 : i32
      %dma_wait3A_117 = tpu.memref_slice %arg2[%dma_wait3A_115, %dma_wait3A_116] : memref<10000x128xf32, #tpu.memory_space<hbm>> -> memref<10000x128xf32, #tpu.memory_space<hbm>>
      tpu.wait_indirect_dma semaphore(%arg12 : memref<!tpu.dma_semaphore, #tpu.memory_space<semaphore_mem>>) src(%dma_wait3A_117 : memref<10000x128xf32, #tpu.memory_space<hbm>>) dst(%arg9 : memref<80x128xf32, #tpu.memory_space<vmem>>)
      %dma_start3A_118 = arith.constant 0 : i32
      %dma_start3A_119 = tpu.memref_slice %arg7[%add3A_93, %dma_start3A_118] : memref<125x80xi32, #tpu.memory_space<vmem>> -> memref<1x80xi32, #tpu.memory_space<vmem>>
      %dma_start3A_120 = tpu.memref_squeeze %dma_start3A_119 : memref<1x80xi32, #tpu.memory_space<vmem>> -> memref<80xi32, #tpu.memory_space<vmem>>
      %dma_start3A_121 = arith.constant 0 : i32
      %dma_start3A_122 = arith.constant 0 : i32
      %dma_start3A_123 = tpu.memref_slice %arg10[%dma_start3A_121, %dma_start3A_122] : memref<10240x128xf32, #tpu.memory_space<vmem_shared>> -> memref<10240x128xf32, #tpu.memory_space<vmem_shared>>
      tpu.enqueue_indirect_dma source(%arg9 : memref<80x128xf32, #tpu.memory_space<vmem>>) target(%dma_start3A_123 : memref<10240x128xf32, #tpu.memory_space<vmem_shared>>) offsets(%dma_start3A_120 : memref<80xi32, #tpu.memory_space<vmem>>) semaphore(%arg14 : memref<!tpu.dma_semaphore, #tpu.memory_space<semaphore_mem>>) {add = true}
      %dma_wait3A_124 = arith.constant 0 : i32
      %dma_wait3A_125 = tpu.memref_slice %arg7[%mul3A_91, %dma_wait3A_124] : memref<125x80xi32, #tpu.memory_space<vmem>> -> memref<1x80xi32, #tpu.memory_space<vmem>>
      %dma_wait3A_126 = tpu.memref_squeeze %dma_wait3A_125 : memref<1x80xi32, #tpu.memory_space<vmem>> -> memref<80xi32, #tpu.memory_space<vmem>>
      %dma_wait3A_127 = arith.constant 0 : i32
      %dma_wait3A_128 = arith.constant 0 : i32
      %dma_wait3A_129 = tpu.memref_slice %arg10[%dma_wait3A_127, %dma_wait3A_128] : memref<10240x128xf32, #tpu.memory_space<vmem_shared>> -> memref<10240x128xf32, #tpu.memory_space<vmem_shared>>
      tpu.wait_indirect_dma semaphore(%arg13 : memref<!tpu.dma_semaphore, #tpu.memory_space<semaphore_mem>>) src(%arg8 : memref<80x128xf32, #tpu.memory_space<vmem>>) dst(%dma_wait3A_129 : memref<10240x128xf32, #tpu.memory_space<vmem_shared>>)
      %add3A_130 = arith.constant 2 : i32
      %add3A_131 = arith.addi %mul3A_91, %add3A_130 : i32
      %mul3A_132 = arith.constant 80 : i32
      %mul3A_133 = arith.muli %add3A_131, %mul3A_132 : i32
      %dma_start3A_134 = tpu.memref_slice %arg6[%mul3A_133] : memref<10000xi32, #tpu.memory_space<vmem>> -> memref<80xi32, #tpu.memory_space<vmem>>
      %dma_start3A_135 = arith.constant 0 : i32
      %dma_start3A_136 = arith.constant 0 : i32
      %dma_start3A_137 = tpu.memref_slice %arg2[%dma_start3A_135, %dma_start3A_136] : memref<10000x128xf32, #tpu.memory_space<hbm>> -> memref<10000x128xf32, #tpu.memory_space<hbm>>
      tpu.enqueue_indirect_dma source(%dma_start3A_137 : memref<10000x128xf32, #tpu.memory_space<hbm>>) target(%arg8 : memref<80x128xf32, #tpu.memory_space<vmem>>) offsets(%dma_start3A_134 : memref<80xi32, #tpu.memory_space<vmem>>) semaphore(%arg11 : memref<!tpu.dma_semaphore, #tpu.memory_space<semaphore_mem>>)
      %dma_wait3A_138 = arith.constant 0 : i32
      %dma_wait3A_139 = tpu.memref_slice %arg7[%add3A_93, %dma_wait3A_138] : memref<125x80xi32, #tpu.memory_space<vmem>> -> memref<1x80xi32, #tpu.memory_space<vmem>>
      %dma_wait3A_140 = tpu.memref_squeeze %dma_wait3A_139 : memref<1x80xi32, #tpu.memory_space<vmem>> -> memref<80xi32, #tpu.memory_space<vmem>>
      %dma_wait3A_141 = arith.constant 0 : i32
      %dma_wait3A_142 = arith.constant 0 : i32
      %dma_wait3A_143 = tpu.memref_slice %arg10[%dma_wait3A_141, %dma_wait3A_142] : memref<10240x128xf32, #tpu.memory_space<vmem_shared>> -> memref<10240x128xf32, #tpu.memory_space<vmem_shared>>
      tpu.wait_indirect_dma semaphore(%arg14 : memref<!tpu.dma_semaphore, #tpu.memory_space<semaphore_mem>>) src(%arg9 : memref<80x128xf32, #tpu.memory_space<vmem>>) dst(%dma_wait3A_143 : memref<10240x128xf32, #tpu.memory_space<vmem_shared>>)
      %scan3A_144 = arith.constant 0 : i32
      scf.yield %scan3A_144 : i32
    }
    %scan3A_77 = arith.constant 62 : i32
    %dma_wait3A_78 = arith.constant 9920 : i32
    %dma_wait3A_79 = tpu.memref_slice %arg6[%dma_wait3A_78] : memref<10000xi32, #tpu.memory_space<vmem>> -> memref<80xi32, #tpu.memory_space<vmem>>
    %dma_wait3A_80 = arith.constant 0 : i32
    %dma_wait3A_81 = arith.constant 0 : i32
    %dma_wait3A_82 = tpu.memref_slice %arg2[%dma_wait3A_80, %dma_wait3A_81] : memref<10000x128xf32, #tpu.memory_space<hbm>> -> memref<10000x128xf32, #tpu.memory_space<hbm>>
    tpu.wait_indirect_dma semaphore(%arg11 : memref<!tpu.dma_semaphore, #tpu.memory_space<semaphore_mem>>) src(%dma_wait3A_82 : memref<10000x128xf32, #tpu.memory_space<hbm>>) dst(%arg8 : memref<80x128xf32, #tpu.memory_space<vmem>>)
    %run_scoped3A = arith.constant 124 : i32
    "tpu.region"() ({
      %run_scoped3A_88 = tpu.sem_alloc : memref<!tpu.dma_semaphore, #tpu.memory_space<semaphore_mem>>
      %dma_start3A_89 = arith.constant 0 : i32
      %dma_start3A_90 = tpu.memref_slice %arg7[%run_scoped3A, %dma_start3A_89] : memref<125x80xi32, #tpu.memory_space<vmem>> -> memref<1x80xi32, #tpu.memory_space<vmem>>
      %dma_start3A_91 = tpu.memref_squeeze %dma_start3A_90 : memref<1x80xi32, #tpu.memory_space<vmem>> -> memref<80xi32, #tpu.memory_space<vmem>>
      %dma_start3A_92 = arith.constant 0 : i32
      %dma_start3A_93 = arith.constant 0 : i32
      %dma_start3A_94 = tpu.memref_slice %arg10[%dma_start3A_92, %dma_start3A_93] : memref<10240x128xf32, #tpu.memory_space<vmem_shared>> -> memref<10240x128xf32, #tpu.memory_space<vmem_shared>>
      tpu.enqueue_indirect_dma source(%arg8 : memref<80x128xf32, #tpu.memory_space<vmem>>) target(%dma_start3A_94 : memref<10240x128xf32, #tpu.memory_space<vmem_shared>>) offsets(%dma_start3A_91 : memref<80xi32, #tpu.memory_space<vmem>>) semaphore(%run_scoped3A_88 : memref<!tpu.dma_semaphore, #tpu.memory_space<semaphore_mem>>) {add = true}
      %dma_wait3A_95 = arith.constant 0 : i32
      %dma_wait3A_96 = tpu.memref_slice %arg7[%run_scoped3A, %dma_wait3A_95] : memref<125x80xi32, #tpu.memory_space<vmem>> -> memref<1x80xi32, #tpu.memory_space<vmem>>
      %dma_wait3A_97 = tpu.memref_squeeze %dma_wait3A_96 : memref<1x80xi32, #tpu.memory_space<vmem>> -> memref<80xi32, #tpu.memory_space<vmem>>
      %dma_wait3A_98 = arith.constant 0 : i32
      %dma_wait3A_99 = arith.constant 0 : i32
      %dma_wait3A_100 = tpu.memref_slice %arg10[%dma_wait3A_98, %dma_wait3A_99] : memref<10240x128xf32, #tpu.memory_space<vmem_shared>> -> memref<10240x128xf32, #tpu.memory_space<vmem_shared>>
      tpu.wait_indirect_dma semaphore(%run_scoped3A_88 : memref<!tpu.dma_semaphore, #tpu.memory_space<semaphore_mem>>) src(%arg8 : memref<80x128xf32, #tpu.memory_space<vmem>>) dst(%dma_wait3A_100 : memref<10240x128xf32, #tpu.memory_space<vmem_shared>>)
      tpu.yield
    }) : () -> ()
    %barrier3A_83 = arith.constant 0 : index
    tpu.barrier barrier_id(%barrier3A_83)
    %mul3A_84 = arith.constant 640 : i32
    %mul3A_85 = arith.muli %arg1, %mul3A_84 : i32
    %mul3A_86 = arith.constant 640 : i32
    %mul3A_87 = arith.muli %arg1, %mul3A_86 : i32
    "tpu.region"() ({
      %run_scoped3A_88 = tpu.sem_alloc : memref<!tpu.dma_semaphore, #tpu.memory_space<semaphore_mem>>
      %dma_start3A_89 = arith.constant 0 : i32
      %dma_start3A_90 = tpu.memref_slice %arg5[%arg0, %mul3A_87, %dma_start3A_89] : memref<2x10240x128xf32, #tpu.memory_space<hbm>> -> memref<1x640x128xf32, #tpu.memory_space<hbm>>
      %dma_start3A_91 = tpu.memref_squeeze %dma_start3A_90 : memref<1x640x128xf32, #tpu.memory_space<hbm>> -> memref<640x128xf32, #tpu.memory_space<hbm>>
      %dma_start3A_92 = arith.constant 0 : i32
      %dma_start3A_93 = tpu.memref_slice %arg10[%mul3A_85, %dma_start3A_92] : memref<10240x128xf32, #tpu.memory_space<vmem_shared>> -> memref<640x128xf32, #tpu.memory_space<vmem_shared>>
      tpu.enqueue_dma source(%dma_start3A_93 : memref<640x128xf32, #tpu.memory_space<vmem_shared>>) target(%dma_start3A_91 : memref<640x128xf32, #tpu.memory_space<hbm>>) target_semaphore(%run_scoped3A_88 : memref<!tpu.dma_semaphore, #tpu.memory_space<semaphore_mem>>)
      %dma_wait3A_94 = arith.constant 0 : i32
      %dma_wait3A_95 = tpu.memref_slice %arg5[%arg0, %mul3A_87, %dma_wait3A_94] : memref<2x10240x128xf32, #tpu.memory_space<hbm>> -> memref<1x640x128xf32, #tpu.memory_space<hbm>>
      %dma_wait3A_96 = tpu.memref_squeeze %dma_wait3A_95 : memref<1x640x128xf32, #tpu.memory_space<hbm>> -> memref<640x128xf32, #tpu.memory_space<hbm>>
      %dma_wait3A_97 = arith.constant 0 : i32
      %dma_wait3A_98 = tpu.memref_slice %arg10[%mul3A_85, %dma_wait3A_97] : memref<10240x128xf32, #tpu.memory_space<vmem_shared>> -> memref<640x128xf32, #tpu.memory_space<vmem_shared>>
      tpu.wait_dma2 semaphore(%run_scoped3A_88 : memref<!tpu.dma_semaphore, #tpu.memory_space<semaphore_mem>>) src(%dma_wait3A_98 : memref<640x128xf32, #tpu.memory_space<vmem_shared>>) dst(%dma_wait3A_96 : memref<640x128xf32, #tpu.memory_space<hbm>>)
      tpu.yield
    }) : () -> ()
    return
  }
}

#map = affine_map<(d0, d1) -> (0, 0)>
#map1 = affine_map<(d0, d1) -> (0, 0, 0)>
module attributes {stable_mosaic.version = 14 : i64} {
  func.func @_agg_body(%arg0: i32, %arg1: i32, %arg2: memref<10000x128xf32, #tpu.memory_space<hbm>>, %arg3: memref<32x10000xi32, #tpu.memory_space<hbm>>, %arg4: memref<32x125x80xi32, #tpu.memory_space<hbm>>, %arg5: memref<2x10240x128xf32, #tpu.memory_space<hbm>>, %arg6: memref<10000xi32, #tpu.memory_space<vmem>>, %arg7: memref<125x80xi32, #tpu.memory_space<vmem>>, %arg8: memref<80x128xf32, #tpu.memory_space<vmem>>, %arg9: memref<80x128xf32, #tpu.memory_space<vmem>>, %arg10: memref<10240x128xf32, #tpu.memory_space<vmem_shared>>, %arg11: memref<!tpu.dma_semaphore, #tpu.memory_space<semaphore_mem>>, %arg12: memref<!tpu.dma_semaphore, #tpu.memory_space<semaphore_mem>>, %arg13: memref<!tpu.dma_semaphore, #tpu.memory_space<semaphore_mem>>, %arg14: memref<!tpu.dma_semaphore, #tpu.memory_space<semaphore_mem>>) attributes {dimension_semantics = [#tpu.dimension_semantics<core_parallel>, #tpu.dimension_semantics<subcore_parallel>], iteration_bounds = array<i64: 2, 16>, scalar_prefetch = 0 : i64, scratch_operands = 9 : i64, tpu.core_type = #tpu.core_type<sc_vector_subcore>, window_params = [{transform_indices = #map}, {transform_indices = #map}, {transform_indices = #map1}, {transform_indices = #map1}]} {
    %mul3A = arith.constant 16 : i32
    %mul3A_0 = arith.muli %arg0, %mul3A : i32
    %add3A = arith.addi %mul3A_0, %arg1 : i32
    %dma_start3A = arith.constant 0 : i32
    %dma_start3A_1 = tpu.memref_slice %arg3[%add3A, %dma_start3A] : memref<32x10000xi32, #tpu.memory_space<hbm>> -> memref<1x10000xi32, #tpu.memory_space<hbm>>
    %dma_start3A_2 = tpu.memref_squeeze %dma_start3A_1 : memref<1x10000xi32, #tpu.memory_space<hbm>> -> memref<10000xi32, #tpu.memory_space<hbm>>
    %dma_start3A_3 = arith.constant 0 : i32
    %dma_start3A_4 = tpu.memref_slice %arg3[%add3A, %dma_start3A_3] : memref<32x10000xi32, #tpu.memory_space<hbm>> -> memref<1x10000xi32, #tpu.memory_space<hbm>>
    %dma_start3A_5 = tpu.memref_squeeze %dma_start3A_4 : memref<1x10000xi32, #tpu.memory_space<hbm>> -> memref<10000xi32, #tpu.memory_space<hbm>>
    tpu.enqueue_dma source(%dma_start3A_5 : memref<10000xi32, #tpu.memory_space<hbm>>) target(%arg6 : memref<10000xi32, #tpu.memory_space<vmem>>) target_semaphore(%arg11 : memref<!tpu.dma_semaphore, #tpu.memory_space<semaphore_mem>>)
    %dma_start3A_6 = arith.constant 0 : i32
    %dma_start3A_7 = arith.constant 0 : i32
    %dma_start3A_8 = tpu.memref_slice %arg4[%add3A, %dma_start3A_6, %dma_start3A_7] : memref<32x125x80xi32, #tpu.memory_space<hbm>> -> memref<1x125x80xi32, #tpu.memory_space<hbm>>
    %dma_start3A_9 = tpu.memref_squeeze %dma_start3A_8 : memref<1x125x80xi32, #tpu.memory_space<hbm>> -> memref<125x80xi32, #tpu.memory_space<hbm>>
    %dma_start3A_10 = arith.constant 0 : i32
    %dma_start3A_11 = arith.constant 0 : i32
    %dma_start3A_12 = tpu.memref_slice %arg4[%add3A, %dma_start3A_10, %dma_start3A_11] : memref<32x125x80xi32, #tpu.memory_space<hbm>> -> memref<1x125x80xi32, #tpu.memory_space<hbm>>
    %dma_start3A_13 = tpu.memref_squeeze %dma_start3A_12 : memref<1x125x80xi32, #tpu.memory_space<hbm>> -> memref<125x80xi32, #tpu.memory_space<hbm>>
    tpu.enqueue_dma source(%dma_start3A_13 : memref<125x80xi32, #tpu.memory_space<hbm>>) target(%arg7 : memref<125x80xi32, #tpu.memory_space<vmem>>) target_semaphore(%arg12 : memref<!tpu.dma_semaphore, #tpu.memory_space<semaphore_mem>>)
    %broadcast_in_dim3A = arith.constant 0.000000e+00 : f32
    %broadcast_in_dim3A_14 = vector.broadcast %broadcast_in_dim3A : f32 to vector<16xf32>
    %scan3A = arith.constant 0 : i32
    %scan3A_15 = arith.constant 0 : i32
    %scan3A_16 = arith.constant 640 : i32
    %scan3A_17 = arith.addi %scan3A_15, %scan3A_16 : i32
    %scan3A_18 = arith.constant 1 : i32
    %scan3A_19 = scf.for %scan3A_88 = %scan3A_15 to %scan3A_17 step %scan3A_18 iter_args(%scan3A_89 = %scan3A) -> (i32)  : i32 {
      %jit3A = arith.constant 8 : i32
      %div3A = arith.divsi %scan3A_88, %jit3A : i32
      %sign3A = arith.constant 0 : i32
      %sign3A_90 = arith.cmpi sgt, %scan3A_88, %sign3A : i32
      %sign3A_91 = arith.extui %sign3A_90 : i1 to i32
      %sign3A_92 = arith.constant 0 : i32
      %sign3A_93 = arith.cmpi slt, %scan3A_88, %sign3A_92 : i32
      %sign3A_94 = arith.extui %sign3A_93 : i1 to i32
      %sign3A_95 = arith.subi %sign3A_91, %sign3A_94 : i32
      %sign3A_96 = arith.constant 0 : i32
      %sign3A_97 = arith.cmpi sgt, %jit3A, %sign3A_96 : i32
      %sign3A_98 = arith.extui %sign3A_97 : i1 to i32
      %sign3A_99 = arith.constant 0 : i32
      %sign3A_100 = arith.cmpi slt, %jit3A, %sign3A_99 : i32
      %sign3A_101 = arith.extui %sign3A_100 : i1 to i32
      %sign3A_102 = arith.subi %sign3A_98, %sign3A_101 : i32
      %ne3A = arith.cmpi ne, %sign3A_95, %sign3A_102 : i32
      %rem3A = arith.remsi %scan3A_88, %jit3A : i32
      %ne3A_103 = arith.constant 0 : i32
      %ne3A_104 = arith.cmpi ne, %rem3A, %ne3A_103 : i32
      %and3A = arith.andi %ne3A, %ne3A_104 : i1
      %sub3A = arith.constant 1 : i32
      %sub3A_105 = arith.subi %div3A, %sub3A : i32
      %select_n3A = arith.select %and3A, %sub3A_105, %div3A : i32
      %jit3A_106 = arith.constant 8 : i32
      %eq3A = arith.constant 0 : i32
      %eq3A_107 = arith.cmpi eq, %jit3A_106, %eq3A : i32
      %jit3A_108 = arith.constant 1 : i32
      %select_n3A_109 = arith.select %eq3A_107, %jit3A_108, %jit3A_106 : i32
      %rem3A_110 = arith.remsi %scan3A_88, %select_n3A_109 : i32
      %ne3A_111 = arith.constant 0 : i32
      %ne3A_112 = arith.cmpi ne, %rem3A_110, %ne3A_111 : i32
      %lt3A = arith.constant 0 : i32
      %lt3A_113 = arith.cmpi slt, %rem3A_110, %lt3A : i32
      %lt3A_114 = arith.constant 0 : i32
      %lt3A_115 = arith.cmpi slt, %select_n3A_109, %lt3A_114 : i32
      %ne3A_116 = arith.xori %lt3A_113, %lt3A_115 : i1
      %and3A_117 = arith.andi %ne3A_116, %ne3A_112 : i1
      %add3A_118 = arith.addi %rem3A_110, %select_n3A_109 : i32
      %select_n3A_119 = arith.select %and3A_117, %add3A_118, %rem3A_110 : i32
      %mul3A_120 = arith.constant 16 : i32
      %mul3A_121 = arith.muli %select_n3A_119, %mul3A_120 : i32
      %swap3A = arith.index_cast %select_n3A : i32 to index
      %swap3A_122 = arith.index_cast %mul3A_121 : i32 to index
      %swap3A_123 = tpu.vector_load %arg8[%swap3A, %swap3A_122] {strides = array<i32>} : memref<80x128xf32, #tpu.memory_space<vmem>>, vector<1x16xf32>,
      %swap3A_124 = vector.shape_cast %swap3A_123 : vector<1x16xf32> to vector<16xf32>
      %swap3A_125 = vector.shape_cast %broadcast_in_dim3A_14 : vector<16xf32> to vector<1x16xf32>
      tpu.vector_store %arg8[%swap3A, %swap3A_122], %swap3A_125 {strides = array<i32>} : memref<80x128xf32, #tpu.memory_space<vmem>>, vector<1x16xf32>,
      %scan3A_126 = arith.constant 0 : i32
      scf.yield %scan3A_126 : i32
    }
    %scan3A_20 = arith.constant 640 : i32
    %mul3A_21 = arith.constant 640 : i32
    %mul3A_22 = arith.muli %arg1, %mul3A_21 : i32
    %add3A_23 = arith.constant 0 : i32
    %add3A_24 = arith.addi %mul3A_22, %add3A_23 : i32
    "tpu.region"() ({
      %run_scoped3A_88 = tpu.sem_alloc : memref<!tpu.dma_semaphore, #tpu.memory_space<semaphore_mem>>
      %dma_start3A_89 = arith.constant 0 : i32
      %dma_start3A_90 = tpu.memref_slice %arg10[%add3A_24, %dma_start3A_89] : memref<10240x128xf32, #tpu.memory_space<vmem_shared>> -> memref<80x128xf32, #tpu.memory_space<vmem_shared>>
      %dma_start3A_91 = arith.constant 0 : i32
      %dma_start3A_92 = tpu.memref_slice %arg10[%add3A_24, %dma_start3A_91] : memref<10240x128xf32, #tpu.memory_space<vmem_shared>> -> memref<80x128xf32, #tpu.memory_space<vmem_shared>>
      tpu.enqueue_dma source(%arg8 : memref<80x128xf32, #tpu.memory_space<vmem>>) target(%dma_start3A_92 : memref<80x128xf32, #tpu.memory_space<vmem_shared>>) target_semaphore(%run_scoped3A_88 : memref<!tpu.dma_semaphore, #tpu.memory_space<semaphore_mem>>)
      %dma_wait3A_93 = arith.constant 0 : i32
      %dma_wait3A_94 = tpu.memref_slice %arg10[%add3A_24, %dma_wait3A_93] : memref<10240x128xf32, #tpu.memory_space<vmem_shared>> -> memref<80x128xf32, #tpu.memory_space<vmem_shared>>
      %dma_wait3A_95 = arith.constant 0 : i32
      %dma_wait3A_96 = tpu.memref_slice %arg10[%add3A_24, %dma_wait3A_95] : memref<10240x128xf32, #tpu.memory_space<vmem_shared>> -> memref<80x128xf32, #tpu.memory_space<vmem_shared>>
      tpu.wait_dma2 semaphore(%run_scoped3A_88 : memref<!tpu.dma_semaphore, #tpu.memory_space<semaphore_mem>>) src(%arg8 : memref<80x128xf32, #tpu.memory_space<vmem>>) dst(%dma_wait3A_96 : memref<80x128xf32, #tpu.memory_space<vmem_shared>>)
      tpu.yield
    }) : () -> ()
    %mul3A_25 = arith.constant 640 : i32
    %mul3A_26 = arith.muli %arg1, %mul3A_25 : i32
    %add3A_27 = arith.constant 80 : i32
    %add3A_28 = arith.addi %mul3A_26, %add3A_27 : i32
    "tpu.region"() ({
      %run_scoped3A_88 = tpu.sem_alloc : memref<!tpu.dma_semaphore, #tpu.memory_space<semaphore_mem>>
      %dma_start3A_89 = arith.constant 0 : i32
      %dma_start3A_90 = tpu.memref_slice %arg10[%add3A_28, %dma_start3A_89] : memref<10240x128xf32, #tpu.memory_space<vmem_shared>> -> memref<80x128xf32, #tpu.memory_space<vmem_shared>>
      %dma_start3A_91 = arith.constant 0 : i32
      %dma_start3A_92 = tpu.memref_slice %arg10[%add3A_28, %dma_start3A_91] : memref<10240x128xf32, #tpu.memory_space<vmem_shared>> -> memref<80x128xf32, #tpu.memory_space<vmem_shared>>
      tpu.enqueue_dma source(%arg8 : memref<80x128xf32, #tpu.memory_space<vmem>>) target(%dma_start3A_92 : memref<80x128xf32, #tpu.memory_space<vmem_shared>>) target_semaphore(%run_scoped3A_88 : memref<!tpu.dma_semaphore, #tpu.memory_space<semaphore_mem>>)
      %dma_wait3A_93 = arith.constant 0 : i32
      %dma_wait3A_94 = tpu.memref_slice %arg10[%add3A_28, %dma_wait3A_93] : memref<10240x128xf32, #tpu.memory_space<vmem_shared>> -> memref<80x128xf32, #tpu.memory_space<vmem_shared>>
      %dma_wait3A_95 = arith.constant 0 : i32
      %dma_wait3A_96 = tpu.memref_slice %arg10[%add3A_28, %dma_wait3A_95] : memref<10240x128xf32, #tpu.memory_space<vmem_shared>> -> memref<80x128xf32, #tpu.memory_space<vmem_shared>>
      tpu.wait_dma2 semaphore(%run_scoped3A_88 : memref<!tpu.dma_semaphore, #tpu.memory_space<semaphore_mem>>) src(%arg8 : memref<80x128xf32, #tpu.memory_space<vmem>>) dst(%dma_wait3A_96 : memref<80x128xf32, #tpu.memory_space<vmem_shared>>)
      tpu.yield
    }) : () -> ()
    %mul3A_29 = arith.constant 640 : i32
    %mul3A_30 = arith.muli %arg1, %mul3A_29 : i32
    %add3A_31 = arith.constant 160 : i32
    %add3A_32 = arith.addi %mul3A_30, %add3A_31 : i32
    "tpu.region"() ({
      %run_scoped3A_88 = tpu.sem_alloc : memref<!tpu.dma_semaphore, #tpu.memory_space<semaphore_mem>>
      %dma_start3A_89 = arith.constant 0 : i32
      %dma_start3A_90 = tpu.memref_slice %arg10[%add3A_32, %dma_start3A_89] : memref<10240x128xf32, #tpu.memory_space<vmem_shared>> -> memref<80x128xf32, #tpu.memory_space<vmem_shared>>
      %dma_start3A_91 = arith.constant 0 : i32
      %dma_start3A_92 = tpu.memref_slice %arg10[%add3A_32, %dma_start3A_91] : memref<10240x128xf32, #tpu.memory_space<vmem_shared>> -> memref<80x128xf32, #tpu.memory_space<vmem_shared>>
      tpu.enqueue_dma source(%arg8 : memref<80x128xf32, #tpu.memory_space<vmem>>) target(%dma_start3A_92 : memref<80x128xf32, #tpu.memory_space<vmem_shared>>) target_semaphore(%run_scoped3A_88 : memref<!tpu.dma_semaphore, #tpu.memory_space<semaphore_mem>>)
      %dma_wait3A_93 = arith.constant 0 : i32
      %dma_wait3A_94 = tpu.memref_slice %arg10[%add3A_32, %dma_wait3A_93] : memref<10240x128xf32, #tpu.memory_space<vmem_shared>> -> memref<80x128xf32, #tpu.memory_space<vmem_shared>>
      %dma_wait3A_95 = arith.constant 0 : i32
      %dma_wait3A_96 = tpu.memref_slice %arg10[%add3A_32, %dma_wait3A_95] : memref<10240x128xf32, #tpu.memory_space<vmem_shared>> -> memref<80x128xf32, #tpu.memory_space<vmem_shared>>
      tpu.wait_dma2 semaphore(%run_scoped3A_88 : memref<!tpu.dma_semaphore, #tpu.memory_space<semaphore_mem>>) src(%arg8 : memref<80x128xf32, #tpu.memory_space<vmem>>) dst(%dma_wait3A_96 : memref<80x128xf32, #tpu.memory_space<vmem_shared>>)
      tpu.yield
    }) : () -> ()
    %mul3A_33 = arith.constant 640 : i32
    %mul3A_34 = arith.muli %arg1, %mul3A_33 : i32
    %add3A_35 = arith.constant 240 : i32
    %add3A_36 = arith.addi %mul3A_34, %add3A_35 : i32
    "tpu.region"() ({
      %run_scoped3A_88 = tpu.sem_alloc : memref<!tpu.dma_semaphore, #tpu.memory_space<semaphore_mem>>
      %dma_start3A_89 = arith.constant 0 : i32
      %dma_start3A_90 = tpu.memref_slice %arg10[%add3A_36, %dma_start3A_89] : memref<10240x128xf32, #tpu.memory_space<vmem_shared>> -> memref<80x128xf32, #tpu.memory_space<vmem_shared>>
      %dma_start3A_91 = arith.constant 0 : i32
      %dma_start3A_92 = tpu.memref_slice %arg10[%add3A_36, %dma_start3A_91] : memref<10240x128xf32, #tpu.memory_space<vmem_shared>> -> memref<80x128xf32, #tpu.memory_space<vmem_shared>>
      tpu.enqueue_dma source(%arg8 : memref<80x128xf32, #tpu.memory_space<vmem>>) target(%dma_start3A_92 : memref<80x128xf32, #tpu.memory_space<vmem_shared>>) target_semaphore(%run_scoped3A_88 : memref<!tpu.dma_semaphore, #tpu.memory_space<semaphore_mem>>)
      %dma_wait3A_93 = arith.constant 0 : i32
      %dma_wait3A_94 = tpu.memref_slice %arg10[%add3A_36, %dma_wait3A_93] : memref<10240x128xf32, #tpu.memory_space<vmem_shared>> -> memref<80x128xf32, #tpu.memory_space<vmem_shared>>
      %dma_wait3A_95 = arith.constant 0 : i32
      %dma_wait3A_96 = tpu.memref_slice %arg10[%add3A_36, %dma_wait3A_95] : memref<10240x128xf32, #tpu.memory_space<vmem_shared>> -> memref<80x128xf32, #tpu.memory_space<vmem_shared>>
      tpu.wait_dma2 semaphore(%run_scoped3A_88 : memref<!tpu.dma_semaphore, #tpu.memory_space<semaphore_mem>>) src(%arg8 : memref<80x128xf32, #tpu.memory_space<vmem>>) dst(%dma_wait3A_96 : memref<80x128xf32, #tpu.memory_space<vmem_shared>>)
      tpu.yield
    }) : () -> ()
    %mul3A_37 = arith.constant 640 : i32
    %mul3A_38 = arith.muli %arg1, %mul3A_37 : i32
    %add3A_39 = arith.constant 320 : i32
    %add3A_40 = arith.addi %mul3A_38, %add3A_39 : i32
    "tpu.region"() ({
      %run_scoped3A_88 = tpu.sem_alloc : memref<!tpu.dma_semaphore, #tpu.memory_space<semaphore_mem>>
      %dma_start3A_89 = arith.constant 0 : i32
      %dma_start3A_90 = tpu.memref_slice %arg10[%add3A_40, %dma_start3A_89] : memref<10240x128xf32, #tpu.memory_space<vmem_shared>> -> memref<80x128xf32, #tpu.memory_space<vmem_shared>>
      %dma_start3A_91 = arith.constant 0 : i32
      %dma_start3A_92 = tpu.memref_slice %arg10[%add3A_40, %dma_start3A_91] : memref<10240x128xf32, #tpu.memory_space<vmem_shared>> -> memref<80x128xf32, #tpu.memory_space<vmem_shared>>
      tpu.enqueue_dma source(%arg8 : memref<80x128xf32, #tpu.memory_space<vmem>>) target(%dma_start3A_92 : memref<80x128xf32, #tpu.memory_space<vmem_shared>>) target_semaphore(%run_scoped3A_88 : memref<!tpu.dma_semaphore, #tpu.memory_space<semaphore_mem>>)
      %dma_wait3A_93 = arith.constant 0 : i32
      %dma_wait3A_94 = tpu.memref_slice %arg10[%add3A_40, %dma_wait3A_93] : memref<10240x128xf32, #tpu.memory_space<vmem_shared>> -> memref<80x128xf32, #tpu.memory_space<vmem_shared>>
      %dma_wait3A_95 = arith.constant 0 : i32
      %dma_wait3A_96 = tpu.memref_slice %arg10[%add3A_40, %dma_wait3A_95] : memref<10240x128xf32, #tpu.memory_space<vmem_shared>> -> memref<80x128xf32, #tpu.memory_space<vmem_shared>>
      tpu.wait_dma2 semaphore(%run_scoped3A_88 : memref<!tpu.dma_semaphore, #tpu.memory_space<semaphore_mem>>) src(%arg8 : memref<80x128xf32, #tpu.memory_space<vmem>>) dst(%dma_wait3A_96 : memref<80x128xf32, #tpu.memory_space<vmem_shared>>)
      tpu.yield
    }) : () -> ()
    %mul3A_41 = arith.constant 640 : i32
    %mul3A_42 = arith.muli %arg1, %mul3A_41 : i32
    %add3A_43 = arith.constant 400 : i32
    %add3A_44 = arith.addi %mul3A_42, %add3A_43 : i32
    "tpu.region"() ({
      %run_scoped3A_88 = tpu.sem_alloc : memref<!tpu.dma_semaphore, #tpu.memory_space<semaphore_mem>>
      %dma_start3A_89 = arith.constant 0 : i32
      %dma_start3A_90 = tpu.memref_slice %arg10[%add3A_44, %dma_start3A_89] : memref<10240x128xf32, #tpu.memory_space<vmem_shared>> -> memref<80x128xf32, #tpu.memory_space<vmem_shared>>
      %dma_start3A_91 = arith.constant 0 : i32
      %dma_start3A_92 = tpu.memref_slice %arg10[%add3A_44, %dma_start3A_91] : memref<10240x128xf32, #tpu.memory_space<vmem_shared>> -> memref<80x128xf32, #tpu.memory_space<vmem_shared>>
      tpu.enqueue_dma source(%arg8 : memref<80x128xf32, #tpu.memory_space<vmem>>) target(%dma_start3A_92 : memref<80x128xf32, #tpu.memory_space<vmem_shared>>) target_semaphore(%run_scoped3A_88 : memref<!tpu.dma_semaphore, #tpu.memory_space<semaphore_mem>>)
      %dma_wait3A_93 = arith.constant 0 : i32
      %dma_wait3A_94 = tpu.memref_slice %arg10[%add3A_44, %dma_wait3A_93] : memref<10240x128xf32, #tpu.memory_space<vmem_shared>> -> memref<80x128xf32, #tpu.memory_space<vmem_shared>>
      %dma_wait3A_95 = arith.constant 0 : i32
      %dma_wait3A_96 = tpu.memref_slice %arg10[%add3A_44, %dma_wait3A_95] : memref<10240x128xf32, #tpu.memory_space<vmem_shared>> -> memref<80x128xf32, #tpu.memory_space<vmem_shared>>
      tpu.wait_dma2 semaphore(%run_scoped3A_88 : memref<!tpu.dma_semaphore, #tpu.memory_space<semaphore_mem>>) src(%arg8 : memref<80x128xf32, #tpu.memory_space<vmem>>) dst(%dma_wait3A_96 : memref<80x128xf32, #tpu.memory_space<vmem_shared>>)
      tpu.yield
    }) : () -> ()
    %mul3A_45 = arith.constant 640 : i32
    %mul3A_46 = arith.muli %arg1, %mul3A_45 : i32
    %add3A_47 = arith.constant 480 : i32
    %add3A_48 = arith.addi %mul3A_46, %add3A_47 : i32
    "tpu.region"() ({
      %run_scoped3A_88 = tpu.sem_alloc : memref<!tpu.dma_semaphore, #tpu.memory_space<semaphore_mem>>
      %dma_start3A_89 = arith.constant 0 : i32
      %dma_start3A_90 = tpu.memref_slice %arg10[%add3A_48, %dma_start3A_89] : memref<10240x128xf32, #tpu.memory_space<vmem_shared>> -> memref<80x128xf32, #tpu.memory_space<vmem_shared>>
      %dma_start3A_91 = arith.constant 0 : i32
      %dma_start3A_92 = tpu.memref_slice %arg10[%add3A_48, %dma_start3A_91] : memref<10240x128xf32, #tpu.memory_space<vmem_shared>> -> memref<80x128xf32, #tpu.memory_space<vmem_shared>>
      tpu.enqueue_dma source(%arg8 : memref<80x128xf32, #tpu.memory_space<vmem>>) target(%dma_start3A_92 : memref<80x128xf32, #tpu.memory_space<vmem_shared>>) target_semaphore(%run_scoped3A_88 : memref<!tpu.dma_semaphore, #tpu.memory_space<semaphore_mem>>)
      %dma_wait3A_93 = arith.constant 0 : i32
      %dma_wait3A_94 = tpu.memref_slice %arg10[%add3A_48, %dma_wait3A_93] : memref<10240x128xf32, #tpu.memory_space<vmem_shared>> -> memref<80x128xf32, #tpu.memory_space<vmem_shared>>
      %dma_wait3A_95 = arith.constant 0 : i32
      %dma_wait3A_96 = tpu.memref_slice %arg10[%add3A_48, %dma_wait3A_95] : memref<10240x128xf32, #tpu.memory_space<vmem_shared>> -> memref<80x128xf32, #tpu.memory_space<vmem_shared>>
      tpu.wait_dma2 semaphore(%run_scoped3A_88 : memref<!tpu.dma_semaphore, #tpu.memory_space<semaphore_mem>>) src(%arg8 : memref<80x128xf32, #tpu.memory_space<vmem>>) dst(%dma_wait3A_96 : memref<80x128xf32, #tpu.memory_space<vmem_shared>>)
      tpu.yield
    }) : () -> ()
    %mul3A_49 = arith.constant 640 : i32
    %mul3A_50 = arith.muli %arg1, %mul3A_49 : i32
    %add3A_51 = arith.constant 560 : i32
    %add3A_52 = arith.addi %mul3A_50, %add3A_51 : i32
    "tpu.region"() ({
      %run_scoped3A_88 = tpu.sem_alloc : memref<!tpu.dma_semaphore, #tpu.memory_space<semaphore_mem>>
      %dma_start3A_89 = arith.constant 0 : i32
      %dma_start3A_90 = tpu.memref_slice %arg10[%add3A_52, %dma_start3A_89] : memref<10240x128xf32, #tpu.memory_space<vmem_shared>> -> memref<80x128xf32, #tpu.memory_space<vmem_shared>>
      %dma_start3A_91 = arith.constant 0 : i32
      %dma_start3A_92 = tpu.memref_slice %arg10[%add3A_52, %dma_start3A_91] : memref<10240x128xf32, #tpu.memory_space<vmem_shared>> -> memref<80x128xf32, #tpu.memory_space<vmem_shared>>
      tpu.enqueue_dma source(%arg8 : memref<80x128xf32, #tpu.memory_space<vmem>>) target(%dma_start3A_92 : memref<80x128xf32, #tpu.memory_space<vmem_shared>>) target_semaphore(%run_scoped3A_88 : memref<!tpu.dma_semaphore, #tpu.memory_space<semaphore_mem>>)
      %dma_wait3A_93 = arith.constant 0 : i32
      %dma_wait3A_94 = tpu.memref_slice %arg10[%add3A_52, %dma_wait3A_93] : memref<10240x128xf32, #tpu.memory_space<vmem_shared>> -> memref<80x128xf32, #tpu.memory_space<vmem_shared>>
      %dma_wait3A_95 = arith.constant 0 : i32
      %dma_wait3A_96 = tpu.memref_slice %arg10[%add3A_52, %dma_wait3A_95] : memref<10240x128xf32, #tpu.memory_space<vmem_shared>> -> memref<80x128xf32, #tpu.memory_space<vmem_shared>>
      tpu.wait_dma2 semaphore(%run_scoped3A_88 : memref<!tpu.dma_semaphore, #tpu.memory_space<semaphore_mem>>) src(%arg8 : memref<80x128xf32, #tpu.memory_space<vmem>>) dst(%dma_wait3A_96 : memref<80x128xf32, #tpu.memory_space<vmem_shared>>)
      tpu.yield
    }) : () -> ()
    %dma_wait3A = arith.constant 0 : i32
    %dma_wait3A_53 = tpu.memref_slice %arg3[%add3A, %dma_wait3A] : memref<32x10000xi32, #tpu.memory_space<hbm>> -> memref<1x10000xi32, #tpu.memory_space<hbm>>
    %dma_wait3A_54 = tpu.memref_squeeze %dma_wait3A_53 : memref<1x10000xi32, #tpu.memory_space<hbm>> -> memref<10000xi32, #tpu.memory_space<hbm>>
    %dma_wait3A_55 = arith.constant 0 : i32
    %dma_wait3A_56 = tpu.memref_slice %arg3[%add3A, %dma_wait3A_55] : memref<32x10000xi32, #tpu.memory_space<hbm>> -> memref<1x10000xi32, #tpu.memory_space<hbm>>
    %dma_wait3A_57 = tpu.memref_squeeze %dma_wait3A_56 : memref<1x10000xi32, #tpu.memory_space<hbm>> -> memref<10000xi32, #tpu.memory_space<hbm>>
    tpu.wait_dma2 semaphore(%arg11 : memref<!tpu.dma_semaphore, #tpu.memory_space<semaphore_mem>>) src(%dma_wait3A_57 : memref<10000xi32, #tpu.memory_space<hbm>>) dst(%arg6 : memref<10000xi32, #tpu.memory_space<vmem>>)
    %dma_wait3A_58 = arith.constant 0 : i32
    %dma_wait3A_59 = arith.constant 0 : i32
    %dma_wait3A_60 = tpu.memref_slice %arg4[%add3A, %dma_wait3A_58, %dma_wait3A_59] : memref<32x125x80xi32, #tpu.memory_space<hbm>> -> memref<1x125x80xi32, #tpu.memory_space<hbm>>
    %dma_wait3A_61 = tpu.memref_squeeze %dma_wait3A_60 : memref<1x125x80xi32, #tpu.memory_space<hbm>> -> memref<125x80xi32, #tpu.memory_space<hbm>>
    %dma_wait3A_62 = arith.constant 0 : i32
    %dma_wait3A_63 = arith.constant 0 : i32
    %dma_wait3A_64 = tpu.memref_slice %arg4[%add3A, %dma_wait3A_62, %dma_wait3A_63] : memref<32x125x80xi32, #tpu.memory_space<hbm>> -> memref<1x125x80xi32, #tpu.memory_space<hbm>>
    %dma_wait3A_65 = tpu.memref_squeeze %dma_wait3A_64 : memref<1x125x80xi32, #tpu.memory_space<hbm>> -> memref<125x80xi32, #tpu.memory_space<hbm>>
    tpu.wait_dma2 semaphore(%arg12 : memref<!tpu.dma_semaphore, #tpu.memory_space<semaphore_mem>>) src(%dma_wait3A_65 : memref<125x80xi32, #tpu.memory_space<hbm>>) dst(%arg7 : memref<125x80xi32, #tpu.memory_space<vmem>>)
    %barrier3A = arith.constant 0 : index
    tpu.barrier barrier_id(%barrier3A)
    %dma_start3A_66 = arith.constant 0 : i32
    %dma_start3A_67 = tpu.memref_slice %arg6[%dma_start3A_66] : memref<10000xi32, #tpu.memory_space<vmem>> -> memref<80xi32, #tpu.memory_space<vmem>>
    %dma_start3A_68 = arith.constant 0 : i32
    %dma_start3A_69 = arith.constant 0 : i32
    %dma_start3A_70 = tpu.memref_slice %arg2[%dma_start3A_68, %dma_start3A_69] : memref<10000x128xf32, #tpu.memory_space<hbm>> -> memref<10000x128xf32, #tpu.memory_space<hbm>>
    tpu.enqueue_indirect_dma source(%dma_start3A_70 : memref<10000x128xf32, #tpu.memory_space<hbm>>) target(%arg8 : memref<80x128xf32, #tpu.memory_space<vmem>>) offsets(%dma_start3A_67 : memref<80xi32, #tpu.memory_space<vmem>>) semaphore(%arg11 : memref<!tpu.dma_semaphore, #tpu.memory_space<semaphore_mem>>)
    %scan3A_71 = arith.constant 0 : i32
    %scan3A_72 = arith.constant 0 : i32
    %scan3A_73 = arith.constant 62 : i32
    %scan3A_74 = arith.addi %scan3A_72, %scan3A_73 : i32
    %scan3A_75 = arith.constant 1 : i32
    %scan3A_76 = scf.for %scan3A_88 = %scan3A_72 to %scan3A_74 step %scan3A_75 iter_args(%scan3A_89 = %scan3A_71) -> (i32)  : i32 {
      %mul3A_90 = arith.constant 2 : i32
      %mul3A_91 = arith.muli %mul3A_90, %scan3A_88 : i32
      %add3A_92 = arith.constant 1 : i32
      %add3A_93 = arith.addi %mul3A_91, %add3A_92 : i32
      %mul3A_94 = arith.constant 80 : i32
      %mul3A_95 = arith.muli %mul3A_91, %mul3A_94 : i32
      %dma_wait3A_96 = tpu.memref_slice %arg6[%mul3A_95] : memref<10000xi32, #tpu.memory_space<vmem>> -> memref<80xi32, #tpu.memory_space<vmem>>
      %dma_wait3A_97 = arith.constant 0 : i32
      %dma_wait3A_98 = arith.constant 0 : i32
      %dma_wait3A_99 = tpu.memref_slice %arg2[%dma_wait3A_97, %dma_wait3A_98] : memref<10000x128xf32, #tpu.memory_space<hbm>> -> memref<10000x128xf32, #tpu.memory_space<hbm>>
      tpu.wait_indirect_dma semaphore(%arg11 : memref<!tpu.dma_semaphore, #tpu.memory_space<semaphore_mem>>) src(%dma_wait3A_99 : memref<10000x128xf32, #tpu.memory_space<hbm>>) dst(%arg8 : memref<80x128xf32, #tpu.memory_space<vmem>>)
      %dma_start3A_100 = arith.constant 0 : i32
      %dma_start3A_101 = tpu.memref_slice %arg7[%mul3A_91, %dma_start3A_100] : memref<125x80xi32, #tpu.memory_space<vmem>> -> memref<1x80xi32, #tpu.memory_space<vmem>>
      %dma_start3A_102 = tpu.memref_squeeze %dma_start3A_101 : memref<1x80xi32, #tpu.memory_space<vmem>> -> memref<80xi32, #tpu.memory_space<vmem>>
      %dma_start3A_103 = arith.constant 0 : i32
      %dma_start3A_104 = arith.constant 0 : i32
      %dma_start3A_105 = tpu.memref_slice %arg10[%dma_start3A_103, %dma_start3A_104] : memref<10240x128xf32, #tpu.memory_space<vmem_shared>> -> memref<10240x128xf32, #tpu.memory_space<vmem_shared>>
      tpu.enqueue_indirect_dma source(%arg8 : memref<80x128xf32, #tpu.memory_space<vmem>>) target(%dma_start3A_105 : memref<10240x128xf32, #tpu.memory_space<vmem_shared>>) offsets(%dma_start3A_102 : memref<80xi32, #tpu.memory_space<vmem>>) semaphore(%arg13 : memref<!tpu.dma_semaphore, #tpu.memory_space<semaphore_mem>>) {add = true}
      %mul3A_106 = arith.constant 80 : i32
      %mul3A_107 = arith.muli %add3A_93, %mul3A_106 : i32
      %dma_start3A_108 = tpu.memref_slice %arg6[%mul3A_107] : memref<10000xi32, #tpu.memory_space<vmem>> -> memref<80xi32, #tpu.memory_space<vmem>>
      %dma_start3A_109 = arith.constant 0 : i32
      %dma_start3A_110 = arith.constant 0 : i32
      %dma_start3A_111 = tpu.memref_slice %arg2[%dma_start3A_109, %dma_start3A_110] : memref<10000x128xf32, #tpu.memory_space<hbm>> -> memref<10000x128xf32, #tpu.memory_space<hbm>>
      tpu.enqueue_indirect_dma source(%dma_start3A_111 : memref<10000x128xf32, #tpu.memory_space<hbm>>) target(%arg9 : memref<80x128xf32, #tpu.memory_space<vmem>>) offsets(%dma_start3A_108 : memref<80xi32, #tpu.memory_space<vmem>>) semaphore(%arg12 : memref<!tpu.dma_semaphore, #tpu.memory_space<semaphore_mem>>)
      %mul3A_112 = arith.constant 80 : i32
      %mul3A_113 = arith.muli %add3A_93, %mul3A_112 : i32
      %dma_wait3A_114 = tpu.memref_slice %arg6[%mul3A_113] : memref<10000xi32, #tpu.memory_space<vmem>> -> memref<80xi32, #tpu.memory_space<vmem>>
      %dma_wait3A_115 = arith.constant 0 : i32
      %dma_wait3A_116 = arith.constant 0 : i32
      %dma_wait3A_117 = tpu.memref_slice %arg2[%dma_wait3A_115, %dma_wait3A_116] : memref<10000x128xf32, #tpu.memory_space<hbm>> -> memref<10000x128xf32, #tpu.memory_space<hbm>>
      tpu.wait_indirect_dma semaphore(%arg12 : memref<!tpu.dma_semaphore, #tpu.memory_space<semaphore_mem>>) src(%dma_wait3A_117 : memref<10000x128xf32, #tpu.memory_space<hbm>>) dst(%arg9 : memref<80x128xf32, #tpu.memory_space<vmem>>)
      %dma_start3A_118 = arith.constant 0 : i32
      %dma_start3A_119 = tpu.memref_slice %arg7[%add3A_93, %dma_start3A_118] : memref<125x80xi32, #tpu.memory_space<vmem>> -> memref<1x80xi32, #tpu.memory_space<vmem>>
      %dma_start3A_120 = tpu.memref_squeeze %dma_start3A_119 : memref<1x80xi32, #tpu.memory_space<vmem>> -> memref<80xi32, #tpu.memory_space<vmem>>
      %dma_start3A_121 = arith.constant 0 : i32
      %dma_start3A_122 = arith.constant 0 : i32
      %dma_start3A_123 = tpu.memref_slice %arg10[%dma_start3A_121, %dma_start3A_122] : memref<10240x128xf32, #tpu.memory_space<vmem_shared>> -> memref<10240x128xf32, #tpu.memory_space<vmem_shared>>
      tpu.enqueue_indirect_dma source(%arg9 : memref<80x128xf32, #tpu.memory_space<vmem>>) target(%dma_start3A_123 : memref<10240x128xf32, #tpu.memory_space<vmem_shared>>) offsets(%dma_start3A_120 : memref<80xi32, #tpu.memory_space<vmem>>) semaphore(%arg14 : memref<!tpu.dma_semaphore, #tpu.memory_space<semaphore_mem>>) {add = true}
      %dma_wait3A_124 = arith.constant 0 : i32
      %dma_wait3A_125 = tpu.memref_slice %arg7[%mul3A_91, %dma_wait3A_124] : memref<125x80xi32, #tpu.memory_space<vmem>> -> memref<1x80xi32, #tpu.memory_space<vmem>>
      %dma_wait3A_126 = tpu.memref_squeeze %dma_wait3A_125 : memref<1x80xi32, #tpu.memory_space<vmem>> -> memref<80xi32, #tpu.memory_space<vmem>>
      %dma_wait3A_127 = arith.constant 0 : i32
      %dma_wait3A_128 = arith.constant 0 : i32
      %dma_wait3A_129 = tpu.memref_slice %arg10[%dma_wait3A_127, %dma_wait3A_128] : memref<10240x128xf32, #tpu.memory_space<vmem_shared>> -> memref<10240x128xf32, #tpu.memory_space<vmem_shared>>
      tpu.wait_indirect_dma semaphore(%arg13 : memref<!tpu.dma_semaphore, #tpu.memory_space<semaphore_mem>>) src(%arg8 : memref<80x128xf32, #tpu.memory_space<vmem>>) dst(%dma_wait3A_129 : memref<10240x128xf32, #tpu.memory_space<vmem_shared>>)
      %add3A_130 = arith.constant 2 : i32
      %add3A_131 = arith.addi %mul3A_91, %add3A_130 : i32
      %mul3A_132 = arith.constant 80 : i32
      %mul3A_133 = arith.muli %add3A_131, %mul3A_132 : i32
      %dma_start3A_134 = tpu.memref_slice %arg6[%mul3A_133] : memref<10000xi32, #tpu.memory_space<vmem>> -> memref<80xi32, #tpu.memory_space<vmem>>
      %dma_start3A_135 = arith.constant 0 : i32
      %dma_start3A_136 = arith.constant 0 : i32
      %dma_start3A_137 = tpu.memref_slice %arg2[%dma_start3A_135, %dma_start3A_136] : memref<10000x128xf32, #tpu.memory_space<hbm>> -> memref<10000x128xf32, #tpu.memory_space<hbm>>
      tpu.enqueue_indirect_dma source(%dma_start3A_137 : memref<10000x128xf32, #tpu.memory_space<hbm>>) target(%arg8 : memref<80x128xf32, #tpu.memory_space<vmem>>) offsets(%dma_start3A_134 : memref<80xi32, #tpu.memory_space<vmem>>) semaphore(%arg11 : memref<!tpu.dma_semaphore, #tpu.memory_space<semaphore_mem>>)
      %dma_wait3A_138 = arith.constant 0 : i32
      %dma_wait3A_139 = tpu.memref_slice %arg7[%add3A_93, %dma_wait3A_138] : memref<125x80xi32, #tpu.memory_space<vmem>> -> memref<1x80xi32, #tpu.memory_space<vmem>>
      %dma_wait3A_140 = tpu.memref_squeeze %dma_wait3A_139 : memref<1x80xi32, #tpu.memory_space<vmem>> -> memref<80xi32, #tpu.memory_space<vmem>>
      %dma_wait3A_141 = arith.constant 0 : i32
      %dma_wait3A_142 = arith.constant 0 : i32
      %dma_wait3A_143 = tpu.memref_slice %arg10[%dma_wait3A_141, %dma_wait3A_142] : memref<10240x128xf32, #tpu.memory_space<vmem_shared>> -> memref<10240x128xf32, #tpu.memory_space<vmem_shared>>
      tpu.wait_indirect_dma semaphore(%arg14 : memref<!tpu.dma_semaphore, #tpu.memory_space<semaphore_mem>>) src(%arg9 : memref<80x128xf32, #tpu.memory_space<vmem>>) dst(%dma_wait3A_143 : memref<10240x128xf32, #tpu.memory_space<vmem_shared>>)
      %scan3A_144 = arith.constant 0 : i32
      scf.yield %scan3A_144 : i32
    }
    %scan3A_77 = arith.constant 62 : i32
    %dma_wait3A_78 = arith.constant 9920 : i32
    %dma_wait3A_79 = tpu.memref_slice %arg6[%dma_wait3A_78] : memref<10000xi32, #tpu.memory_space<vmem>> -> memref<80xi32, #tpu.memory_space<vmem>>
    %dma_wait3A_80 = arith.constant 0 : i32
    %dma_wait3A_81 = arith.constant 0 : i32
    %dma_wait3A_82 = tpu.memref_slice %arg2[%dma_wait3A_80, %dma_wait3A_81] : memref<10000x128xf32, #tpu.memory_space<hbm>> -> memref<10000x128xf32, #tpu.memory_space<hbm>>
    tpu.wait_indirect_dma semaphore(%arg11 : memref<!tpu.dma_semaphore, #tpu.memory_space<semaphore_mem>>) src(%dma_wait3A_82 : memref<10000x128xf32, #tpu.memory_space<hbm>>) dst(%arg8 : memref<80x128xf32, #tpu.memory_space<vmem>>)
    %run_scoped3A = arith.constant 124 : i32
    "tpu.region"() ({
      %run_scoped3A_88 = tpu.sem_alloc : memref<!tpu.dma_semaphore, #tpu.memory_space<semaphore_mem>>
      %dma_start3A_89 = arith.constant 0 : i32
      %dma_start3A_90 = tpu.memref_slice %arg7[%run_scoped3A, %dma_start3A_89] : memref<125x80xi32, #tpu.memory_space<vmem>> -> memref<1x80xi32, #tpu.memory_space<vmem>>
      %dma_start3A_91 = tpu.memref_squeeze %dma_start3A_90 : memref<1x80xi32, #tpu.memory_space<vmem>> -> memref<80xi32, #tpu.memory_space<vmem>>
      %dma_start3A_92 = arith.constant 0 : i32
      %dma_start3A_93 = arith.constant 0 : i32
      %dma_start3A_94 = tpu.memref_slice %arg10[%dma_start3A_92, %dma_start3A_93] : memref<10240x128xf32, #tpu.memory_space<vmem_shared>> -> memref<10240x128xf32, #tpu.memory_space<vmem_shared>>
      tpu.enqueue_indirect_dma source(%arg8 : memref<80x128xf32, #tpu.memory_space<vmem>>) target(%dma_start3A_94 : memref<10240x128xf32, #tpu.memory_space<vmem_shared>>) offsets(%dma_start3A_91 : memref<80xi32, #tpu.memory_space<vmem>>) semaphore(%run_scoped3A_88 : memref<!tpu.dma_semaphore, #tpu.memory_space<semaphore_mem>>) {add = true}
      %dma_wait3A_95 = arith.constant 0 : i32
      %dma_wait3A_96 = tpu.memref_slice %arg7[%run_scoped3A, %dma_wait3A_95] : memref<125x80xi32, #tpu.memory_space<vmem>> -> memref<1x80xi32, #tpu.memory_space<vmem>>
      %dma_wait3A_97 = tpu.memref_squeeze %dma_wait3A_96 : memref<1x80xi32, #tpu.memory_space<vmem>> -> memref<80xi32, #tpu.memory_space<vmem>>
      %dma_wait3A_98 = arith.constant 0 : i32
      %dma_wait3A_99 = arith.constant 0 : i32
      %dma_wait3A_100 = tpu.memref_slice %arg10[%dma_wait3A_98, %dma_wait3A_99] : memref<10240x128xf32, #tpu.memory_space<vmem_shared>> -> memref<10240x128xf32, #tpu.memory_space<vmem_shared>>
      tpu.wait_indirect_dma semaphore(%run_scoped3A_88 : memref<!tpu.dma_semaphore, #tpu.memory_space<semaphore_mem>>) src(%arg8 : memref<80x128xf32, #tpu.memory_space<vmem>>) dst(%dma_wait3A_100 : memref<10240x128xf32, #tpu.memory_space<vmem_shared>>)
      tpu.yield
    }) : () -> ()
    %barrier3A_83 = arith.constant 0 : index
    tpu.barrier barrier_id(%barrier3A_83)
    %mul3A_84 = arith.constant 640 : i32
    %mul3A_85 = arith.muli %arg1, %mul3A_84 : i32
    %mul3A_86 = arith.constant 640 : i32
    %mul3A_87 = arith.muli %arg1, %mul3A_86 : i32
    "tpu.region"() ({
      %run_scoped3A_88 = tpu.sem_alloc : memref<!tpu.dma_semaphore, #tpu.memory_space<semaphore_mem>>
      %dma_start3A_89 = arith.constant 0 : i32
      %dma_start3A_90 = tpu.memref_slice %arg5[%arg0, %mul3A_87, %dma_start3A_89] : memref<2x10240x128xf32, #tpu.memory_space<hbm>> -> memref<1x640x128xf32, #tpu.memory_space<hbm>>
      %dma_start3A_91 = tpu.memref_squeeze %dma_start3A_90 : memref<1x640x128xf32, #tpu.memory_space<hbm>> -> memref<640x128xf32, #tpu.memory_space<hbm>>
      %dma_start3A_92 = arith.constant 0 : i32
      %dma_start3A_93 = tpu.memref_slice %arg10[%mul3A_85, %dma_start3A_92] : memref<10240x128xf32, #tpu.memory_space<vmem_shared>> -> memref<640x128xf32, #tpu.memory_space<vmem_shared>>
      tpu.enqueue_dma source(%dma_start3A_93 : memref<640x128xf32, #tpu.memory_space<vmem_shared>>) target(%dma_start3A_91 : memref<640x128xf32, #tpu.memory_space<hbm>>) target_semaphore(%run_scoped3A_88 : memref<!tpu.dma_semaphore, #tpu.memory_space<semaphore_mem>>)
      %dma_wait3A_94 = arith.constant 0 : i32
      %dma_wait3A_95 = tpu.memref_slice %arg5[%arg0, %mul3A_87, %dma_wait3A_94] : memref<2x10240x128xf32, #tpu.memory_space<hbm>> -> memref<1x640x128xf32, #tpu.memory_space<hbm>>
      %dma_wait3A_96 = tpu.memref_squeeze %dma_wait3A_95 : memref<1x640x128xf32, #tpu.memory_space<hbm>> -> memref<640x128xf32, #tpu.memory_space<hbm>>
      %dma_wait3A_97 = arith.constant 0 : i32
      %dma_wait3A_98 = tpu.memref_slice %arg10[%mul3A_85, %dma_wait3A_97] : memref<10240x128xf32, #tpu.memory_space<vmem_shared>> -> memref<640x128xf32, #tpu.memory_space<vmem_shared>>
      tpu.wait_dma2 semaphore(%run_scoped3A_88 : memref<!tpu.dma_semaphore, #tpu.memory_space<semaphore_mem>>) src(%dma_wait3A_98 : memref<640x128xf32, #tpu.memory_space<vmem_shared>>) dst(%dma_wait3A_96 : memref<640x128xf32, #tpu.memory_space<hbm>>)
      tpu.yield
    }) : () -> ()
    return
  }
}

#map = affine_map<(d0, d1) -> (0, 0)>
#map1 = affine_map<(d0, d1) -> (0, 0, 0)>
module attributes {stable_mosaic.version = 14 : i64} {
  func.func @_agg_body(%arg0: i32, %arg1: i32, %arg2: memref<10000x128xf32, #tpu.memory_space<hbm>>, %arg3: memref<32x10000xi32, #tpu.memory_space<hbm>>, %arg4: memref<32x125x80xi32, #tpu.memory_space<hbm>>, %arg5: memref<2x10240x128xf32, #tpu.memory_space<hbm>>, %arg6: memref<10000xi32, #tpu.memory_space<vmem>>, %arg7: memref<125x80xi32, #tpu.memory_space<vmem>>, %arg8: memref<80x128xf32, #tpu.memory_space<vmem>>, %arg9: memref<80x128xf32, #tpu.memory_space<vmem>>, %arg10: memref<10240x128xf32, #tpu.memory_space<vmem_shared>>, %arg11: memref<!tpu.dma_semaphore, #tpu.memory_space<semaphore_mem>>, %arg12: memref<!tpu.dma_semaphore, #tpu.memory_space<semaphore_mem>>, %arg13: memref<!tpu.dma_semaphore, #tpu.memory_space<semaphore_mem>>, %arg14: memref<!tpu.dma_semaphore, #tpu.memory_space<semaphore_mem>>) attributes {dimension_semantics = [#tpu.dimension_semantics<core_parallel>, #tpu.dimension_semantics<subcore_parallel>], iteration_bounds = array<i64: 2, 16>, scalar_prefetch = 0 : i64, scratch_operands = 9 : i64, tpu.core_type = #tpu.core_type<sc_vector_subcore>, window_params = [{transform_indices = #map}, {transform_indices = #map}, {transform_indices = #map1}, {transform_indices = #map1}]} {
    %mul3A = arith.constant 16 : i32
    %mul3A_0 = arith.muli %arg0, %mul3A : i32
    %add3A = arith.addi %mul3A_0, %arg1 : i32
    %dma_start3A = arith.constant 0 : i32
    %dma_start3A_1 = tpu.memref_slice %arg3[%add3A, %dma_start3A] : memref<32x10000xi32, #tpu.memory_space<hbm>> -> memref<1x10000xi32, #tpu.memory_space<hbm>>
    %dma_start3A_2 = tpu.memref_squeeze %dma_start3A_1 : memref<1x10000xi32, #tpu.memory_space<hbm>> -> memref<10000xi32, #tpu.memory_space<hbm>>
    %dma_start3A_3 = arith.constant 0 : i32
    %dma_start3A_4 = tpu.memref_slice %arg3[%add3A, %dma_start3A_3] : memref<32x10000xi32, #tpu.memory_space<hbm>> -> memref<1x10000xi32, #tpu.memory_space<hbm>>
    %dma_start3A_5 = tpu.memref_squeeze %dma_start3A_4 : memref<1x10000xi32, #tpu.memory_space<hbm>> -> memref<10000xi32, #tpu.memory_space<hbm>>
    tpu.enqueue_dma source(%dma_start3A_5 : memref<10000xi32, #tpu.memory_space<hbm>>) target(%arg6 : memref<10000xi32, #tpu.memory_space<vmem>>) target_semaphore(%arg11 : memref<!tpu.dma_semaphore, #tpu.memory_space<semaphore_mem>>)
    %dma_start3A_6 = arith.constant 0 : i32
    %dma_start3A_7 = arith.constant 0 : i32
    %dma_start3A_8 = tpu.memref_slice %arg4[%add3A, %dma_start3A_6, %dma_start3A_7] : memref<32x125x80xi32, #tpu.memory_space<hbm>> -> memref<1x125x80xi32, #tpu.memory_space<hbm>>
    %dma_start3A_9 = tpu.memref_squeeze %dma_start3A_8 : memref<1x125x80xi32, #tpu.memory_space<hbm>> -> memref<125x80xi32, #tpu.memory_space<hbm>>
    %dma_start3A_10 = arith.constant 0 : i32
    %dma_start3A_11 = arith.constant 0 : i32
    %dma_start3A_12 = tpu.memref_slice %arg4[%add3A, %dma_start3A_10, %dma_start3A_11] : memref<32x125x80xi32, #tpu.memory_space<hbm>> -> memref<1x125x80xi32, #tpu.memory_space<hbm>>
    %dma_start3A_13 = tpu.memref_squeeze %dma_start3A_12 : memref<1x125x80xi32, #tpu.memory_space<hbm>> -> memref<125x80xi32, #tpu.memory_space<hbm>>
    tpu.enqueue_dma source(%dma_start3A_13 : memref<125x80xi32, #tpu.memory_space<hbm>>) target(%arg7 : memref<125x80xi32, #tpu.memory_space<vmem>>) target_semaphore(%arg12 : memref<!tpu.dma_semaphore, #tpu.memory_space<semaphore_mem>>)
    %broadcast_in_dim3A = arith.constant 0.000000e+00 : f32
    %broadcast_in_dim3A_14 = vector.broadcast %broadcast_in_dim3A : f32 to vector<16xf32>
    %scan3A = arith.constant 0 : i32
    %scan3A_15 = arith.constant 0 : i32
    %scan3A_16 = arith.constant 640 : i32
    %scan3A_17 = arith.addi %scan3A_15, %scan3A_16 : i32
    %scan3A_18 = arith.constant 1 : i32
    %scan3A_19 = scf.for %scan3A_88 = %scan3A_15 to %scan3A_17 step %scan3A_18 iter_args(%scan3A_89 = %scan3A) -> (i32)  : i32 {
      %jit3A = arith.constant 8 : i32
      %div3A = arith.divsi %scan3A_88, %jit3A : i32
      %sign3A = arith.constant 0 : i32
      %sign3A_90 = arith.cmpi sgt, %scan3A_88, %sign3A : i32
      %sign3A_91 = arith.extui %sign3A_90 : i1 to i32
      %sign3A_92 = arith.constant 0 : i32
      %sign3A_93 = arith.cmpi slt, %scan3A_88, %sign3A_92 : i32
      %sign3A_94 = arith.extui %sign3A_93 : i1 to i32
      %sign3A_95 = arith.subi %sign3A_91, %sign3A_94 : i32
      %sign3A_96 = arith.constant 0 : i32
      %sign3A_97 = arith.cmpi sgt, %jit3A, %sign3A_96 : i32
      %sign3A_98 = arith.extui %sign3A_97 : i1 to i32
      %sign3A_99 = arith.constant 0 : i32
      %sign3A_100 = arith.cmpi slt, %jit3A, %sign3A_99 : i32
      %sign3A_101 = arith.extui %sign3A_100 : i1 to i32
      %sign3A_102 = arith.subi %sign3A_98, %sign3A_101 : i32
      %ne3A = arith.cmpi ne, %sign3A_95, %sign3A_102 : i32
      %rem3A = arith.remsi %scan3A_88, %jit3A : i32
      %ne3A_103 = arith.constant 0 : i32
      %ne3A_104 = arith.cmpi ne, %rem3A, %ne3A_103 : i32
      %and3A = arith.andi %ne3A, %ne3A_104 : i1
      %sub3A = arith.constant 1 : i32
      %sub3A_105 = arith.subi %div3A, %sub3A : i32
      %select_n3A = arith.select %and3A, %sub3A_105, %div3A : i32
      %jit3A_106 = arith.constant 8 : i32
      %eq3A = arith.constant 0 : i32
      %eq3A_107 = arith.cmpi eq, %jit3A_106, %eq3A : i32
      %jit3A_108 = arith.constant 1 : i32
      %select_n3A_109 = arith.select %eq3A_107, %jit3A_108, %jit3A_106 : i32
      %rem3A_110 = arith.remsi %scan3A_88, %select_n3A_109 : i32
      %ne3A_111 = arith.constant 0 : i32
      %ne3A_112 = arith.cmpi ne, %rem3A_110, %ne3A_111 : i32
      %lt3A = arith.constant 0 : i32
      %lt3A_113 = arith.cmpi slt, %rem3A_110, %lt3A : i32
      %lt3A_114 = arith.constant 0 : i32
      %lt3A_115 = arith.cmpi slt, %select_n3A_109, %lt3A_114 : i32
      %ne3A_116 = arith.xori %lt3A_113, %lt3A_115 : i1
      %and3A_117 = arith.andi %ne3A_116, %ne3A_112 : i1
      %add3A_118 = arith.addi %rem3A_110, %select_n3A_109 : i32
      %select_n3A_119 = arith.select %and3A_117, %add3A_118, %rem3A_110 : i32
      %mul3A_120 = arith.constant 16 : i32
      %mul3A_121 = arith.muli %select_n3A_119, %mul3A_120 : i32
      %swap3A = arith.index_cast %select_n3A : i32 to index
      %swap3A_122 = arith.index_cast %mul3A_121 : i32 to index
      %swap3A_123 = tpu.vector_load %arg8[%swap3A, %swap3A_122] {strides = array<i32>} : memref<80x128xf32, #tpu.memory_space<vmem>>, vector<1x16xf32>,
      %swap3A_124 = vector.shape_cast %swap3A_123 : vector<1x16xf32> to vector<16xf32>
      %swap3A_125 = vector.shape_cast %broadcast_in_dim3A_14 : vector<16xf32> to vector<1x16xf32>
      tpu.vector_store %arg8[%swap3A, %swap3A_122], %swap3A_125 {strides = array<i32>} : memref<80x128xf32, #tpu.memory_space<vmem>>, vector<1x16xf32>,
      %scan3A_126 = arith.constant 0 : i32
      scf.yield %scan3A_126 : i32
    }
    %scan3A_20 = arith.constant 640 : i32
    %mul3A_21 = arith.constant 640 : i32
    %mul3A_22 = arith.muli %arg1, %mul3A_21 : i32
    %add3A_23 = arith.constant 0 : i32
    %add3A_24 = arith.addi %mul3A_22, %add3A_23 : i32
    "tpu.region"() ({
      %run_scoped3A_88 = tpu.sem_alloc : memref<!tpu.dma_semaphore, #tpu.memory_space<semaphore_mem>>
      %dma_start3A_89 = arith.constant 0 : i32
      %dma_start3A_90 = tpu.memref_slice %arg10[%add3A_24, %dma_start3A_89] : memref<10240x128xf32, #tpu.memory_space<vmem_shared>> -> memref<80x128xf32, #tpu.memory_space<vmem_shared>>
      %dma_start3A_91 = arith.constant 0 : i32
      %dma_start3A_92 = tpu.memref_slice %arg10[%add3A_24, %dma_start3A_91] : memref<10240x128xf32, #tpu.memory_space<vmem_shared>> -> memref<80x128xf32, #tpu.memory_space<vmem_shared>>
      tpu.enqueue_dma source(%arg8 : memref<80x128xf32, #tpu.memory_space<vmem>>) target(%dma_start3A_92 : memref<80x128xf32, #tpu.memory_space<vmem_shared>>) target_semaphore(%run_scoped3A_88 : memref<!tpu.dma_semaphore, #tpu.memory_space<semaphore_mem>>)
      %dma_wait3A_93 = arith.constant 0 : i32
      %dma_wait3A_94 = tpu.memref_slice %arg10[%add3A_24, %dma_wait3A_93] : memref<10240x128xf32, #tpu.memory_space<vmem_shared>> -> memref<80x128xf32, #tpu.memory_space<vmem_shared>>
      %dma_wait3A_95 = arith.constant 0 : i32
      %dma_wait3A_96 = tpu.memref_slice %arg10[%add3A_24, %dma_wait3A_95] : memref<10240x128xf32, #tpu.memory_space<vmem_shared>> -> memref<80x128xf32, #tpu.memory_space<vmem_shared>>
      tpu.wait_dma2 semaphore(%run_scoped3A_88 : memref<!tpu.dma_semaphore, #tpu.memory_space<semaphore_mem>>) src(%arg8 : memref<80x128xf32, #tpu.memory_space<vmem>>) dst(%dma_wait3A_96 : memref<80x128xf32, #tpu.memory_space<vmem_shared>>)
      tpu.yield
    }) : () -> ()
    %mul3A_25 = arith.constant 640 : i32
    %mul3A_26 = arith.muli %arg1, %mul3A_25 : i32
    %add3A_27 = arith.constant 80 : i32
    %add3A_28 = arith.addi %mul3A_26, %add3A_27 : i32
    "tpu.region"() ({
      %run_scoped3A_88 = tpu.sem_alloc : memref<!tpu.dma_semaphore, #tpu.memory_space<semaphore_mem>>
      %dma_start3A_89 = arith.constant 0 : i32
      %dma_start3A_90 = tpu.memref_slice %arg10[%add3A_28, %dma_start3A_89] : memref<10240x128xf32, #tpu.memory_space<vmem_shared>> -> memref<80x128xf32, #tpu.memory_space<vmem_shared>>
      %dma_start3A_91 = arith.constant 0 : i32
      %dma_start3A_92 = tpu.memref_slice %arg10[%add3A_28, %dma_start3A_91] : memref<10240x128xf32, #tpu.memory_space<vmem_shared>> -> memref<80x128xf32, #tpu.memory_space<vmem_shared>>
      tpu.enqueue_dma source(%arg8 : memref<80x128xf32, #tpu.memory_space<vmem>>) target(%dma_start3A_92 : memref<80x128xf32, #tpu.memory_space<vmem_shared>>) target_semaphore(%run_scoped3A_88 : memref<!tpu.dma_semaphore, #tpu.memory_space<semaphore_mem>>)
      %dma_wait3A_93 = arith.constant 0 : i32
      %dma_wait3A_94 = tpu.memref_slice %arg10[%add3A_28, %dma_wait3A_93] : memref<10240x128xf32, #tpu.memory_space<vmem_shared>> -> memref<80x128xf32, #tpu.memory_space<vmem_shared>>
      %dma_wait3A_95 = arith.constant 0 : i32
      %dma_wait3A_96 = tpu.memref_slice %arg10[%add3A_28, %dma_wait3A_95] : memref<10240x128xf32, #tpu.memory_space<vmem_shared>> -> memref<80x128xf32, #tpu.memory_space<vmem_shared>>
      tpu.wait_dma2 semaphore(%run_scoped3A_88 : memref<!tpu.dma_semaphore, #tpu.memory_space<semaphore_mem>>) src(%arg8 : memref<80x128xf32, #tpu.memory_space<vmem>>) dst(%dma_wait3A_96 : memref<80x128xf32, #tpu.memory_space<vmem_shared>>)
      tpu.yield
    }) : () -> ()
    %mul3A_29 = arith.constant 640 : i32
    %mul3A_30 = arith.muli %arg1, %mul3A_29 : i32
    %add3A_31 = arith.constant 160 : i32
    %add3A_32 = arith.addi %mul3A_30, %add3A_31 : i32
    "tpu.region"() ({
      %run_scoped3A_88 = tpu.sem_alloc : memref<!tpu.dma_semaphore, #tpu.memory_space<semaphore_mem>>
      %dma_start3A_89 = arith.constant 0 : i32
      %dma_start3A_90 = tpu.memref_slice %arg10[%add3A_32, %dma_start3A_89] : memref<10240x128xf32, #tpu.memory_space<vmem_shared>> -> memref<80x128xf32, #tpu.memory_space<vmem_shared>>
      %dma_start3A_91 = arith.constant 0 : i32
      %dma_start3A_92 = tpu.memref_slice %arg10[%add3A_32, %dma_start3A_91] : memref<10240x128xf32, #tpu.memory_space<vmem_shared>> -> memref<80x128xf32, #tpu.memory_space<vmem_shared>>
      tpu.enqueue_dma source(%arg8 : memref<80x128xf32, #tpu.memory_space<vmem>>) target(%dma_start3A_92 : memref<80x128xf32, #tpu.memory_space<vmem_shared>>) target_semaphore(%run_scoped3A_88 : memref<!tpu.dma_semaphore, #tpu.memory_space<semaphore_mem>>)
      %dma_wait3A_93 = arith.constant 0 : i32
      %dma_wait3A_94 = tpu.memref_slice %arg10[%add3A_32, %dma_wait3A_93] : memref<10240x128xf32, #tpu.memory_space<vmem_shared>> -> memref<80x128xf32, #tpu.memory_space<vmem_shared>>
      %dma_wait3A_95 = arith.constant 0 : i32
      %dma_wait3A_96 = tpu.memref_slice %arg10[%add3A_32, %dma_wait3A_95] : memref<10240x128xf32, #tpu.memory_space<vmem_shared>> -> memref<80x128xf32, #tpu.memory_space<vmem_shared>>
      tpu.wait_dma2 semaphore(%run_scoped3A_88 : memref<!tpu.dma_semaphore, #tpu.memory_space<semaphore_mem>>) src(%arg8 : memref<80x128xf32, #tpu.memory_space<vmem>>) dst(%dma_wait3A_96 : memref<80x128xf32, #tpu.memory_space<vmem_shared>>)
      tpu.yield
    }) : () -> ()
    %mul3A_33 = arith.constant 640 : i32
    %mul3A_34 = arith.muli %arg1, %mul3A_33 : i32
    %add3A_35 = arith.constant 240 : i32
    %add3A_36 = arith.addi %mul3A_34, %add3A_35 : i32
    "tpu.region"() ({
      %run_scoped3A_88 = tpu.sem_alloc : memref<!tpu.dma_semaphore, #tpu.memory_space<semaphore_mem>>
      %dma_start3A_89 = arith.constant 0 : i32
      %dma_start3A_90 = tpu.memref_slice %arg10[%add3A_36, %dma_start3A_89] : memref<10240x128xf32, #tpu.memory_space<vmem_shared>> -> memref<80x128xf32, #tpu.memory_space<vmem_shared>>
      %dma_start3A_91 = arith.constant 0 : i32
      %dma_start3A_92 = tpu.memref_slice %arg10[%add3A_36, %dma_start3A_91] : memref<10240x128xf32, #tpu.memory_space<vmem_shared>> -> memref<80x128xf32, #tpu.memory_space<vmem_shared>>
      tpu.enqueue_dma source(%arg8 : memref<80x128xf32, #tpu.memory_space<vmem>>) target(%dma_start3A_92 : memref<80x128xf32, #tpu.memory_space<vmem_shared>>) target_semaphore(%run_scoped3A_88 : memref<!tpu.dma_semaphore, #tpu.memory_space<semaphore_mem>>)
      %dma_wait3A_93 = arith.constant 0 : i32
      %dma_wait3A_94 = tpu.memref_slice %arg10[%add3A_36, %dma_wait3A_93] : memref<10240x128xf32, #tpu.memory_space<vmem_shared>> -> memref<80x128xf32, #tpu.memory_space<vmem_shared>>
      %dma_wait3A_95 = arith.constant 0 : i32
      %dma_wait3A_96 = tpu.memref_slice %arg10[%add3A_36, %dma_wait3A_95] : memref<10240x128xf32, #tpu.memory_space<vmem_shared>> -> memref<80x128xf32, #tpu.memory_space<vmem_shared>>
      tpu.wait_dma2 semaphore(%run_scoped3A_88 : memref<!tpu.dma_semaphore, #tpu.memory_space<semaphore_mem>>) src(%arg8 : memref<80x128xf32, #tpu.memory_space<vmem>>) dst(%dma_wait3A_96 : memref<80x128xf32, #tpu.memory_space<vmem_shared>>)
      tpu.yield
    }) : () -> ()
    %mul3A_37 = arith.constant 640 : i32
    %mul3A_38 = arith.muli %arg1, %mul3A_37 : i32
    %add3A_39 = arith.constant 320 : i32
    %add3A_40 = arith.addi %mul3A_38, %add3A_39 : i32
    "tpu.region"() ({
      %run_scoped3A_88 = tpu.sem_alloc : memref<!tpu.dma_semaphore, #tpu.memory_space<semaphore_mem>>
      %dma_start3A_89 = arith.constant 0 : i32
      %dma_start3A_90 = tpu.memref_slice %arg10[%add3A_40, %dma_start3A_89] : memref<10240x128xf32, #tpu.memory_space<vmem_shared>> -> memref<80x128xf32, #tpu.memory_space<vmem_shared>>
      %dma_start3A_91 = arith.constant 0 : i32
      %dma_start3A_92 = tpu.memref_slice %arg10[%add3A_40, %dma_start3A_91] : memref<10240x128xf32, #tpu.memory_space<vmem_shared>> -> memref<80x128xf32, #tpu.memory_space<vmem_shared>>
      tpu.enqueue_dma source(%arg8 : memref<80x128xf32, #tpu.memory_space<vmem>>) target(%dma_start3A_92 : memref<80x128xf32, #tpu.memory_space<vmem_shared>>) target_semaphore(%run_scoped3A_88 : memref<!tpu.dma_semaphore, #tpu.memory_space<semaphore_mem>>)
      %dma_wait3A_93 = arith.constant 0 : i32
      %dma_wait3A_94 = tpu.memref_slice %arg10[%add3A_40, %dma_wait3A_93] : memref<10240x128xf32, #tpu.memory_space<vmem_shared>> -> memref<80x128xf32, #tpu.memory_space<vmem_shared>>
      %dma_wait3A_95 = arith.constant 0 : i32
      %dma_wait3A_96 = tpu.memref_slice %arg10[%add3A_40, %dma_wait3A_95] : memref<10240x128xf32, #tpu.memory_space<vmem_shared>> -> memref<80x128xf32, #tpu.memory_space<vmem_shared>>
      tpu.wait_dma2 semaphore(%run_scoped3A_88 : memref<!tpu.dma_semaphore, #tpu.memory_space<semaphore_mem>>) src(%arg8 : memref<80x128xf32, #tpu.memory_space<vmem>>) dst(%dma_wait3A_96 : memref<80x128xf32, #tpu.memory_space<vmem_shared>>)
      tpu.yield
    }) : () -> ()
    %mul3A_41 = arith.constant 640 : i32
    %mul3A_42 = arith.muli %arg1, %mul3A_41 : i32
    %add3A_43 = arith.constant 400 : i32
    %add3A_44 = arith.addi %mul3A_42, %add3A_43 : i32
    "tpu.region"() ({
      %run_scoped3A_88 = tpu.sem_alloc : memref<!tpu.dma_semaphore, #tpu.memory_space<semaphore_mem>>
      %dma_start3A_89 = arith.constant 0 : i32
      %dma_start3A_90 = tpu.memref_slice %arg10[%add3A_44, %dma_start3A_89] : memref<10240x128xf32, #tpu.memory_space<vmem_shared>> -> memref<80x128xf32, #tpu.memory_space<vmem_shared>>
      %dma_start3A_91 = arith.constant 0 : i32
      %dma_start3A_92 = tpu.memref_slice %arg10[%add3A_44, %dma_start3A_91] : memref<10240x128xf32, #tpu.memory_space<vmem_shared>> -> memref<80x128xf32, #tpu.memory_space<vmem_shared>>
      tpu.enqueue_dma source(%arg8 : memref<80x128xf32, #tpu.memory_space<vmem>>) target(%dma_start3A_92 : memref<80x128xf32, #tpu.memory_space<vmem_shared>>) target_semaphore(%run_scoped3A_88 : memref<!tpu.dma_semaphore, #tpu.memory_space<semaphore_mem>>)
      %dma_wait3A_93 = arith.constant 0 : i32
      %dma_wait3A_94 = tpu.memref_slice %arg10[%add3A_44, %dma_wait3A_93] : memref<10240x128xf32, #tpu.memory_space<vmem_shared>> -> memref<80x128xf32, #tpu.memory_space<vmem_shared>>
      %dma_wait3A_95 = arith.constant 0 : i32
      %dma_wait3A_96 = tpu.memref_slice %arg10[%add3A_44, %dma_wait3A_95] : memref<10240x128xf32, #tpu.memory_space<vmem_shared>> -> memref<80x128xf32, #tpu.memory_space<vmem_shared>>
      tpu.wait_dma2 semaphore(%run_scoped3A_88 : memref<!tpu.dma_semaphore, #tpu.memory_space<semaphore_mem>>) src(%arg8 : memref<80x128xf32, #tpu.memory_space<vmem>>) dst(%dma_wait3A_96 : memref<80x128xf32, #tpu.memory_space<vmem_shared>>)
      tpu.yield
    }) : () -> ()
    %mul3A_45 = arith.constant 640 : i32
    %mul3A_46 = arith.muli %arg1, %mul3A_45 : i32
    %add3A_47 = arith.constant 480 : i32
    %add3A_48 = arith.addi %mul3A_46, %add3A_47 : i32
    "tpu.region"() ({
      %run_scoped3A_88 = tpu.sem_alloc : memref<!tpu.dma_semaphore, #tpu.memory_space<semaphore_mem>>
      %dma_start3A_89 = arith.constant 0 : i32
      %dma_start3A_90 = tpu.memref_slice %arg10[%add3A_48, %dma_start3A_89] : memref<10240x128xf32, #tpu.memory_space<vmem_shared>> -> memref<80x128xf32, #tpu.memory_space<vmem_shared>>
      %dma_start3A_91 = arith.constant 0 : i32
      %dma_start3A_92 = tpu.memref_slice %arg10[%add3A_48, %dma_start3A_91] : memref<10240x128xf32, #tpu.memory_space<vmem_shared>> -> memref<80x128xf32, #tpu.memory_space<vmem_shared>>
      tpu.enqueue_dma source(%arg8 : memref<80x128xf32, #tpu.memory_space<vmem>>) target(%dma_start3A_92 : memref<80x128xf32, #tpu.memory_space<vmem_shared>>) target_semaphore(%run_scoped3A_88 : memref<!tpu.dma_semaphore, #tpu.memory_space<semaphore_mem>>)
      %dma_wait3A_93 = arith.constant 0 : i32
      %dma_wait3A_94 = tpu.memref_slice %arg10[%add3A_48, %dma_wait3A_93] : memref<10240x128xf32, #tpu.memory_space<vmem_shared>> -> memref<80x128xf32, #tpu.memory_space<vmem_shared>>
      %dma_wait3A_95 = arith.constant 0 : i32
      %dma_wait3A_96 = tpu.memref_slice %arg10[%add3A_48, %dma_wait3A_95] : memref<10240x128xf32, #tpu.memory_space<vmem_shared>> -> memref<80x128xf32, #tpu.memory_space<vmem_shared>>
      tpu.wait_dma2 semaphore(%run_scoped3A_88 : memref<!tpu.dma_semaphore, #tpu.memory_space<semaphore_mem>>) src(%arg8 : memref<80x128xf32, #tpu.memory_space<vmem>>) dst(%dma_wait3A_96 : memref<80x128xf32, #tpu.memory_space<vmem_shared>>)
      tpu.yield
    }) : () -> ()
    %mul3A_49 = arith.constant 640 : i32
    %mul3A_50 = arith.muli %arg1, %mul3A_49 : i32
    %add3A_51 = arith.constant 560 : i32
    %add3A_52 = arith.addi %mul3A_50, %add3A_51 : i32
    "tpu.region"() ({
      %run_scoped3A_88 = tpu.sem_alloc : memref<!tpu.dma_semaphore, #tpu.memory_space<semaphore_mem>>
      %dma_start3A_89 = arith.constant 0 : i32
      %dma_start3A_90 = tpu.memref_slice %arg10[%add3A_52, %dma_start3A_89] : memref<10240x128xf32, #tpu.memory_space<vmem_shared>> -> memref<80x128xf32, #tpu.memory_space<vmem_shared>>
      %dma_start3A_91 = arith.constant 0 : i32
      %dma_start3A_92 = tpu.memref_slice %arg10[%add3A_52, %dma_start3A_91] : memref<10240x128xf32, #tpu.memory_space<vmem_shared>> -> memref<80x128xf32, #tpu.memory_space<vmem_shared>>
      tpu.enqueue_dma source(%arg8 : memref<80x128xf32, #tpu.memory_space<vmem>>) target(%dma_start3A_92 : memref<80x128xf32, #tpu.memory_space<vmem_shared>>) target_semaphore(%run_scoped3A_88 : memref<!tpu.dma_semaphore, #tpu.memory_space<semaphore_mem>>)
      %dma_wait3A_93 = arith.constant 0 : i32
      %dma_wait3A_94 = tpu.memref_slice %arg10[%add3A_52, %dma_wait3A_93] : memref<10240x128xf32, #tpu.memory_space<vmem_shared>> -> memref<80x128xf32, #tpu.memory_space<vmem_shared>>
      %dma_wait3A_95 = arith.constant 0 : i32
      %dma_wait3A_96 = tpu.memref_slice %arg10[%add3A_52, %dma_wait3A_95] : memref<10240x128xf32, #tpu.memory_space<vmem_shared>> -> memref<80x128xf32, #tpu.memory_space<vmem_shared>>
      tpu.wait_dma2 semaphore(%run_scoped3A_88 : memref<!tpu.dma_semaphore, #tpu.memory_space<semaphore_mem>>) src(%arg8 : memref<80x128xf32, #tpu.memory_space<vmem>>) dst(%dma_wait3A_96 : memref<80x128xf32, #tpu.memory_space<vmem_shared>>)
      tpu.yield
    }) : () -> ()
    %dma_wait3A = arith.constant 0 : i32
    %dma_wait3A_53 = tpu.memref_slice %arg3[%add3A, %dma_wait3A] : memref<32x10000xi32, #tpu.memory_space<hbm>> -> memref<1x10000xi32, #tpu.memory_space<hbm>>
    %dma_wait3A_54 = tpu.memref_squeeze %dma_wait3A_53 : memref<1x10000xi32, #tpu.memory_space<hbm>> -> memref<10000xi32, #tpu.memory_space<hbm>>
    %dma_wait3A_55 = arith.constant 0 : i32
    %dma_wait3A_56 = tpu.memref_slice %arg3[%add3A, %dma_wait3A_55] : memref<32x10000xi32, #tpu.memory_space<hbm>> -> memref<1x10000xi32, #tpu.memory_space<hbm>>
    %dma_wait3A_57 = tpu.memref_squeeze %dma_wait3A_56 : memref<1x10000xi32, #tpu.memory_space<hbm>> -> memref<10000xi32, #tpu.memory_space<hbm>>
    tpu.wait_dma2 semaphore(%arg11 : memref<!tpu.dma_semaphore, #tpu.memory_space<semaphore_mem>>) src(%dma_wait3A_57 : memref<10000xi32, #tpu.memory_space<hbm>>) dst(%arg6 : memref<10000xi32, #tpu.memory_space<vmem>>)
    %dma_wait3A_58 = arith.constant 0 : i32
    %dma_wait3A_59 = arith.constant 0 : i32
    %dma_wait3A_60 = tpu.memref_slice %arg4[%add3A, %dma_wait3A_58, %dma_wait3A_59] : memref<32x125x80xi32, #tpu.memory_space<hbm>> -> memref<1x125x80xi32, #tpu.memory_space<hbm>>
    %dma_wait3A_61 = tpu.memref_squeeze %dma_wait3A_60 : memref<1x125x80xi32, #tpu.memory_space<hbm>> -> memref<125x80xi32, #tpu.memory_space<hbm>>
    %dma_wait3A_62 = arith.constant 0 : i32
    %dma_wait3A_63 = arith.constant 0 : i32
    %dma_wait3A_64 = tpu.memref_slice %arg4[%add3A, %dma_wait3A_62, %dma_wait3A_63] : memref<32x125x80xi32, #tpu.memory_space<hbm>> -> memref<1x125x80xi32, #tpu.memory_space<hbm>>
    %dma_wait3A_65 = tpu.memref_squeeze %dma_wait3A_64 : memref<1x125x80xi32, #tpu.memory_space<hbm>> -> memref<125x80xi32, #tpu.memory_space<hbm>>
    tpu.wait_dma2 semaphore(%arg12 : memref<!tpu.dma_semaphore, #tpu.memory_space<semaphore_mem>>) src(%dma_wait3A_65 : memref<125x80xi32, #tpu.memory_space<hbm>>) dst(%arg7 : memref<125x80xi32, #tpu.memory_space<vmem>>)
    %barrier3A = arith.constant 0 : index
    tpu.barrier barrier_id(%barrier3A)
    %dma_start3A_66 = arith.constant 0 : i32
    %dma_start3A_67 = tpu.memref_slice %arg6[%dma_start3A_66] : memref<10000xi32, #tpu.memory_space<vmem>> -> memref<80xi32, #tpu.memory_space<vmem>>
    %dma_start3A_68 = arith.constant 0 : i32
    %dma_start3A_69 = arith.constant 0 : i32
    %dma_start3A_70 = tpu.memref_slice %arg2[%dma_start3A_68, %dma_start3A_69] : memref<10000x128xf32, #tpu.memory_space<hbm>> -> memref<10000x128xf32, #tpu.memory_space<hbm>>
    tpu.enqueue_indirect_dma source(%dma_start3A_70 : memref<10000x128xf32, #tpu.memory_space<hbm>>) target(%arg8 : memref<80x128xf32, #tpu.memory_space<vmem>>) offsets(%dma_start3A_67 : memref<80xi32, #tpu.memory_space<vmem>>) semaphore(%arg11 : memref<!tpu.dma_semaphore, #tpu.memory_space<semaphore_mem>>)
    %scan3A_71 = arith.constant 0 : i32
    %scan3A_72 = arith.constant 0 : i32
    %scan3A_73 = arith.constant 62 : i32
    %scan3A_74 = arith.addi %scan3A_72, %scan3A_73 : i32
    %scan3A_75 = arith.constant 1 : i32
    %scan3A_76 = scf.for %scan3A_88 = %scan3A_72 to %scan3A_74 step %scan3A_75 iter_args(%scan3A_89 = %scan3A_71) -> (i32)  : i32 {
      %mul3A_90 = arith.constant 2 : i32
      %mul3A_91 = arith.muli %mul3A_90, %scan3A_88 : i32
      %add3A_92 = arith.constant 1 : i32
      %add3A_93 = arith.addi %mul3A_91, %add3A_92 : i32
      %mul3A_94 = arith.constant 80 : i32
      %mul3A_95 = arith.muli %mul3A_91, %mul3A_94 : i32
      %dma_wait3A_96 = tpu.memref_slice %arg6[%mul3A_95] : memref<10000xi32, #tpu.memory_space<vmem>> -> memref<80xi32, #tpu.memory_space<vmem>>
      %dma_wait3A_97 = arith.constant 0 : i32
      %dma_wait3A_98 = arith.constant 0 : i32
      %dma_wait3A_99 = tpu.memref_slice %arg2[%dma_wait3A_97, %dma_wait3A_98] : memref<10000x128xf32, #tpu.memory_space<hbm>> -> memref<10000x128xf32, #tpu.memory_space<hbm>>
      tpu.wait_indirect_dma semaphore(%arg11 : memref<!tpu.dma_semaphore, #tpu.memory_space<semaphore_mem>>) src(%dma_wait3A_99 : memref<10000x128xf32, #tpu.memory_space<hbm>>) dst(%arg8 : memref<80x128xf32, #tpu.memory_space<vmem>>)
      %dma_start3A_100 = arith.constant 0 : i32
      %dma_start3A_101 = tpu.memref_slice %arg7[%mul3A_91, %dma_start3A_100] : memref<125x80xi32, #tpu.memory_space<vmem>> -> memref<1x80xi32, #tpu.memory_space<vmem>>
      %dma_start3A_102 = tpu.memref_squeeze %dma_start3A_101 : memref<1x80xi32, #tpu.memory_space<vmem>> -> memref<80xi32, #tpu.memory_space<vmem>>
      %dma_start3A_103 = arith.constant 0 : i32
      %dma_start3A_104 = arith.constant 0 : i32
      %dma_start3A_105 = tpu.memref_slice %arg10[%dma_start3A_103, %dma_start3A_104] : memref<10240x128xf32, #tpu.memory_space<vmem_shared>> -> memref<10240x128xf32, #tpu.memory_space<vmem_shared>>
      tpu.enqueue_indirect_dma source(%arg8 : memref<80x128xf32, #tpu.memory_space<vmem>>) target(%dma_start3A_105 : memref<10240x128xf32, #tpu.memory_space<vmem_shared>>) offsets(%dma_start3A_102 : memref<80xi32, #tpu.memory_space<vmem>>) semaphore(%arg13 : memref<!tpu.dma_semaphore, #tpu.memory_space<semaphore_mem>>) {add = true}
      %mul3A_106 = arith.constant 80 : i32
      %mul3A_107 = arith.muli %add3A_93, %mul3A_106 : i32
      %dma_start3A_108 = tpu.memref_slice %arg6[%mul3A_107] : memref<10000xi32, #tpu.memory_space<vmem>> -> memref<80xi32, #tpu.memory_space<vmem>>
      %dma_start3A_109 = arith.constant 0 : i32
      %dma_start3A_110 = arith.constant 0 : i32
      %dma_start3A_111 = tpu.memref_slice %arg2[%dma_start3A_109, %dma_start3A_110] : memref<10000x128xf32, #tpu.memory_space<hbm>> -> memref<10000x128xf32, #tpu.memory_space<hbm>>
      tpu.enqueue_indirect_dma source(%dma_start3A_111 : memref<10000x128xf32, #tpu.memory_space<hbm>>) target(%arg9 : memref<80x128xf32, #tpu.memory_space<vmem>>) offsets(%dma_start3A_108 : memref<80xi32, #tpu.memory_space<vmem>>) semaphore(%arg12 : memref<!tpu.dma_semaphore, #tpu.memory_space<semaphore_mem>>)
      %mul3A_112 = arith.constant 80 : i32
      %mul3A_113 = arith.muli %add3A_93, %mul3A_112 : i32
      %dma_wait3A_114 = tpu.memref_slice %arg6[%mul3A_113] : memref<10000xi32, #tpu.memory_space<vmem>> -> memref<80xi32, #tpu.memory_space<vmem>>
      %dma_wait3A_115 = arith.constant 0 : i32
      %dma_wait3A_116 = arith.constant 0 : i32
      %dma_wait3A_117 = tpu.memref_slice %arg2[%dma_wait3A_115, %dma_wait3A_116] : memref<10000x128xf32, #tpu.memory_space<hbm>> -> memref<10000x128xf32, #tpu.memory_space<hbm>>
      tpu.wait_indirect_dma semaphore(%arg12 : memref<!tpu.dma_semaphore, #tpu.memory_space<semaphore_mem>>) src(%dma_wait3A_117 : memref<10000x128xf32, #tpu.memory_space<hbm>>) dst(%arg9 : memref<80x128xf32, #tpu.memory_space<vmem>>)
      %dma_start3A_118 = arith.constant 0 : i32
      %dma_start3A_119 = tpu.memref_slice %arg7[%add3A_93, %dma_start3A_118] : memref<125x80xi32, #tpu.memory_space<vmem>> -> memref<1x80xi32, #tpu.memory_space<vmem>>
      %dma_start3A_120 = tpu.memref_squeeze %dma_start3A_119 : memref<1x80xi32, #tpu.memory_space<vmem>> -> memref<80xi32, #tpu.memory_space<vmem>>
      %dma_start3A_121 = arith.constant 0 : i32
      %dma_start3A_122 = arith.constant 0 : i32
      %dma_start3A_123 = tpu.memref_slice %arg10[%dma_start3A_121, %dma_start3A_122] : memref<10240x128xf32, #tpu.memory_space<vmem_shared>> -> memref<10240x128xf32, #tpu.memory_space<vmem_shared>>
      tpu.enqueue_indirect_dma source(%arg9 : memref<80x128xf32, #tpu.memory_space<vmem>>) target(%dma_start3A_123 : memref<10240x128xf32, #tpu.memory_space<vmem_shared>>) offsets(%dma_start3A_120 : memref<80xi32, #tpu.memory_space<vmem>>) semaphore(%arg14 : memref<!tpu.dma_semaphore, #tpu.memory_space<semaphore_mem>>) {add = true}
      %dma_wait3A_124 = arith.constant 0 : i32
      %dma_wait3A_125 = tpu.memref_slice %arg7[%mul3A_91, %dma_wait3A_124] : memref<125x80xi32, #tpu.memory_space<vmem>> -> memref<1x80xi32, #tpu.memory_space<vmem>>
      %dma_wait3A_126 = tpu.memref_squeeze %dma_wait3A_125 : memref<1x80xi32, #tpu.memory_space<vmem>> -> memref<80xi32, #tpu.memory_space<vmem>>
      %dma_wait3A_127 = arith.constant 0 : i32
      %dma_wait3A_128 = arith.constant 0 : i32
      %dma_wait3A_129 = tpu.memref_slice %arg10[%dma_wait3A_127, %dma_wait3A_128] : memref<10240x128xf32, #tpu.memory_space<vmem_shared>> -> memref<10240x128xf32, #tpu.memory_space<vmem_shared>>
      tpu.wait_indirect_dma semaphore(%arg13 : memref<!tpu.dma_semaphore, #tpu.memory_space<semaphore_mem>>) src(%arg8 : memref<80x128xf32, #tpu.memory_space<vmem>>) dst(%dma_wait3A_129 : memref<10240x128xf32, #tpu.memory_space<vmem_shared>>)
      %add3A_130 = arith.constant 2 : i32
      %add3A_131 = arith.addi %mul3A_91, %add3A_130 : i32
      %mul3A_132 = arith.constant 80 : i32
      %mul3A_133 = arith.muli %add3A_131, %mul3A_132 : i32
      %dma_start3A_134 = tpu.memref_slice %arg6[%mul3A_133] : memref<10000xi32, #tpu.memory_space<vmem>> -> memref<80xi32, #tpu.memory_space<vmem>>
      %dma_start3A_135 = arith.constant 0 : i32
      %dma_start3A_136 = arith.constant 0 : i32
      %dma_start3A_137 = tpu.memref_slice %arg2[%dma_start3A_135, %dma_start3A_136] : memref<10000x128xf32, #tpu.memory_space<hbm>> -> memref<10000x128xf32, #tpu.memory_space<hbm>>
      tpu.enqueue_indirect_dma source(%dma_start3A_137 : memref<10000x128xf32, #tpu.memory_space<hbm>>) target(%arg8 : memref<80x128xf32, #tpu.memory_space<vmem>>) offsets(%dma_start3A_134 : memref<80xi32, #tpu.memory_space<vmem>>) semaphore(%arg11 : memref<!tpu.dma_semaphore, #tpu.memory_space<semaphore_mem>>)
      %dma_wait3A_138 = arith.constant 0 : i32
      %dma_wait3A_139 = tpu.memref_slice %arg7[%add3A_93, %dma_wait3A_138] : memref<125x80xi32, #tpu.memory_space<vmem>> -> memref<1x80xi32, #tpu.memory_space<vmem>>
      %dma_wait3A_140 = tpu.memref_squeeze %dma_wait3A_139 : memref<1x80xi32, #tpu.memory_space<vmem>> -> memref<80xi32, #tpu.memory_space<vmem>>
      %dma_wait3A_141 = arith.constant 0 : i32
      %dma_wait3A_142 = arith.constant 0 : i32
      %dma_wait3A_143 = tpu.memref_slice %arg10[%dma_wait3A_141, %dma_wait3A_142] : memref<10240x128xf32, #tpu.memory_space<vmem_shared>> -> memref<10240x128xf32, #tpu.memory_space<vmem_shared>>
      tpu.wait_indirect_dma semaphore(%arg14 : memref<!tpu.dma_semaphore, #tpu.memory_space<semaphore_mem>>) src(%arg9 : memref<80x128xf32, #tpu.memory_space<vmem>>) dst(%dma_wait3A_143 : memref<10240x128xf32, #tpu.memory_space<vmem_shared>>)
      %scan3A_144 = arith.constant 0 : i32
      scf.yield %scan3A_144 : i32
    }
    %scan3A_77 = arith.constant 62 : i32
    %dma_wait3A_78 = arith.constant 9920 : i32
    %dma_wait3A_79 = tpu.memref_slice %arg6[%dma_wait3A_78] : memref<10000xi32, #tpu.memory_space<vmem>> -> memref<80xi32, #tpu.memory_space<vmem>>
    %dma_wait3A_80 = arith.constant 0 : i32
    %dma_wait3A_81 = arith.constant 0 : i32
    %dma_wait3A_82 = tpu.memref_slice %arg2[%dma_wait3A_80, %dma_wait3A_81] : memref<10000x128xf32, #tpu.memory_space<hbm>> -> memref<10000x128xf32, #tpu.memory_space<hbm>>
    tpu.wait_indirect_dma semaphore(%arg11 : memref<!tpu.dma_semaphore, #tpu.memory_space<semaphore_mem>>) src(%dma_wait3A_82 : memref<10000x128xf32, #tpu.memory_space<hbm>>) dst(%arg8 : memref<80x128xf32, #tpu.memory_space<vmem>>)
    %run_scoped3A = arith.constant 124 : i32
    "tpu.region"() ({
      %run_scoped3A_88 = tpu.sem_alloc : memref<!tpu.dma_semaphore, #tpu.memory_space<semaphore_mem>>
      %dma_start3A_89 = arith.constant 0 : i32
      %dma_start3A_90 = tpu.memref_slice %arg7[%run_scoped3A, %dma_start3A_89] : memref<125x80xi32, #tpu.memory_space<vmem>> -> memref<1x80xi32, #tpu.memory_space<vmem>>
      %dma_start3A_91 = tpu.memref_squeeze %dma_start3A_90 : memref<1x80xi32, #tpu.memory_space<vmem>> -> memref<80xi32, #tpu.memory_space<vmem>>
      %dma_start3A_92 = arith.constant 0 : i32
      %dma_start3A_93 = arith.constant 0 : i32
      %dma_start3A_94 = tpu.memref_slice %arg10[%dma_start3A_92, %dma_start3A_93] : memref<10240x128xf32, #tpu.memory_space<vmem_shared>> -> memref<10240x128xf32, #tpu.memory_space<vmem_shared>>
      tpu.enqueue_indirect_dma source(%arg8 : memref<80x128xf32, #tpu.memory_space<vmem>>) target(%dma_start3A_94 : memref<10240x128xf32, #tpu.memory_space<vmem_shared>>) offsets(%dma_start3A_91 : memref<80xi32, #tpu.memory_space<vmem>>) semaphore(%run_scoped3A_88 : memref<!tpu.dma_semaphore, #tpu.memory_space<semaphore_mem>>) {add = true}
      %dma_wait3A_95 = arith.constant 0 : i32
      %dma_wait3A_96 = tpu.memref_slice %arg7[%run_scoped3A, %dma_wait3A_95] : memref<125x80xi32, #tpu.memory_space<vmem>> -> memref<1x80xi32, #tpu.memory_space<vmem>>
      %dma_wait3A_97 = tpu.memref_squeeze %dma_wait3A_96 : memref<1x80xi32, #tpu.memory_space<vmem>> -> memref<80xi32, #tpu.memory_space<vmem>>
      %dma_wait3A_98 = arith.constant 0 : i32
      %dma_wait3A_99 = arith.constant 0 : i32
      %dma_wait3A_100 = tpu.memref_slice %arg10[%dma_wait3A_98, %dma_wait3A_99] : memref<10240x128xf32, #tpu.memory_space<vmem_shared>> -> memref<10240x128xf32, #tpu.memory_space<vmem_shared>>
      tpu.wait_indirect_dma semaphore(%run_scoped3A_88 : memref<!tpu.dma_semaphore, #tpu.memory_space<semaphore_mem>>) src(%arg8 : memref<80x128xf32, #tpu.memory_space<vmem>>) dst(%dma_wait3A_100 : memref<10240x128xf32, #tpu.memory_space<vmem_shared>>)
      tpu.yield
    }) : () -> ()
    %barrier3A_83 = arith.constant 0 : index
    tpu.barrier barrier_id(%barrier3A_83)
    %mul3A_84 = arith.constant 640 : i32
    %mul3A_85 = arith.muli %arg1, %mul3A_84 : i32
    %mul3A_86 = arith.constant 640 : i32
    %mul3A_87 = arith.muli %arg1, %mul3A_86 : i32
    "tpu.region"() ({
      %run_scoped3A_88 = tpu.sem_alloc : memref<!tpu.dma_semaphore, #tpu.memory_space<semaphore_mem>>
      %dma_start3A_89 = arith.constant 0 : i32
      %dma_start3A_90 = tpu.memref_slice %arg5[%arg0, %mul3A_87, %dma_start3A_89] : memref<2x10240x128xf32, #tpu.memory_space<hbm>> -> memref<1x640x128xf32, #tpu.memory_space<hbm>>
      %dma_start3A_91 = tpu.memref_squeeze %dma_start3A_90 : memref<1x640x128xf32, #tpu.memory_space<hbm>> -> memref<640x128xf32, #tpu.memory_space<hbm>>
      %dma_start3A_92 = arith.constant 0 : i32
      %dma_start3A_93 = tpu.memref_slice %arg10[%mul3A_85, %dma_start3A_92] : memref<10240x128xf32, #tpu.memory_space<vmem_shared>> -> memref<640x128xf32, #tpu.memory_space<vmem_shared>>
      tpu.enqueue_dma source(%dma_start3A_93 : memref<640x128xf32, #tpu.memory_space<vmem_shared>>) target(%dma_start3A_91 : memref<640x128xf32, #tpu.memory_space<hbm>>) target_semaphore(%run_scoped3A_88 : memref<!tpu.dma_semaphore, #tpu.memory_space<semaphore_mem>>)
      %dma_wait3A_94 = arith.constant 0 : i32
      %dma_wait3A_95 = tpu.memref_slice %arg5[%arg0, %mul3A_87, %dma_wait3A_94] : memref<2x10240x128xf32, #tpu.memory_space<hbm>> -> memref<1x640x128xf32, #tpu.memory_space<hbm>>
      %dma_wait3A_96 = tpu.memref_squeeze %dma_wait3A_95 : memref<1x640x128xf32, #tpu.memory_space<hbm>> -> memref<640x128xf32, #tpu.memory_space<hbm>>
      %dma_wait3A_97 = arith.constant 0 : i32
      %dma_wait3A_98 = tpu.memref_slice %arg10[%mul3A_85, %dma_wait3A_97] : memref<10240x128xf32, #tpu.memory_space<vmem_shared>> -> memref<640x128xf32, #tpu.memory_space<vmem_shared>>
      tpu.wait_dma2 semaphore(%run_scoped3A_88 : memref<!tpu.dma_semaphore, #tpu.memory_space<semaphore_mem>>) src(%dma_wait3A_98 : memref<640x128xf32, #tpu.memory_space<vmem_shared>>) dst(%dma_wait3A_96 : memref<640x128xf32, #tpu.memory_space<hbm>>)
      tpu.yield
    }) : () -> ()
    return
  }
}

#map = affine_map<(d0, d1) -> (0, 0, 0)>
module attributes {stable_mosaic.version = 14 : i64} {
  func.func @_deg_body(%arg0: i32, %arg1: i32, %arg2: memref<32x125x80xi32, #tpu.memory_space<hbm>>, %arg3: memref<2x10240x128xf32, #tpu.memory_space<hbm>>, %arg4: memref<125x80xi32, #tpu.memory_space<vmem>>, %arg5: memref<80x128xf32, #tpu.memory_space<vmem>>, %arg6: memref<10240x128xf32, #tpu.memory_space<vmem_shared>>, %arg7: memref<!tpu.dma_semaphore, #tpu.memory_space<semaphore_mem>>, %arg8: memref<!tpu.dma_semaphore, #tpu.memory_space<semaphore_mem>>, %arg9: memref<!tpu.dma_semaphore, #tpu.memory_space<semaphore_mem>>) attributes {dimension_semantics = [#tpu.dimension_semantics<core_parallel>, #tpu.dimension_semantics<subcore_parallel>], iteration_bounds = array<i64: 2, 16>, scalar_prefetch = 0 : i64, scratch_operands = 6 : i64, tpu.core_type = #tpu.core_type<sc_vector_subcore>, window_params = [{transform_indices = #map}, {transform_indices = #map}]} {
    %mul3A = arith.constant 16 : i32
    %mul3A_0 = arith.muli %arg0, %mul3A : i32
    %add3A = arith.addi %mul3A_0, %arg1 : i32
    %dma_start3A = arith.constant 0 : i32
    %dma_start3A_1 = arith.constant 0 : i32
    %dma_start3A_2 = tpu.memref_slice %arg2[%add3A, %dma_start3A, %dma_start3A_1] : memref<32x125x80xi32, #tpu.memory_space<hbm>> -> memref<1x125x80xi32, #tpu.memory_space<hbm>>
    %dma_start3A_3 = tpu.memref_squeeze %dma_start3A_2 : memref<1x125x80xi32, #tpu.memory_space<hbm>> -> memref<125x80xi32, #tpu.memory_space<hbm>>
    %dma_start3A_4 = arith.constant 0 : i32
    %dma_start3A_5 = arith.constant 0 : i32
    %dma_start3A_6 = tpu.memref_slice %arg2[%add3A, %dma_start3A_4, %dma_start3A_5] : memref<32x125x80xi32, #tpu.memory_space<hbm>> -> memref<1x125x80xi32, #tpu.memory_space<hbm>>
    %dma_start3A_7 = tpu.memref_squeeze %dma_start3A_6 : memref<1x125x80xi32, #tpu.memory_space<hbm>> -> memref<125x80xi32, #tpu.memory_space<hbm>>
    tpu.enqueue_dma source(%dma_start3A_7 : memref<125x80xi32, #tpu.memory_space<hbm>>) target(%arg4 : memref<125x80xi32, #tpu.memory_space<vmem>>) target_semaphore(%arg7 : memref<!tpu.dma_semaphore, #tpu.memory_space<semaphore_mem>>)
    %broadcast_in_dim3A = arith.constant 0.000000e+00 : f32
    %broadcast_in_dim3A_8 = vector.broadcast %broadcast_in_dim3A : f32 to vector<16xf32>
    %scan3A = arith.constant 0 : i32
    %scan3A_9 = arith.constant 0 : i32
    %scan3A_10 = arith.constant 640 : i32
    %scan3A_11 = arith.addi %scan3A_9, %scan3A_10 : i32
    %scan3A_12 = arith.constant 1 : i32
    %scan3A_13 = scf.for %scan3A_75 = %scan3A_9 to %scan3A_11 step %scan3A_12 iter_args(%scan3A_76 = %scan3A) -> (i32)  : i32 {
      %jit3A = arith.constant 8 : i32
      %div3A = arith.divsi %scan3A_75, %jit3A : i32
      %sign3A = arith.constant 0 : i32
      %sign3A_77 = arith.cmpi sgt, %scan3A_75, %sign3A : i32
      %sign3A_78 = arith.extui %sign3A_77 : i1 to i32
      %sign3A_79 = arith.constant 0 : i32
      %sign3A_80 = arith.cmpi slt, %scan3A_75, %sign3A_79 : i32
      %sign3A_81 = arith.extui %sign3A_80 : i1 to i32
      %sign3A_82 = arith.subi %sign3A_78, %sign3A_81 : i32
      %sign3A_83 = arith.constant 0 : i32
      %sign3A_84 = arith.cmpi sgt, %jit3A, %sign3A_83 : i32
      %sign3A_85 = arith.extui %sign3A_84 : i1 to i32
      %sign3A_86 = arith.constant 0 : i32
      %sign3A_87 = arith.cmpi slt, %jit3A, %sign3A_86 : i32
      %sign3A_88 = arith.extui %sign3A_87 : i1 to i32
      %sign3A_89 = arith.subi %sign3A_85, %sign3A_88 : i32
      %ne3A = arith.cmpi ne, %sign3A_82, %sign3A_89 : i32
      %rem3A = arith.remsi %scan3A_75, %jit3A : i32
      %ne3A_90 = arith.constant 0 : i32
      %ne3A_91 = arith.cmpi ne, %rem3A, %ne3A_90 : i32
      %and3A = arith.andi %ne3A, %ne3A_91 : i1
      %sub3A = arith.constant 1 : i32
      %sub3A_92 = arith.subi %div3A, %sub3A : i32
      %select_n3A = arith.select %and3A, %sub3A_92, %div3A : i32
      %jit3A_93 = arith.constant 8 : i32
      %eq3A = arith.constant 0 : i32
      %eq3A_94 = arith.cmpi eq, %jit3A_93, %eq3A : i32
      %jit3A_95 = arith.constant 1 : i32
      %select_n3A_96 = arith.select %eq3A_94, %jit3A_95, %jit3A_93 : i32
      %rem3A_97 = arith.remsi %scan3A_75, %select_n3A_96 : i32
      %ne3A_98 = arith.constant 0 : i32
      %ne3A_99 = arith.cmpi ne, %rem3A_97, %ne3A_98 : i32
      %lt3A = arith.constant 0 : i32
      %lt3A_100 = arith.cmpi slt, %rem3A_97, %lt3A : i32
      %lt3A_101 = arith.constant 0 : i32
      %lt3A_102 = arith.cmpi slt, %select_n3A_96, %lt3A_101 : i32
      %ne3A_103 = arith.xori %lt3A_100, %lt3A_102 : i1
      %and3A_104 = arith.andi %ne3A_103, %ne3A_99 : i1
      %add3A_105 = arith.addi %rem3A_97, %select_n3A_96 : i32
      %select_n3A_106 = arith.select %and3A_104, %add3A_105, %rem3A_97 : i32
      %mul3A_107 = arith.constant 16 : i32
      %mul3A_108 = arith.muli %select_n3A_106, %mul3A_107 : i32
      %swap3A = arith.index_cast %select_n3A : i32 to index
      %swap3A_109 = arith.index_cast %mul3A_108 : i32 to index
      %swap3A_110 = tpu.vector_load %arg5[%swap3A, %swap3A_109] {strides = array<i32>} : memref<80x128xf32, #tpu.memory_space<vmem>>, vector<1x16xf32>,
      %swap3A_111 = vector.shape_cast %swap3A_110 : vector<1x16xf32> to vector<16xf32>
      %swap3A_112 = vector.shape_cast %broadcast_in_dim3A_8 : vector<16xf32> to vector<1x16xf32>
      tpu.vector_store %arg5[%swap3A, %swap3A_109], %swap3A_112 {strides = array<i32>} : memref<80x128xf32, #tpu.memory_space<vmem>>, vector<1x16xf32>,
      %scan3A_113 = arith.constant 0 : i32
      scf.yield %scan3A_113 : i32
    }
    %scan3A_14 = arith.constant 640 : i32
    %mul3A_15 = arith.constant 640 : i32
    %mul3A_16 = arith.muli %arg1, %mul3A_15 : i32
    %add3A_17 = arith.constant 0 : i32
    %add3A_18 = arith.addi %mul3A_16, %add3A_17 : i32
    "tpu.region"() ({
      %run_scoped3A_75 = tpu.sem_alloc : memref<!tpu.dma_semaphore, #tpu.memory_space<semaphore_mem>>
      %dma_start3A_76 = arith.constant 0 : i32
      %dma_start3A_77 = tpu.memref_slice %arg6[%add3A_18, %dma_start3A_76] : memref<10240x128xf32, #tpu.memory_space<vmem_shared>> -> memref<80x128xf32, #tpu.memory_space<vmem_shared>>
      %dma_start3A_78 = arith.constant 0 : i32
      %dma_start3A_79 = tpu.memref_slice %arg6[%add3A_18, %dma_start3A_78] : memref<10240x128xf32, #tpu.memory_space<vmem_shared>> -> memref<80x128xf32, #tpu.memory_space<vmem_shared>>
      tpu.enqueue_dma source(%arg5 : memref<80x128xf32, #tpu.memory_space<vmem>>) target(%dma_start3A_79 : memref<80x128xf32, #tpu.memory_space<vmem_shared>>) target_semaphore(%run_scoped3A_75 : memref<!tpu.dma_semaphore, #tpu.memory_space<semaphore_mem>>)
      %dma_wait3A_80 = arith.constant 0 : i32
      %dma_wait3A_81 = tpu.memref_slice %arg6[%add3A_18, %dma_wait3A_80] : memref<10240x128xf32, #tpu.memory_space<vmem_shared>> -> memref<80x128xf32, #tpu.memory_space<vmem_shared>>
      %dma_wait3A_82 = arith.constant 0 : i32
      %dma_wait3A_83 = tpu.memref_slice %arg6[%add3A_18, %dma_wait3A_82] : memref<10240x128xf32, #tpu.memory_space<vmem_shared>> -> memref<80x128xf32, #tpu.memory_space<vmem_shared>>
      tpu.wait_dma2 semaphore(%run_scoped3A_75 : memref<!tpu.dma_semaphore, #tpu.memory_space<semaphore_mem>>) src(%arg5 : memref<80x128xf32, #tpu.memory_space<vmem>>) dst(%dma_wait3A_83 : memref<80x128xf32, #tpu.memory_space<vmem_shared>>)
      tpu.yield
    }) : () -> ()
    %mul3A_19 = arith.constant 640 : i32
    %mul3A_20 = arith.muli %arg1, %mul3A_19 : i32
    %add3A_21 = arith.constant 80 : i32
    %add3A_22 = arith.addi %mul3A_20, %add3A_21 : i32
    "tpu.region"() ({
      %run_scoped3A_75 = tpu.sem_alloc : memref<!tpu.dma_semaphore, #tpu.memory_space<semaphore_mem>>
      %dma_start3A_76 = arith.constant 0 : i32
      %dma_start3A_77 = tpu.memref_slice %arg6[%add3A_22, %dma_start3A_76] : memref<10240x128xf32, #tpu.memory_space<vmem_shared>> -> memref<80x128xf32, #tpu.memory_space<vmem_shared>>
      %dma_start3A_78 = arith.constant 0 : i32
      %dma_start3A_79 = tpu.memref_slice %arg6[%add3A_22, %dma_start3A_78] : memref<10240x128xf32, #tpu.memory_space<vmem_shared>> -> memref<80x128xf32, #tpu.memory_space<vmem_shared>>
      tpu.enqueue_dma source(%arg5 : memref<80x128xf32, #tpu.memory_space<vmem>>) target(%dma_start3A_79 : memref<80x128xf32, #tpu.memory_space<vmem_shared>>) target_semaphore(%run_scoped3A_75 : memref<!tpu.dma_semaphore, #tpu.memory_space<semaphore_mem>>)
      %dma_wait3A_80 = arith.constant 0 : i32
      %dma_wait3A_81 = tpu.memref_slice %arg6[%add3A_22, %dma_wait3A_80] : memref<10240x128xf32, #tpu.memory_space<vmem_shared>> -> memref<80x128xf32, #tpu.memory_space<vmem_shared>>
      %dma_wait3A_82 = arith.constant 0 : i32
      %dma_wait3A_83 = tpu.memref_slice %arg6[%add3A_22, %dma_wait3A_82] : memref<10240x128xf32, #tpu.memory_space<vmem_shared>> -> memref<80x128xf32, #tpu.memory_space<vmem_shared>>
      tpu.wait_dma2 semaphore(%run_scoped3A_75 : memref<!tpu.dma_semaphore, #tpu.memory_space<semaphore_mem>>) src(%arg5 : memref<80x128xf32, #tpu.memory_space<vmem>>) dst(%dma_wait3A_83 : memref<80x128xf32, #tpu.memory_space<vmem_shared>>)
      tpu.yield
    }) : () -> ()
    %mul3A_23 = arith.constant 640 : i32
    %mul3A_24 = arith.muli %arg1, %mul3A_23 : i32
    %add3A_25 = arith.constant 160 : i32
    %add3A_26 = arith.addi %mul3A_24, %add3A_25 : i32
    "tpu.region"() ({
      %run_scoped3A_75 = tpu.sem_alloc : memref<!tpu.dma_semaphore, #tpu.memory_space<semaphore_mem>>
      %dma_start3A_76 = arith.constant 0 : i32
      %dma_start3A_77 = tpu.memref_slice %arg6[%add3A_26, %dma_start3A_76] : memref<10240x128xf32, #tpu.memory_space<vmem_shared>> -> memref<80x128xf32, #tpu.memory_space<vmem_shared>>
      %dma_start3A_78 = arith.constant 0 : i32
      %dma_start3A_79 = tpu.memref_slice %arg6[%add3A_26, %dma_start3A_78] : memref<10240x128xf32, #tpu.memory_space<vmem_shared>> -> memref<80x128xf32, #tpu.memory_space<vmem_shared>>
      tpu.enqueue_dma source(%arg5 : memref<80x128xf32, #tpu.memory_space<vmem>>) target(%dma_start3A_79 : memref<80x128xf32, #tpu.memory_space<vmem_shared>>) target_semaphore(%run_scoped3A_75 : memref<!tpu.dma_semaphore, #tpu.memory_space<semaphore_mem>>)
      %dma_wait3A_80 = arith.constant 0 : i32
      %dma_wait3A_81 = tpu.memref_slice %arg6[%add3A_26, %dma_wait3A_80] : memref<10240x128xf32, #tpu.memory_space<vmem_shared>> -> memref<80x128xf32, #tpu.memory_space<vmem_shared>>
      %dma_wait3A_82 = arith.constant 0 : i32
      %dma_wait3A_83 = tpu.memref_slice %arg6[%add3A_26, %dma_wait3A_82] : memref<10240x128xf32, #tpu.memory_space<vmem_shared>> -> memref<80x128xf32, #tpu.memory_space<vmem_shared>>
      tpu.wait_dma2 semaphore(%run_scoped3A_75 : memref<!tpu.dma_semaphore, #tpu.memory_space<semaphore_mem>>) src(%arg5 : memref<80x128xf32, #tpu.memory_space<vmem>>) dst(%dma_wait3A_83 : memref<80x128xf32, #tpu.memory_space<vmem_shared>>)
      tpu.yield
    }) : () -> ()
    %mul3A_27 = arith.constant 640 : i32
    %mul3A_28 = arith.muli %arg1, %mul3A_27 : i32
    %add3A_29 = arith.constant 240 : i32
    %add3A_30 = arith.addi %mul3A_28, %add3A_29 : i32
    "tpu.region"() ({
      %run_scoped3A_75 = tpu.sem_alloc : memref<!tpu.dma_semaphore, #tpu.memory_space<semaphore_mem>>
      %dma_start3A_76 = arith.constant 0 : i32
      %dma_start3A_77 = tpu.memref_slice %arg6[%add3A_30, %dma_start3A_76] : memref<10240x128xf32, #tpu.memory_space<vmem_shared>> -> memref<80x128xf32, #tpu.memory_space<vmem_shared>>
      %dma_start3A_78 = arith.constant 0 : i32
      %dma_start3A_79 = tpu.memref_slice %arg6[%add3A_30, %dma_start3A_78] : memref<10240x128xf32, #tpu.memory_space<vmem_shared>> -> memref<80x128xf32, #tpu.memory_space<vmem_shared>>
      tpu.enqueue_dma source(%arg5 : memref<80x128xf32, #tpu.memory_space<vmem>>) target(%dma_start3A_79 : memref<80x128xf32, #tpu.memory_space<vmem_shared>>) target_semaphore(%run_scoped3A_75 : memref<!tpu.dma_semaphore, #tpu.memory_space<semaphore_mem>>)
      %dma_wait3A_80 = arith.constant 0 : i32
      %dma_wait3A_81 = tpu.memref_slice %arg6[%add3A_30, %dma_wait3A_80] : memref<10240x128xf32, #tpu.memory_space<vmem_shared>> -> memref<80x128xf32, #tpu.memory_space<vmem_shared>>
      %dma_wait3A_82 = arith.constant 0 : i32
      %dma_wait3A_83 = tpu.memref_slice %arg6[%add3A_30, %dma_wait3A_82] : memref<10240x128xf32, #tpu.memory_space<vmem_shared>> -> memref<80x128xf32, #tpu.memory_space<vmem_shared>>
      tpu.wait_dma2 semaphore(%run_scoped3A_75 : memref<!tpu.dma_semaphore, #tpu.memory_space<semaphore_mem>>) src(%arg5 : memref<80x128xf32, #tpu.memory_space<vmem>>) dst(%dma_wait3A_83 : memref<80x128xf32, #tpu.memory_space<vmem_shared>>)
      tpu.yield
    }) : () -> ()
    %mul3A_31 = arith.constant 640 : i32
    %mul3A_32 = arith.muli %arg1, %mul3A_31 : i32
    %add3A_33 = arith.constant 320 : i32
    %add3A_34 = arith.addi %mul3A_32, %add3A_33 : i32
    "tpu.region"() ({
      %run_scoped3A_75 = tpu.sem_alloc : memref<!tpu.dma_semaphore, #tpu.memory_space<semaphore_mem>>
      %dma_start3A_76 = arith.constant 0 : i32
      %dma_start3A_77 = tpu.memref_slice %arg6[%add3A_34, %dma_start3A_76] : memref<10240x128xf32, #tpu.memory_space<vmem_shared>> -> memref<80x128xf32, #tpu.memory_space<vmem_shared>>
      %dma_start3A_78 = arith.constant 0 : i32
      %dma_start3A_79 = tpu.memref_slice %arg6[%add3A_34, %dma_start3A_78] : memref<10240x128xf32, #tpu.memory_space<vmem_shared>> -> memref<80x128xf32, #tpu.memory_space<vmem_shared>>
      tpu.enqueue_dma source(%arg5 : memref<80x128xf32, #tpu.memory_space<vmem>>) target(%dma_start3A_79 : memref<80x128xf32, #tpu.memory_space<vmem_shared>>) target_semaphore(%run_scoped3A_75 : memref<!tpu.dma_semaphore, #tpu.memory_space<semaphore_mem>>)
      %dma_wait3A_80 = arith.constant 0 : i32
      %dma_wait3A_81 = tpu.memref_slice %arg6[%add3A_34, %dma_wait3A_80] : memref<10240x128xf32, #tpu.memory_space<vmem_shared>> -> memref<80x128xf32, #tpu.memory_space<vmem_shared>>
      %dma_wait3A_82 = arith.constant 0 : i32
      %dma_wait3A_83 = tpu.memref_slice %arg6[%add3A_34, %dma_wait3A_82] : memref<10240x128xf32, #tpu.memory_space<vmem_shared>> -> memref<80x128xf32, #tpu.memory_space<vmem_shared>>
      tpu.wait_dma2 semaphore(%run_scoped3A_75 : memref<!tpu.dma_semaphore, #tpu.memory_space<semaphore_mem>>) src(%arg5 : memref<80x128xf32, #tpu.memory_space<vmem>>) dst(%dma_wait3A_83 : memref<80x128xf32, #tpu.memory_space<vmem_shared>>)
      tpu.yield
    }) : () -> ()
    %mul3A_35 = arith.constant 640 : i32
    %mul3A_36 = arith.muli %arg1, %mul3A_35 : i32
    %add3A_37 = arith.constant 400 : i32
    %add3A_38 = arith.addi %mul3A_36, %add3A_37 : i32
    "tpu.region"() ({
      %run_scoped3A_75 = tpu.sem_alloc : memref<!tpu.dma_semaphore, #tpu.memory_space<semaphore_mem>>
      %dma_start3A_76 = arith.constant 0 : i32
      %dma_start3A_77 = tpu.memref_slice %arg6[%add3A_38, %dma_start3A_76] : memref<10240x128xf32, #tpu.memory_space<vmem_shared>> -> memref<80x128xf32, #tpu.memory_space<vmem_shared>>
      %dma_start3A_78 = arith.constant 0 : i32
      %dma_start3A_79 = tpu.memref_slice %arg6[%add3A_38, %dma_start3A_78] : memref<10240x128xf32, #tpu.memory_space<vmem_shared>> -> memref<80x128xf32, #tpu.memory_space<vmem_shared>>
      tpu.enqueue_dma source(%arg5 : memref<80x128xf32, #tpu.memory_space<vmem>>) target(%dma_start3A_79 : memref<80x128xf32, #tpu.memory_space<vmem_shared>>) target_semaphore(%run_scoped3A_75 : memref<!tpu.dma_semaphore, #tpu.memory_space<semaphore_mem>>)
      %dma_wait3A_80 = arith.constant 0 : i32
      %dma_wait3A_81 = tpu.memref_slice %arg6[%add3A_38, %dma_wait3A_80] : memref<10240x128xf32, #tpu.memory_space<vmem_shared>> -> memref<80x128xf32, #tpu.memory_space<vmem_shared>>
      %dma_wait3A_82 = arith.constant 0 : i32
      %dma_wait3A_83 = tpu.memref_slice %arg6[%add3A_38, %dma_wait3A_82] : memref<10240x128xf32, #tpu.memory_space<vmem_shared>> -> memref<80x128xf32, #tpu.memory_space<vmem_shared>>
      tpu.wait_dma2 semaphore(%run_scoped3A_75 : memref<!tpu.dma_semaphore, #tpu.memory_space<semaphore_mem>>) src(%arg5 : memref<80x128xf32, #tpu.memory_space<vmem>>) dst(%dma_wait3A_83 : memref<80x128xf32, #tpu.memory_space<vmem_shared>>)
      tpu.yield
    }) : () -> ()
    %mul3A_39 = arith.constant 640 : i32
    %mul3A_40 = arith.muli %arg1, %mul3A_39 : i32
    %add3A_41 = arith.constant 480 : i32
    %add3A_42 = arith.addi %mul3A_40, %add3A_41 : i32
    "tpu.region"() ({
      %run_scoped3A_75 = tpu.sem_alloc : memref<!tpu.dma_semaphore, #tpu.memory_space<semaphore_mem>>
      %dma_start3A_76 = arith.constant 0 : i32
      %dma_start3A_77 = tpu.memref_slice %arg6[%add3A_42, %dma_start3A_76] : memref<10240x128xf32, #tpu.memory_space<vmem_shared>> -> memref<80x128xf32, #tpu.memory_space<vmem_shared>>
      %dma_start3A_78 = arith.constant 0 : i32
      %dma_start3A_79 = tpu.memref_slice %arg6[%add3A_42, %dma_start3A_78] : memref<10240x128xf32, #tpu.memory_space<vmem_shared>> -> memref<80x128xf32, #tpu.memory_space<vmem_shared>>
      tpu.enqueue_dma source(%arg5 : memref<80x128xf32, #tpu.memory_space<vmem>>) target(%dma_start3A_79 : memref<80x128xf32, #tpu.memory_space<vmem_shared>>) target_semaphore(%run_scoped3A_75 : memref<!tpu.dma_semaphore, #tpu.memory_space<semaphore_mem>>)
      %dma_wait3A_80 = arith.constant 0 : i32
      %dma_wait3A_81 = tpu.memref_slice %arg6[%add3A_42, %dma_wait3A_80] : memref<10240x128xf32, #tpu.memory_space<vmem_shared>> -> memref<80x128xf32, #tpu.memory_space<vmem_shared>>
      %dma_wait3A_82 = arith.constant 0 : i32
      %dma_wait3A_83 = tpu.memref_slice %arg6[%add3A_42, %dma_wait3A_82] : memref<10240x128xf32, #tpu.memory_space<vmem_shared>> -> memref<80x128xf32, #tpu.memory_space<vmem_shared>>
      tpu.wait_dma2 semaphore(%run_scoped3A_75 : memref<!tpu.dma_semaphore, #tpu.memory_space<semaphore_mem>>) src(%arg5 : memref<80x128xf32, #tpu.memory_space<vmem>>) dst(%dma_wait3A_83 : memref<80x128xf32, #tpu.memory_space<vmem_shared>>)
      tpu.yield
    }) : () -> ()
    %mul3A_43 = arith.constant 640 : i32
    %mul3A_44 = arith.muli %arg1, %mul3A_43 : i32
    %add3A_45 = arith.constant 560 : i32
    %add3A_46 = arith.addi %mul3A_44, %add3A_45 : i32
    "tpu.region"() ({
      %run_scoped3A_75 = tpu.sem_alloc : memref<!tpu.dma_semaphore, #tpu.memory_space<semaphore_mem>>
      %dma_start3A_76 = arith.constant 0 : i32
      %dma_start3A_77 = tpu.memref_slice %arg6[%add3A_46, %dma_start3A_76] : memref<10240x128xf32, #tpu.memory_space<vmem_shared>> -> memref<80x128xf32, #tpu.memory_space<vmem_shared>>
      %dma_start3A_78 = arith.constant 0 : i32
      %dma_start3A_79 = tpu.memref_slice %arg6[%add3A_46, %dma_start3A_78] : memref<10240x128xf32, #tpu.memory_space<vmem_shared>> -> memref<80x128xf32, #tpu.memory_space<vmem_shared>>
      tpu.enqueue_dma source(%arg5 : memref<80x128xf32, #tpu.memory_space<vmem>>) target(%dma_start3A_79 : memref<80x128xf32, #tpu.memory_space<vmem_shared>>) target_semaphore(%run_scoped3A_75 : memref<!tpu.dma_semaphore, #tpu.memory_space<semaphore_mem>>)
      %dma_wait3A_80 = arith.constant 0 : i32
      %dma_wait3A_81 = tpu.memref_slice %arg6[%add3A_46, %dma_wait3A_80] : memref<10240x128xf32, #tpu.memory_space<vmem_shared>> -> memref<80x128xf32, #tpu.memory_space<vmem_shared>>
      %dma_wait3A_82 = arith.constant 0 : i32
      %dma_wait3A_83 = tpu.memref_slice %arg6[%add3A_46, %dma_wait3A_82] : memref<10240x128xf32, #tpu.memory_space<vmem_shared>> -> memref<80x128xf32, #tpu.memory_space<vmem_shared>>
      tpu.wait_dma2 semaphore(%run_scoped3A_75 : memref<!tpu.dma_semaphore, #tpu.memory_space<semaphore_mem>>) src(%arg5 : memref<80x128xf32, #tpu.memory_space<vmem>>) dst(%dma_wait3A_83 : memref<80x128xf32, #tpu.memory_space<vmem_shared>>)
      tpu.yield
    }) : () -> ()
    %broadcast_in_dim3A_47 = arith.constant 1.000000e+00 : f32
    %broadcast_in_dim3A_48 = vector.broadcast %broadcast_in_dim3A_47 : f32 to vector<16xf32>
    %scan3A_49 = arith.constant 0 : i32
    %scan3A_50 = arith.constant 0 : i32
    %scan3A_51 = arith.constant 640 : i32
    %scan3A_52 = arith.addi %scan3A_50, %scan3A_51 : i32
    %scan3A_53 = arith.constant 1 : i32
    %scan3A_54 = scf.for %scan3A_75 = %scan3A_50 to %scan3A_52 step %scan3A_53 iter_args(%scan3A_76 = %scan3A_49) -> (i32)  : i32 {
      %jit3A = arith.constant 8 : i32
      %div3A = arith.divsi %scan3A_75, %jit3A : i32
      %sign3A = arith.constant 0 : i32
      %sign3A_77 = arith.cmpi sgt, %scan3A_75, %sign3A : i32
      %sign3A_78 = arith.extui %sign3A_77 : i1 to i32
      %sign3A_79 = arith.constant 0 : i32
      %sign3A_80 = arith.cmpi slt, %scan3A_75, %sign3A_79 : i32
      %sign3A_81 = arith.extui %sign3A_80 : i1 to i32
      %sign3A_82 = arith.subi %sign3A_78, %sign3A_81 : i32
      %sign3A_83 = arith.constant 0 : i32
      %sign3A_84 = arith.cmpi sgt, %jit3A, %sign3A_83 : i32
      %sign3A_85 = arith.extui %sign3A_84 : i1 to i32
      %sign3A_86 = arith.constant 0 : i32
      %sign3A_87 = arith.cmpi slt, %jit3A, %sign3A_86 : i32
      %sign3A_88 = arith.extui %sign3A_87 : i1 to i32
      %sign3A_89 = arith.subi %sign3A_85, %sign3A_88 : i32
      %ne3A = arith.cmpi ne, %sign3A_82, %sign3A_89 : i32
      %rem3A = arith.remsi %scan3A_75, %jit3A : i32
      %ne3A_90 = arith.constant 0 : i32
      %ne3A_91 = arith.cmpi ne, %rem3A, %ne3A_90 : i32
      %and3A = arith.andi %ne3A, %ne3A_91 : i1
      %sub3A = arith.constant 1 : i32
      %sub3A_92 = arith.subi %div3A, %sub3A : i32
      %select_n3A = arith.select %and3A, %sub3A_92, %div3A : i32
      %jit3A_93 = arith.constant 8 : i32
      %eq3A = arith.constant 0 : i32
      %eq3A_94 = arith.cmpi eq, %jit3A_93, %eq3A : i32
      %jit3A_95 = arith.constant 1 : i32
      %select_n3A_96 = arith.select %eq3A_94, %jit3A_95, %jit3A_93 : i32
      %rem3A_97 = arith.remsi %scan3A_75, %select_n3A_96 : i32
      %ne3A_98 = arith.constant 0 : i32
      %ne3A_99 = arith.cmpi ne, %rem3A_97, %ne3A_98 : i32
      %lt3A = arith.constant 0 : i32
      %lt3A_100 = arith.cmpi slt, %rem3A_97, %lt3A : i32
      %lt3A_101 = arith.constant 0 : i32
      %lt3A_102 = arith.cmpi slt, %select_n3A_96, %lt3A_101 : i32
      %ne3A_103 = arith.xori %lt3A_100, %lt3A_102 : i1
      %and3A_104 = arith.andi %ne3A_103, %ne3A_99 : i1
      %add3A_105 = arith.addi %rem3A_97, %select_n3A_96 : i32
      %select_n3A_106 = arith.select %and3A_104, %add3A_105, %rem3A_97 : i32
      %mul3A_107 = arith.constant 16 : i32
      %mul3A_108 = arith.muli %select_n3A_106, %mul3A_107 : i32
      %swap3A = arith.index_cast %select_n3A : i32 to index
      %swap3A_109 = arith.index_cast %mul3A_108 : i32 to index
      %swap3A_110 = tpu.vector_load %arg5[%swap3A, %swap3A_109] {strides = array<i32>} : memref<80x128xf32, #tpu.memory_space<vmem>>, vector<1x16xf32>,
      %swap3A_111 = vector.shape_cast %swap3A_110 : vector<1x16xf32> to vector<16xf32>
      %swap3A_112 = vector.shape_cast %broadcast_in_dim3A_48 : vector<16xf32> to vector<1x16xf32>
      tpu.vector_store %arg5[%swap3A, %swap3A_109], %swap3A_112 {strides = array<i32>} : memref<80x128xf32, #tpu.memory_space<vmem>>, vector<1x16xf32>,
      %scan3A_113 = arith.constant 0 : i32
      scf.yield %scan3A_113 : i32
    }
    %scan3A_55 = arith.constant 640 : i32
    %dma_wait3A = arith.constant 0 : i32
    %dma_wait3A_56 = arith.constant 0 : i32
    %dma_wait3A_57 = tpu.memref_slice %arg2[%add3A, %dma_wait3A, %dma_wait3A_56] : memref<32x125x80xi32, #tpu.memory_space<hbm>> -> memref<1x125x80xi32, #tpu.memory_space<hbm>>
    %dma_wait3A_58 = tpu.memref_squeeze %dma_wait3A_57 : memref<1x125x80xi32, #tpu.memory_space<hbm>> -> memref<125x80xi32, #tpu.memory_space<hbm>>
    %dma_wait3A_59 = arith.constant 0 : i32
    %dma_wait3A_60 = arith.constant 0 : i32
    %dma_wait3A_61 = tpu.memref_slice %arg2[%add3A, %dma_wait3A_59, %dma_wait3A_60] : memref<32x125x80xi32, #tpu.memory_space<hbm>> -> memref<1x125x80xi32, #tpu.memory_space<hbm>>
    %dma_wait3A_62 = tpu.memref_squeeze %dma_wait3A_61 : memref<1x125x80xi32, #tpu.memory_space<hbm>> -> memref<125x80xi32, #tpu.memory_space<hbm>>
    tpu.wait_dma2 semaphore(%arg7 : memref<!tpu.dma_semaphore, #tpu.memory_space<semaphore_mem>>) src(%dma_wait3A_62 : memref<125x80xi32, #tpu.memory_space<hbm>>) dst(%arg4 : memref<125x80xi32, #tpu.memory_space<vmem>>)
    %barrier3A = arith.constant 0 : index
    tpu.barrier barrier_id(%barrier3A)
    %scan3A_63 = arith.constant 0 : i32
    %scan3A_64 = arith.constant 0 : i32
    %scan3A_65 = arith.constant 62 : i32
    %scan3A_66 = arith.addi %scan3A_64, %scan3A_65 : i32
    %scan3A_67 = arith.constant 1 : i32
    %scan3A_68 = scf.for %scan3A_75 = %scan3A_64 to %scan3A_66 step %scan3A_67 iter_args(%scan3A_76 = %scan3A_63) -> (i32)  : i32 {
      %mul3A_77 = arith.constant 2 : i32
      %mul3A_78 = arith.muli %mul3A_77, %scan3A_75 : i32
      %add3A_79 = arith.constant 1 : i32
      %add3A_80 = arith.addi %mul3A_78, %add3A_79 : i32
      %dma_start3A_81 = arith.constant 0 : i32
      %dma_start3A_82 = tpu.memref_slice %arg4[%mul3A_78, %dma_start3A_81] : memref<125x80xi32, #tpu.memory_space<vmem>> -> memref<1x80xi32, #tpu.memory_space<vmem>>
      %dma_start3A_83 = tpu.memref_squeeze %dma_start3A_82 : memref<1x80xi32, #tpu.memory_space<vmem>> -> memref<80xi32, #tpu.memory_space<vmem>>
      %dma_start3A_84 = arith.constant 0 : i32
      %dma_start3A_85 = arith.constant 0 : i32
      %dma_start3A_86 = tpu.memref_slice %arg6[%dma_start3A_84, %dma_start3A_85] : memref<10240x128xf32, #tpu.memory_space<vmem_shared>> -> memref<10240x128xf32, #tpu.memory_space<vmem_shared>>
      tpu.enqueue_indirect_dma source(%arg5 : memref<80x128xf32, #tpu.memory_space<vmem>>) target(%dma_start3A_86 : memref<10240x128xf32, #tpu.memory_space<vmem_shared>>) offsets(%dma_start3A_83 : memref<80xi32, #tpu.memory_space<vmem>>) semaphore(%arg8 : memref<!tpu.dma_semaphore, #tpu.memory_space<semaphore_mem>>) {add = true}
      %dma_start3A_87 = arith.constant 0 : i32
      %dma_start3A_88 = tpu.memref_slice %arg4[%add3A_80, %dma_start3A_87] : memref<125x80xi32, #tpu.memory_space<vmem>> -> memref<1x80xi32, #tpu.memory_space<vmem>>
      %dma_start3A_89 = tpu.memref_squeeze %dma_start3A_88 : memref<1x80xi32, #tpu.memory_space<vmem>> -> memref<80xi32, #tpu.memory_space<vmem>>
      %dma_start3A_90 = arith.constant 0 : i32
      %dma_start3A_91 = arith.constant 0 : i32
      %dma_start3A_92 = tpu.memref_slice %arg6[%dma_start3A_90, %dma_start3A_91] : memref<10240x128xf32, #tpu.memory_space<vmem_shared>> -> memref<10240x128xf32, #tpu.memory_space<vmem_shared>>
      tpu.enqueue_indirect_dma source(%arg5 : memref<80x128xf32, #tpu.memory_space<vmem>>) target(%dma_start3A_92 : memref<10240x128xf32, #tpu.memory_space<vmem_shared>>) offsets(%dma_start3A_89 : memref<80xi32, #tpu.memory_space<vmem>>) semaphore(%arg9 : memref<!tpu.dma_semaphore, #tpu.memory_space<semaphore_mem>>) {add = true}
      %dma_wait3A_93 = arith.constant 0 : i32
      %dma_wait3A_94 = tpu.memref_slice %arg4[%mul3A_78, %dma_wait3A_93] : memref<125x80xi32, #tpu.memory_space<vmem>> -> memref<1x80xi32, #tpu.memory_space<vmem>>
      %dma_wait3A_95 = tpu.memref_squeeze %dma_wait3A_94 : memref<1x80xi32, #tpu.memory_space<vmem>> -> memref<80xi32, #tpu.memory_space<vmem>>
      %dma_wait3A_96 = arith.constant 0 : i32
      %dma_wait3A_97 = arith.constant 0 : i32
      %dma_wait3A_98 = tpu.memref_slice %arg6[%dma_wait3A_96, %dma_wait3A_97] : memref<10240x128xf32, #tpu.memory_space<vmem_shared>> -> memref<10240x128xf32, #tpu.memory_space<vmem_shared>>
      tpu.wait_indirect_dma semaphore(%arg8 : memref<!tpu.dma_semaphore, #tpu.memory_space<semaphore_mem>>) src(%arg5 : memref<80x128xf32, #tpu.memory_space<vmem>>) dst(%dma_wait3A_98 : memref<10240x128xf32, #tpu.memory_space<vmem_shared>>)
      %dma_wait3A_99 = arith.constant 0 : i32
      %dma_wait3A_100 = tpu.memref_slice %arg4[%add3A_80, %dma_wait3A_99] : memref<125x80xi32, #tpu.memory_space<vmem>> -> memref<1x80xi32, #tpu.memory_space<vmem>>
      %dma_wait3A_101 = tpu.memref_squeeze %dma_wait3A_100 : memref<1x80xi32, #tpu.memory_space<vmem>> -> memref<80xi32, #tpu.memory_space<vmem>>
      %dma_wait3A_102 = arith.constant 0 : i32
      %dma_wait3A_103 = arith.constant 0 : i32
      %dma_wait3A_104 = tpu.memref_slice %arg6[%dma_wait3A_102, %dma_wait3A_103] : memref<10240x128xf32, #tpu.memory_space<vmem_shared>> -> memref<10240x128xf32, #tpu.memory_space<vmem_shared>>
      tpu.wait_indirect_dma semaphore(%arg9 : memref<!tpu.dma_semaphore, #tpu.memory_space<semaphore_mem>>) src(%arg5 : memref<80x128xf32, #tpu.memory_space<vmem>>) dst(%dma_wait3A_104 : memref<10240x128xf32, #tpu.memory_space<vmem_shared>>)
      %scan3A_105 = arith.constant 0 : i32
      scf.yield %scan3A_105 : i32
    }
    %scan3A_69 = arith.constant 62 : i32
    %run_scoped3A = arith.constant 124 : i32
    "tpu.region"() ({
      %run_scoped3A_75 = tpu.sem_alloc : memref<!tpu.dma_semaphore, #tpu.memory_space<semaphore_mem>>
      %dma_start3A_76 = arith.constant 0 : i32
      %dma_start3A_77 = tpu.memref_slice %arg4[%run_scoped3A, %dma_start3A_76] : memref<125x80xi32, #tpu.memory_space<vmem>> -> memref<1x80xi32, #tpu.memory_space<vmem>>
      %dma_start3A_78 = tpu.memref_squeeze %dma_start3A_77 : memref<1x80xi32, #tpu.memory_space<vmem>> -> memref<80xi32, #tpu.memory_space<vmem>>
      %dma_start3A_79 = arith.constant 0 : i32
      %dma_start3A_80 = arith.constant 0 : i32
      %dma_start3A_81 = tpu.memref_slice %arg6[%dma_start3A_79, %dma_start3A_80] : memref<10240x128xf32, #tpu.memory_space<vmem_shared>> -> memref<10240x128xf32, #tpu.memory_space<vmem_shared>>
      tpu.enqueue_indirect_dma source(%arg5 : memref<80x128xf32, #tpu.memory_space<vmem>>) target(%dma_start3A_81 : memref<10240x128xf32, #tpu.memory_space<vmem_shared>>) offsets(%dma_start3A_78 : memref<80xi32, #tpu.memory_space<vmem>>) semaphore(%run_scoped3A_75 : memref<!tpu.dma_semaphore, #tpu.memory_space<semaphore_mem>>) {add = true}
      %dma_wait3A_82 = arith.constant 0 : i32
      %dma_wait3A_83 = tpu.memref_slice %arg4[%run_scoped3A, %dma_wait3A_82] : memref<125x80xi32, #tpu.memory_space<vmem>> -> memref<1x80xi32, #tpu.memory_space<vmem>>
      %dma_wait3A_84 = tpu.memref_squeeze %dma_wait3A_83 : memref<1x80xi32, #tpu.memory_space<vmem>> -> memref<80xi32, #tpu.memory_space<vmem>>
      %dma_wait3A_85 = arith.constant 0 : i32
      %dma_wait3A_86 = arith.constant 0 : i32
      %dma_wait3A_87 = tpu.memref_slice %arg6[%dma_wait3A_85, %dma_wait3A_86] : memref<10240x128xf32, #tpu.memory_space<vmem_shared>> -> memref<10240x128xf32, #tpu.memory_space<vmem_shared>>
      tpu.wait_indirect_dma semaphore(%run_scoped3A_75 : memref<!tpu.dma_semaphore, #tpu.memory_space<semaphore_mem>>) src(%arg5 : memref<80x128xf32, #tpu.memory_space<vmem>>) dst(%dma_wait3A_87 : memref<10240x128xf32, #tpu.memory_space<vmem_shared>>)
      tpu.yield
    }) : () -> ()
    %barrier3A_70 = arith.constant 0 : index
    tpu.barrier barrier_id(%barrier3A_70)
    %mul3A_71 = arith.constant 640 : i32
    %mul3A_72 = arith.muli %arg1, %mul3A_71 : i32
    %mul3A_73 = arith.constant 640 : i32
    %mul3A_74 = arith.muli %arg1, %mul3A_73 : i32
    "tpu.region"() ({
      %run_scoped3A_75 = tpu.sem_alloc : memref<!tpu.dma_semaphore, #tpu.memory_space<semaphore_mem>>
      %dma_start3A_76 = arith.constant 0 : i32
      %dma_start3A_77 = tpu.memref_slice %arg3[%arg0, %mul3A_74, %dma_start3A_76] : memref<2x10240x128xf32, #tpu.memory_space<hbm>> -> memref<1x640x128xf32, #tpu.memory_space<hbm>>
      %dma_start3A_78 = tpu.memref_squeeze %dma_start3A_77 : memref<1x640x128xf32, #tpu.memory_space<hbm>> -> memref<640x128xf32, #tpu.memory_space<hbm>>
      %dma_start3A_79 = arith.constant 0 : i32
      %dma_start3A_80 = tpu.memref_slice %arg6[%mul3A_72, %dma_start3A_79] : memref<10240x128xf32, #tpu.memory_space<vmem_shared>> -> memref<640x128xf32, #tpu.memory_space<vmem_shared>>
      tpu.enqueue_dma source(%dma_start3A_80 : memref<640x128xf32, #tpu.memory_space<vmem_shared>>) target(%dma_start3A_78 : memref<640x128xf32, #tpu.memory_space<hbm>>) target_semaphore(%run_scoped3A_75 : memref<!tpu.dma_semaphore, #tpu.memory_space<semaphore_mem>>)
      %dma_wait3A_81 = arith.constant 0 : i32
      %dma_wait3A_82 = tpu.memref_slice %arg3[%arg0, %mul3A_74, %dma_wait3A_81] : memref<2x10240x128xf32, #tpu.memory_space<hbm>> -> memref<1x640x128xf32, #tpu.memory_space<hbm>>
      %dma_wait3A_83 = tpu.memref_squeeze %dma_wait3A_82 : memref<1x640x128xf32, #tpu.memory_space<hbm>> -> memref<640x128xf32, #tpu.memory_space<hbm>>
      %dma_wait3A_84 = arith.constant 0 : i32
      %dma_wait3A_85 = tpu.memref_slice %arg6[%mul3A_72, %dma_wait3A_84] : memref<10240x128xf32, #tpu.memory_space<vmem_shared>> -> memref<640x128xf32, #tpu.memory_space<vmem_shared>>
      tpu.wait_dma2 semaphore(%run_scoped3A_75 : memref<!tpu.dma_semaphore, #tpu.memory_space<semaphore_mem>>) src(%dma_wait3A_85 : memref<640x128xf32, #tpu.memory_space<vmem_shared>>) dst(%dma_wait3A_83 : memref<640x128xf32, #tpu.memory_space<hbm>>)
      tpu.yield
    }) : () -> ()
    return
  }
}

module attributes {stable_mosaic.version = 14 : i64} {
  func.func @_dense_block(%arg0: i32, %arg1: memref<2x2000x128xf32, #tpu.memory_space<vmem>>, %arg2: memref<2x2000x16xf32, #tpu.memory_space<vmem>>, %arg3: memref<2000x128xf32, #tpu.memory_space<vmem>>, %arg4: memref<128x128xf32, #tpu.memory_space<vmem>>, %arg5: memref<128x128xf32, #tpu.memory_space<vmem>>, %arg6: memref<1x128xf32, #tpu.memory_space<vmem>>, %arg7: memref<2000x128xf32, #tpu.memory_space<vmem>>) attributes {dimension_semantics = [#tpu.dimension_semantics<arbitrary>], iteration_bounds = array<i64: 5>, scalar_prefetch = 0 : i64, scratch_operands = 0 : i64, tpu.core_type = #tpu.core_type<tc>, window_params = [{transform_indices = @transform_0, window_bounds = array<i64: 2, 2000, 128>}, {transform_indices = @transform_1, window_bounds = array<i64: 2, 2000, 16>}, {transform_indices = @transform_2, window_bounds = array<i64: 2000, 128>}, {pipeline_mode = #tpu.pipeline_mode<synchronous>, transform_indices = @transform_3, window_bounds = array<i64: 128, 128>}, {pipeline_mode = #tpu.pipeline_mode<synchronous>, transform_indices = @transform_4, window_bounds = array<i64: 128, 128>}, {pipeline_mode = #tpu.pipeline_mode<synchronous>, transform_indices = @transform_5, window_bounds = array<i64: 1, 128>}, {transform_indices = @transform_6, window_bounds = array<i64: 2000, 128>}]} {
    %get3A = arith.constant 0 : index
    %get3A_0 = arith.constant 0 : index
    %get3A_1 = arith.constant 0 : index
    %get3A_2 = vector.load %arg2[%get3A, %get3A_0, %get3A_1] : memref<2x2000x16xf32, #tpu.memory_space<vmem>>, vector<1x2000x1xf32>
    %get3A_3 = vector.shape_cast %get3A_2 : vector<1x2000x1xf32> to vector<2000xf32>
    %get3A_4 = arith.constant 1 : index
    %get3A_5 = arith.constant 0 : index
    %get3A_6 = arith.constant 0 : index
    %get3A_7 = vector.load %arg2[%get3A_4, %get3A_5, %get3A_6] : memref<2x2000x16xf32, #tpu.memory_space<vmem>>, vector<1x2000x1xf32>
    %get3A_8 = vector.shape_cast %get3A_7 : vector<1x2000x1xf32> to vector<2000xf32>
    %add3A = arith.addf %get3A_3, %get3A_8 : vector<2000xf32>
    %max3A = arith.constant 1.000000e+00 : f32
    %max3A_9 = vector.broadcast %max3A : f32 to vector<2000xf32>
    %max3A_10 = arith.maximumf %add3A, %max3A_9 : vector<2000xf32>
    %div3A = arith.constant 1.000000e+00 : f32
    %div3A_11 = vector.broadcast %div3A : f32 to vector<2000xf32>
    %div3A_12 = arith.divf %div3A_11, %max3A_10 : vector<2000xf32>
    %get3A_13 = arith.constant 0 : index
    %get3A_14 = arith.constant 0 : index
    %get3A_15 = arith.constant 0 : index
    %get3A_16 = vector.load %arg1[%get3A_13, %get3A_14, %get3A_15] : memref<2x2000x128xf32, #tpu.memory_space<vmem>>, vector<1x2000x128xf32>
    %get3A_17 = vector.shape_cast %get3A_16 : vector<1x2000x128xf32> to vector<2000x128xf32>
    %get3A_18 = arith.constant 1 : index
    %get3A_19 = arith.constant 0 : index
    %get3A_20 = arith.constant 0 : index
    %get3A_21 = vector.load %arg1[%get3A_18, %get3A_19, %get3A_20] : memref<2x2000x128xf32, #tpu.memory_space<vmem>>, vector<1x2000x128xf32>
    %get3A_22 = vector.shape_cast %get3A_21 : vector<1x2000x128xf32> to vector<2000x128xf32>
    %add3A_23 = arith.addf %get3A_17, %get3A_22 : vector<2000x128xf32>
    %broadcast_in_dim3A = vector.shape_cast %div3A_12 : vector<2000xf32> to vector<2000x1xf32>
    %mul3A = vector.broadcast %broadcast_in_dim3A : vector<2000x1xf32> to vector<2000x128xf32>
    %mul3A_24 = arith.mulf %add3A_23, %mul3A : vector<2000x128xf32>
    %get3A_25 = arith.constant 0 : index
    %get3A_26 = arith.constant 0 : index
    %get3A_27 = vector.load %arg4[%get3A_25, %get3A_26] : memref<128x128xf32, #tpu.memory_space<vmem>>, vector<128x128xf32>
    %dot_general3A = arith.constant dense<0.000000e+00> : vector<2000x128xf32>
    %dot_general3A_28 = tpu.matmul %mul3A_24, %get3A_27, %dot_general3A {dimension_numbers = #tpu.dot_dimension_numbers<[1], [0], [0], [1], [0, 0, 1, 1], [], []>, transpose_lhs_hint = false} : vector<2000x128xf32>, vector<128x128xf32>, vector<2000x128xf32> -> vector<2000x128xf32>
    %get3A_29 = arith.constant 0 : index
    %get3A_30 = arith.constant 0 : index
    %get3A_31 = vector.load %arg3[%get3A_29, %get3A_30] : memref<2000x128xf32, #tpu.memory_space<vmem>>, vector<2000x128xf32>
    %get3A_32 = arith.constant 0 : index
    %get3A_33 = arith.constant 0 : index
    %get3A_34 = vector.load %arg5[%get3A_32, %get3A_33] : memref<128x128xf32, #tpu.memory_space<vmem>>, vector<128x128xf32>
    %dot_general3A_35 = arith.constant dense<0.000000e+00> : vector<2000x128xf32>
    %dot_general3A_36 = tpu.matmul %get3A_31, %get3A_34, %dot_general3A_35 {dimension_numbers = #tpu.dot_dimension_numbers<[1], [0], [0], [1], [0, 0, 1, 1], [], []>, transpose_lhs_hint = false} : vector<2000x128xf32>, vector<128x128xf32>, vector<2000x128xf32> -> vector<2000x128xf32>
    %add3A_37 = arith.addf %dot_general3A_28, %dot_general3A_36 : vector<2000x128xf32>
    %get3A_38 = arith.constant 0 : index
    %get3A_39 = arith.constant 0 : index
    %get3A_40 = vector.load %arg6[%get3A_38, %get3A_39] : memref<1x128xf32, #tpu.memory_space<vmem>>, vector<1x128xf32>
    %add3A_41 = vector.broadcast %get3A_40 : vector<1x128xf32> to vector<2000x128xf32>
    %add3A_42 = arith.addf %add3A_37, %add3A_41 : vector<2000x128xf32>
    %max3A_43 = arith.constant 0.000000e+00 : f32
    %max3A_44 = vector.broadcast %max3A_43 : f32 to vector<2000x128xf32>
    %max3A_45 = arith.maximumf %add3A_42, %max3A_44 : vector<2000x128xf32>
    %swap3A = arith.constant 0 : index
    %swap3A_46 = arith.constant 0 : index
    %swap3A_47 = vector.load %arg7[%swap3A, %swap3A_46] : memref<2000x128xf32, #tpu.memory_space<vmem>>, vector<2000x128xf32>
    tpu.vector_store %arg7[%swap3A, %swap3A_46], %max3A_45 {strides = array<i32>} : memref<2000x128xf32, #tpu.memory_space<vmem>>, vector<2000x128xf32>,
    return
  }
  func.func @transform_0(%arg0: i32) -> (i32, i32, i32) {
    %c0_i32 = arith.constant 0 : i32
    %c0_i32_0 = arith.constant 0 : i32
    %c0_i32_1 = arith.constant 0 : i32
    return %c0_i32, %arg0, %c0_i32_0 : i32, i32, i32
  }
  func.func @transform_1(%arg0: i32) -> (i32, i32, i32) {
    %c0_i32 = arith.constant 0 : i32
    %c0_i32_0 = arith.constant 0 : i32
    %c0_i32_1 = arith.constant 0 : i32
    return %c0_i32, %arg0, %c0_i32_0 : i32, i32, i32
  }
  func.func @transform_2(%arg0: i32) -> (i32, i32) {
    %c0_i32 = arith.constant 0 : i32
    %c0_i32_0 = arith.constant 0 : i32
    return %arg0, %c0_i32 : i32, i32
  }
  func.func @transform_3(%arg0: i32) -> (i32, i32) {
    %c0_i32 = arith.constant 0 : i32
    %c0_i32_0 = arith.constant 0 : i32
    %c0_i32_1 = arith.constant 0 : i32
    return %c0_i32, %c0_i32_0 : i32, i32
  }
  func.func @transform_4(%arg0: i32) -> (i32, i32) {
    %c0_i32 = arith.constant 0 : i32
    %c0_i32_0 = arith.constant 0 : i32
    %c0_i32_1 = arith.constant 0 : i32
    return %c0_i32, %c0_i32_0 : i32, i32
  }
  func.func @transform_5(%arg0: i32) -> (i32, i32) {
    %c0_i32 = arith.constant 0 : i32
    %c0_i32_0 = arith.constant 0 : i32
    %c0_i32_1 = arith.constant 0 : i32
    return %c0_i32, %c0_i32_0 : i32, i32
  }
  func.func @transform_6(%arg0: i32) -> (i32, i32) {
    %c0_i32 = arith.constant 0 : i32
    %c0_i32_0 = arith.constant 0 : i32
    return %arg0, %c0_i32 : i32, i32
  }
}

module attributes {stable_mosaic.version = 14 : i64} {
  func.func @_dense_block(%arg0: i32, %arg1: memref<2x2000x128xf32, #tpu.memory_space<vmem>>, %arg2: memref<2x2000x16xf32, #tpu.memory_space<vmem>>, %arg3: memref<2000x128xf32, #tpu.memory_space<vmem>>, %arg4: memref<128x128xf32, #tpu.memory_space<vmem>>, %arg5: memref<128x128xf32, #tpu.memory_space<vmem>>, %arg6: memref<1x128xf32, #tpu.memory_space<vmem>>, %arg7: memref<2000x128xf32, #tpu.memory_space<vmem>>) attributes {dimension_semantics = [#tpu.dimension_semantics<arbitrary>], iteration_bounds = array<i64: 5>, scalar_prefetch = 0 : i64, scratch_operands = 0 : i64, tpu.core_type = #tpu.core_type<tc>, window_params = [{transform_indices = @transform_0, window_bounds = array<i64: 2, 2000, 128>}, {transform_indices = @transform_1, window_bounds = array<i64: 2, 2000, 16>}, {transform_indices = @transform_2, window_bounds = array<i64: 2000, 128>}, {pipeline_mode = #tpu.pipeline_mode<synchronous>, transform_indices = @transform_3, window_bounds = array<i64: 128, 128>}, {pipeline_mode = #tpu.pipeline_mode<synchronous>, transform_indices = @transform_4, window_bounds = array<i64: 128, 128>}, {pipeline_mode = #tpu.pipeline_mode<synchronous>, transform_indices = @transform_5, window_bounds = array<i64: 1, 128>}, {transform_indices = @transform_6, window_bounds = array<i64: 2000, 128>}]} {
    %get3A = arith.constant 0 : index
    %get3A_0 = arith.constant 0 : index
    %get3A_1 = arith.constant 0 : index
    %get3A_2 = vector.load %arg2[%get3A, %get3A_0, %get3A_1] : memref<2x2000x16xf32, #tpu.memory_space<vmem>>, vector<1x2000x1xf32>
    %get3A_3 = vector.shape_cast %get3A_2 : vector<1x2000x1xf32> to vector<2000xf32>
    %get3A_4 = arith.constant 1 : index
    %get3A_5 = arith.constant 0 : index
    %get3A_6 = arith.constant 0 : index
    %get3A_7 = vector.load %arg2[%get3A_4, %get3A_5, %get3A_6] : memref<2x2000x16xf32, #tpu.memory_space<vmem>>, vector<1x2000x1xf32>
    %get3A_8 = vector.shape_cast %get3A_7 : vector<1x2000x1xf32> to vector<2000xf32>
    %add3A = arith.addf %get3A_3, %get3A_8 : vector<2000xf32>
    %max3A = arith.constant 1.000000e+00 : f32
    %max3A_9 = vector.broadcast %max3A : f32 to vector<2000xf32>
    %max3A_10 = arith.maximumf %add3A, %max3A_9 : vector<2000xf32>
    %div3A = arith.constant 1.000000e+00 : f32
    %div3A_11 = vector.broadcast %div3A : f32 to vector<2000xf32>
    %div3A_12 = arith.divf %div3A_11, %max3A_10 : vector<2000xf32>
    %get3A_13 = arith.constant 0 : index
    %get3A_14 = arith.constant 0 : index
    %get3A_15 = arith.constant 0 : index
    %get3A_16 = vector.load %arg1[%get3A_13, %get3A_14, %get3A_15] : memref<2x2000x128xf32, #tpu.memory_space<vmem>>, vector<1x2000x128xf32>
    %get3A_17 = vector.shape_cast %get3A_16 : vector<1x2000x128xf32> to vector<2000x128xf32>
    %get3A_18 = arith.constant 1 : index
    %get3A_19 = arith.constant 0 : index
    %get3A_20 = arith.constant 0 : index
    %get3A_21 = vector.load %arg1[%get3A_18, %get3A_19, %get3A_20] : memref<2x2000x128xf32, #tpu.memory_space<vmem>>, vector<1x2000x128xf32>
    %get3A_22 = vector.shape_cast %get3A_21 : vector<1x2000x128xf32> to vector<2000x128xf32>
    %add3A_23 = arith.addf %get3A_17, %get3A_22 : vector<2000x128xf32>
    %broadcast_in_dim3A = vector.shape_cast %div3A_12 : vector<2000xf32> to vector<2000x1xf32>
    %mul3A = vector.broadcast %broadcast_in_dim3A : vector<2000x1xf32> to vector<2000x128xf32>
    %mul3A_24 = arith.mulf %add3A_23, %mul3A : vector<2000x128xf32>
    %get3A_25 = arith.constant 0 : index
    %get3A_26 = arith.constant 0 : index
    %get3A_27 = vector.load %arg4[%get3A_25, %get3A_26] : memref<128x128xf32, #tpu.memory_space<vmem>>, vector<128x128xf32>
    %dot_general3A = arith.constant dense<0.000000e+00> : vector<2000x128xf32>
    %dot_general3A_28 = tpu.matmul %mul3A_24, %get3A_27, %dot_general3A {dimension_numbers = #tpu.dot_dimension_numbers<[1], [0], [0], [1], [0, 0, 1, 1], [], []>, transpose_lhs_hint = false} : vector<2000x128xf32>, vector<128x128xf32>, vector<2000x128xf32> -> vector<2000x128xf32>
    %get3A_29 = arith.constant 0 : index
    %get3A_30 = arith.constant 0 : index
    %get3A_31 = vector.load %arg3[%get3A_29, %get3A_30] : memref<2000x128xf32, #tpu.memory_space<vmem>>, vector<2000x128xf32>
    %get3A_32 = arith.constant 0 : index
    %get3A_33 = arith.constant 0 : index
    %get3A_34 = vector.load %arg5[%get3A_32, %get3A_33] : memref<128x128xf32, #tpu.memory_space<vmem>>, vector<128x128xf32>
    %dot_general3A_35 = arith.constant dense<0.000000e+00> : vector<2000x128xf32>
    %dot_general3A_36 = tpu.matmul %get3A_31, %get3A_34, %dot_general3A_35 {dimension_numbers = #tpu.dot_dimension_numbers<[1], [0], [0], [1], [0, 0, 1, 1], [], []>, transpose_lhs_hint = false} : vector<2000x128xf32>, vector<128x128xf32>, vector<2000x128xf32> -> vector<2000x128xf32>
    %add3A_37 = arith.addf %dot_general3A_28, %dot_general3A_36 : vector<2000x128xf32>
    %get3A_38 = arith.constant 0 : index
    %get3A_39 = arith.constant 0 : index
    %get3A_40 = vector.load %arg6[%get3A_38, %get3A_39] : memref<1x128xf32, #tpu.memory_space<vmem>>, vector<1x128xf32>
    %add3A_41 = vector.broadcast %get3A_40 : vector<1x128xf32> to vector<2000x128xf32>
    %add3A_42 = arith.addf %add3A_37, %add3A_41 : vector<2000x128xf32>
    %reduce_max3A = arith.constant dense<0xFF800000> : vector<2000xf32>
    %reduce_max3A_43 = vector.multi_reduction <maximumf>, %add3A_42, %reduce_max3A [1] : vector<2000x128xf32> to vector<2000xf32>
    %broadcast_in_dim3A_44 = vector.shape_cast %reduce_max3A_43 : vector<2000xf32> to vector<2000x1xf32>
    %sub3A = vector.broadcast %broadcast_in_dim3A_44 : vector<2000x1xf32> to vector<2000x128xf32>
    %sub3A_45 = arith.subf %add3A_42, %sub3A : vector<2000x128xf32>
    %exp3A = math.exp %sub3A_45 : vector<2000x128xf32>
    %reduce_sum3A = arith.constant dense<0.000000e+00> : vector<2000xf32>
    %reduce_sum3A_46 = vector.multi_reduction <add>, %exp3A, %reduce_sum3A [1] : vector<2000x128xf32> to vector<2000xf32>
    %broadcast_in_dim3A_47 = vector.shape_cast %reduce_sum3A_46 : vector<2000xf32> to vector<2000x1xf32>
    %log3A = math.log %broadcast_in_dim3A_47 : vector<2000x1xf32>
    %sub3A_48 = vector.broadcast %log3A : vector<2000x1xf32> to vector<2000x128xf32>
    %sub3A_49 = arith.subf %sub3A_45, %sub3A_48 : vector<2000x128xf32>
    %swap3A = arith.constant 0 : index
    %swap3A_50 = arith.constant 0 : index
    %swap3A_51 = vector.load %arg7[%swap3A, %swap3A_50] : memref<2000x128xf32, #tpu.memory_space<vmem>>, vector<2000x128xf32>
    tpu.vector_store %arg7[%swap3A, %swap3A_50], %sub3A_49 {strides = array<i32>} : memref<2000x128xf32, #tpu.memory_space<vmem>>, vector<2000x128xf32>,
    return
  }
  func.func @transform_0(%arg0: i32) -> (i32, i32, i32) {
    %c0_i32 = arith.constant 0 : i32
    %c0_i32_0 = arith.constant 0 : i32
    %c0_i32_1 = arith.constant 0 : i32
    return %c0_i32, %arg0, %c0_i32_0 : i32, i32, i32
  }
  func.func @transform_1(%arg0: i32) -> (i32, i32, i32) {
    %c0_i32 = arith.constant 0 : i32
    %c0_i32_0 = arith.constant 0 : i32
    %c0_i32_1 = arith.constant 0 : i32
    return %c0_i32, %arg0, %c0_i32_0 : i32, i32, i32
  }
  func.func @transform_2(%arg0: i32) -> (i32, i32) {
    %c0_i32 = arith.constant 0 : i32
    %c0_i32_0 = arith.constant 0 : i32
    return %arg0, %c0_i32 : i32, i32
  }
  func.func @transform_3(%arg0: i32) -> (i32, i32) {
    %c0_i32 = arith.constant 0 : i32
    %c0_i32_0 = arith.constant 0 : i32
    %c0_i32_1 = arith.constant 0 : i32
    return %c0_i32, %c0_i32_0 : i32, i32
  }
  func.func @transform_4(%arg0: i32) -> (i32, i32) {
    %c0_i32 = arith.constant 0 : i32
    %c0_i32_0 = arith.constant 0 : i32
    %c0_i32_1 = arith.constant 0 : i32
    return %c0_i32, %c0_i32_0 : i32, i32
  }
  func.func @transform_5(%arg0: i32) -> (i32, i32) {
    %c0_i32 = arith.constant 0 : i32
    %c0_i32_0 = arith.constant 0 : i32
    %c0_i32_1 = arith.constant 0 : i32
    return %c0_i32, %c0_i32_0 : i32, i32
  }
  func.func @transform_6(%arg0: i32) -> (i32, i32) {
    %c0_i32 = arith.constant 0 : i32
    %c0_i32_0 = arith.constant 0 : i32
    return %arg0, %c0_i32 : i32, i32
  }
}

</mosaic_0001>

<sc_bundles>
// kernel: kernel.12.cloned.1.call-start
scs
__scs_entry_jumppad:
0x0: {  	(pc) =	sbr.rel $0x88, $3  }
0x1: {  	(tag) =	ssettag $0x0;
	lr =	simm.s32 $0x1  }
0x2: {  	[smem:$0x3F96] =	sst lr;
	_ =	strace $0xD0000000  }
0x3: {  	_ = 	snop  }
0x4: {  	_ = 	snop  }
0x5: {  	_ = 	snop  }
0x6: {  	_ = 	snop  }
0x7: {  	_ = 	snop  }
__scs_overlays_trampoline_lowered:
0x8: {  	[smem:$0x3FA5] =	sst s0  }
0x9: {  	[smem:$0x3FA6] =	sst s1  }
0xa: {  	[smem:$0x3FA7] =	sst s2  }
0xb: {  	[smem:$0x3FA8] =	sst s3  }
0xc: {  	[smem:$0x3FA9] =	sst s4  }
0xd: {  	[smem:$0x3FAA] =	sst s5  }
0xe: {  	[smem:$0x3FAB] =	sst s6  }
0xf: {  	[smem:$0x3FAC] =	sst s7  }
0x10: {  	[smem:$0x3FAD] =	sst s8  }
0x11: {  	[smem:$0x3FAE] =	sst s9;
	s0 =	simm.s32 @!p0 $0x0  }
0x12: {  	s1 =	sld [smem:$0x3F94];
	s0 =	simm.s32 @p0 $0x1  }
0x13: {  	[smem:$0x3FAF] =	sst s0;
	s0 =	simm.s32 @!p1 $0x0  }
0x14: {  	s2 =	sld [smem:$0x3F93];
	s0 =	simm.s32 @p1 $0x1  }
0x15: {  	[smem:$0x3FB0] =	sst s0;
	s0 =	simm.s32 @!p2 $0x0  }
0x16: {  	s3 =	sld [smem:$0x3FDB];
	s0 =	simm.s32 @p2 $0x1  }
0x17: {  	s4 =	simm.s32 $0x1BF5;
	[smem:$0x3FB2] =	sst s0  }
0x18: {  	s0 =	sld [smem:$0x3F95];
	_ =	swait.ge [sflag:s4], $0x0  }
0x19: {  	s7 =	sld [smem:$0x3F96]  }
0x1a: {  	s8 =	sadd.s32 $0xFFFFE003, lr  }
0x1b: {  	s9 =	sadd.s32 $0xFFFFFEF7, lr;
	s5 =	simm.s32 $0xFFFFFFFF;
	p2 =	slt.u32 s8, $0xFFFFF086  }
0x1c: {  	p1 =	slt.u32 s9, $0xF7A;
	s5 =	simm.s32 @!p2 $0x0  }
0x1d: {  	s5 =	simm.s32 @p1 $0x1;
	p0 =	seq.s32 s7, s2  }
0x1e: {  	s7 =	smul.u32 @!p0 $0xF7A, s2;
	p2 =	seq.s32 @!p0 s5, $0x0  }
0x1f: {  	s9 =	smul.u32 $0xF7A, s1;
	s8 =	simm.s32 @!p0 $0x1BF5;
	p2 =	por !p2, p0  }
0x20: {  	[sflag:s8] =	ssyncset.s32 @!p0 $0xFFFFF086;
	s6 =	sadd.s32 @!p0 s3, s7;
	s7 =	simm.s32 @!p0 $0x108  }
0x21: {  	s3 =	sadd.s32 s3, s9;
	s6 =	sadd.s32 @!p0 $0x88, s6;
	s7 =	simm.s32 @p2 $0x1082  }
0x22: {  	[simem:s7], [sflag:s8] =	dma.local @!p0 [hbm:s6], $0xF7A  }
0x23: {  	s9 =	sor.u32 $0xD0000000, s2;
	s6 =	simm.s32 $0x108;
	_ =	swait.ge @!p0 [sflag:s8], $0x0  }
0x24: {  	s3 =	sadd.s32 $0x88, s3;
	s6 =	simm.s32 @!p1 $0x1082;
	[sflag:s4] =	ssyncset.s32 $0xFFFFF086  }
0x25: {  	[simem:s6], [sflag:s4] =	dma.local [hbm:s3], $0xF7A  }
0x26: {  	[smem:$0x3F96] =	sst s1;
	(tag) =	ssettag s2;
	_ =	strace s9  }
0x27: {  	s1 =	sld [smem:$0x3FA6]  }
0x28: {  	s2 =	sld [smem:$0x3FA7]  }
0x29: {  	s4 =	sld [smem:$0x3FA9]  }
0x2a: {  	p0 =	seq.s32 s5, $0x0;
	s5 =	sld [smem:$0x3FAA]  }
0x2b: {  	s6 =	sld [smem:$0x3FAB]  }
0x2c: {  	s7 =	sld [smem:$0x3FAC]  }
0x2d: {  	s3 =	simm.s32 $0x108;
	s8 =	sld [smem:$0x3FAD]  }
0x2e: {  	s3 =	simm.s32 @!p0 $0x1082;
	s9 =	sld [smem:$0x3FAE]  }
0x2f: {  	lr =	sadd.s32 s0, s3;
	s0 =	sld [smem:$0x3FA5]  }
0x30: {  	s3 =	sld [smem:$0x3FA8]  }
0x31: {  	[smem:$0x3FB1] =	sst s10  }
0x32: {  	s10 =	sld [smem:$0x3FAF];
	_ =	sdelay $0x3  }
0x33: {  	p0 =	seq.s32 s10, $0x1;
	s10 =	sld [smem:$0x3FB1];
	_ =	sdelay $0x3  }
0x34: {  	[smem:$0x3FB1] =	sst s10  }
0x35: {  	s10 =	sld [smem:$0x3FB0];
	_ =	sdelay $0x3  }
0x36: {  	p1 =	seq.s32 s10, $0x1;
	s10 =	sld [smem:$0x3FB1];
	_ =	sdelay $0x3  }
0x37: {  	[smem:$0x3FB1] =	sst s10  }
0x38: {  	s10 =	sld [smem:$0x3FB2]  }
0x39: {  	_ = 	snop;
	(pc) =	sbr.ind lr, $3  }
0x3a: {  	_ = 	snop  }
0x3b: {  	_ = 	snop  }
0x3c: {  	p2 =	seq.s32 s10, $0x1;
	s10 =	sld [smem:$0x3FB1]  }
0x3d: {  	_ =	shalt  }
0x3e: {  	_ =	shalt  }
0x3f: {  	_ =	shalt  }
0x40: {  	_ =	shalt  }
0x41: {  	_ =	shalt  }
0x42: {  	_ =	shalt  }
0x43: {  	_ =	shalt  }
0x44: {  	_ =	shalt  }
0x45: {  	_ =	shalt  }
0x46: {  	_ =	shalt  }
0x47: {  	_ =	shalt  }
0x48: {  	_ =	shalt  }
0x49: {  	_ =	shalt  }
0x4a: {  	_ =	shalt  }
0x4b: {  	_ =	shalt  }
0x4c: {  	_ =	shalt  }
0x4d: {  	_ =	shalt  }
0x4e: {  	_ =	shalt  }
0x4f: {  	_ =	shalt  }
0x50: {  	_ =	shalt  }
0x51: {  	_ =	shalt  }
0x52: {  	_ =	shalt  }
0x53: {  	_ =	shalt  }
0x54: {  	_ =	shalt  }
0x55: {  	_ =	shalt  }
0x56: {  	_ =	shalt  }
0x57: {  	_ =	shalt  }
0x58: {  	_ =	shalt  }
0x59: {  	_ =	shalt  }
0x5a: {  	_ =	shalt  }
0x5b: {  	_ =	shalt  }
0x5c: {  	_ =	shalt  }
0x5d: {  	_ =	shalt  }
0x5e: {  	_ =	shalt  }
0x5f: {  	_ =	shalt  }
0x60: {  	_ =	shalt  }
0x61: {  	_ =	shalt  }
0x62: {  	_ =	shalt  }
0x63: {  	_ =	shalt  }
0x64: {  	_ =	shalt  }
0x65: {  	_ =	shalt  }
0x66: {  	_ =	shalt  }
0x67: {  	_ =	shalt  }
0x68: {  	_ =	shalt  }
0x69: {  	_ =	shalt  }
0x6a: {  	_ =	shalt  }
0x6b: {  	_ =	shalt  }
0x6c: {  	_ =	shalt  }
0x6d: {  	_ =	shalt  }
0x6e: {  	_ =	shalt  }
0x6f: {  	_ =	shalt  }
0x70: {  	_ =	shalt  }
0x71: {  	_ =	shalt  }
0x72: {  	_ =	shalt  }
0x73: {  	_ =	shalt  }
0x74: {  	_ =	shalt  }
0x75: {  	_ =	shalt  }
0x76: {  	_ =	shalt  }
0x77: {  	_ =	shalt  }
0x78: {  	_ =	shalt  }
0x79: {  	_ =	shalt  }
0x7a: {  	_ =	shalt  }
0x7b: {  	_ =	shalt  }
0x7c: {  	_ =	shalt  }
0x7d: {  	_ =	shalt  }
0x7e: {  	_ =	shalt  }
0x7f: {  	_ =	shalt  }
0x80: {  	_ =	shalt  }
0x81: {  	_ =	shalt  }
0x82: {  	_ =	shalt  }
0x83: {  	_ =	shalt  }
0x84: {  	_ =	shalt  }
0x85: {  	_ =	shalt  }
0x86: {  	_ =	shalt  }
0x87: {  	_ =	shalt  }
.Lfunc_end0:
.L_simem_size_0:
called_computation.1_lowered:
.L_overlay_start_0:
0x88: {  	s2 =	sld [smem:$0x3FD9]  }
0x89: {  	s3 =	sld [smem:$0x3FFE];
	_ =	sdelay $0x1  }
0x8a: {  	s1 =	srdreg.scid  }
0x8b: {  	s0 =	sand.u32 $0x1, s1  }
0x8c: {  	s17 =	sshll.u32 s0, $0xA;
	s2 =	sadd.s32 s3, s2  }
0x8d: {  	s2 =	sadd.s32 s2, s17  }
0x8e: {  	[smem:$0x3FBD] =	sst s2  }
0x8f: {  	_ = 	snop  }
0x90: {  	s2 =	sld [smem:$0x3FC9];
	(tm) =	ssettm $0x1  }
0x91: {  	s18 =	sld [smem:$0x3FFB];
	_ =	sdelay $0x3  }
0x92: {  	_ =	strace s18  }
0x93: {  	s3 =	sld [smem:$0x3FFC];
	_ =	sdelay $0x3  }
0x94: {  	_ =	strace s3  }
0x95: {  	s3 =	sld [smem:$0x3FFD];
	_ =	sdelay $0x3  }
0x96: {  	_ =	strace s3  }
0x97: {  	_ =	strace $0x8FFFFFFF  }
0x98: {  	s19 =	sld [smem:$0x3FDB];
	_ =	sdelay $0x1  }
0x99: {  	s4 =	simm.s32 $_scs_section_size  }
0x9a: {  	s5 =	simm.s32 $_size__tile_overlayer_lowered;
	s6 =	simm.s32 $_tile_overlayer_lowered  }
0x9b: {  	s22 =	simm.s32 $0x1BFF;
	s21 =	sshll.u32 s6, $0x1;
	s3 =	sadd.s32 s4, s19  }
0x9c: {  	s7 =	simm.s32 $0x0;
	s20 =	sshll.u32 s5, $0x1;
	s5 =	sadd.s32 s21, s3  }
0x9d: {  	[timem:s7], [sflag:s22] =	dma.local [hbm:s5], s20  }
0x9e: {  	_ =	swait.ge [sflag:s22], s20  }
0x9f: {  	s4 =	ssub.s32 $0x0, s20;
	[sflag:s22] =	ssyncset.done $0x0  }
0xa0: {  	[sflag:s22] =	ssyncadd.s32 s4;
	_ =	sdelay $0x1  }
0xa1: {  	s23 =	simm.s32 $0x1B8B  }
0xa2: {  	_ =	swait.ge [sflag:s23], $0x1  }
0xa3: {  	[sflag:s23] =	ssyncset.done $0x0  }
0xa4: {  	s25 =	simm.s32 $0x1B8E;
	s24 =	sld [smem:$0x3FFE];
	[sflag:s23] =	ssyncadd.s32 $0xFFFFFFFF  }
0xa5: {  	s26 =	simm.s32 $execute0_lowered;
	[smem:$0x3FD2] =	sst s25  }
0xa6: {  	s5 =	sshll.u32 s26, $0x1;
	_ =	strace $0x80000046;
	[dreg:$0x1] =	wrdreg $0xFFFFFFFF  }
0xa7: {  	s28 =	simm.s32 $_size_execute0_lowered;
	s3 =	sadd.s32 s3, s5;
	[dreg:$0x0] =	wrdreg $0x0  }
0xa8: {  	s5 =	sshll.u32 s28, $0x1;
	[dreg:$0x2] =	wrdreg s3  }
0xa9: {  	[dreg:$0x3] =	wrdreg s5  }
0xaa: {  	[dreg:$0x4] =	wrdreg $0xC0  }
0xab: {  	_ =	task [dreg:s7], $0x5FFFF  }
0xac: {  	[dreg:$0x1] =	wrdreg $0xFFFFFFFF  }
0xad: {  	[dreg:$0x0] =	wrdreg $0x60  }
0xae: {  	[dreg:$0x2] =	wrdreg s2  }
0xaf: {  	[dreg:$0x3] =	wrdreg s24  }
0xb0: {  	[dreg:$0x4] =	wrdreg $0xB7800  }
0xb1: {  	[dreg:$0x5] =	wrdreg $0xA  }
0xb2: {  	_ =	task.clear_ibuf [dreg:s7], $0x6FFFF;
	_ =	strace $0x90000046  }
0xb3: {  	s29 =	simm.s32 $0xA;
	_ =	strace $0x80000048  }
0xb4: {  	_ =	swait.ge [sflag:s29], $0x1  }
0xb5: {  	[sflag:s29] =	ssyncadd.s32 $0xFFFFFFFF  }
0xb6: {  	_ =	strace $0x90000048  }
0xb7: {  	_ =	sfence  }
0xb8: {  	s30 =	sld [smem:$0x0];
	_ =	sdelay $0x2  }
0xb9: {  	s31 =	sshll.u32 s1, $0xD;
	s1 =	sshrl.u32 s1, $0x2  }
0xba: {  	s3 =	sand.u32 $0x4000, s31;
	s1 =	sadd.s32 s1, s30  }
0xbb: {  	s0 =	sor.u32 s3, s0;
	s1 =	sshll.u32 s1, $0x11  }
0xbc: {  	s0 =	sor.u32 s1, s0  }
0xbd: {  	s0 =	sadd.s32 $0x8F2B, s0  }
0xbe: {  	[sflag:s0] =	ssyncadd.remote.s32 $0x1  }
0xbf: {  	_ =	sfence.sel $0xFFFF  }
0xc0: {  	[dreg:$0x0] =	wrdreg $0xFFFFFFFF;
	(pc) =	sbr.abs _section_cstart, $3  }
0xc1: {  	[dreg:$0x1] =	wrdreg $0xFFFFFFFF  }
0xc2: {  	_ =	task.clear_ibuf [dreg:s7], $0x2FFFF;
	_ =	strace $0x9FFFFFFF  }
0xc3: {  	(tm) =	ssettm $0x7FFFFFFF  }
tec
execute0_lowered:
.L_overlay_start_1:
0x0: {  	(tag) =	ssettag $0x1  }
0x1: {  	s1 =	rddreg [dreg:$0x0]  }
0x2: {  	s0 =	srdreg.scid;
	s5 =	rddreg [dreg:$0x1]  }
0x3: {  	s9 =	stileid.u32;
	s3 =	rddreg [dreg:$0x2];
	s18 =	simm.s32 $0x400  }
0x4: {  	s19 =	simm.s32 $0x2780;
	s20 =	simm.s32 $0x6780;
	s21 =	simm.s32 $0x5  }
0x5: {  	s22 =	simm.s32 $0x1;
	s23 =	simm.s32 $0x2;
	s24 =	simm.s32 $0x50  }
0x6: {  	s25 =	simm.s32 $0x8F80;
	s28 =	simm.s32 $0x4;
	s29 =	simm.s32 $0x6580  }
0x7: {  	s30 =	simm.s32 $0x0;
	s0 =	sand.u32 $0x1, s0;
	s7 =	sshll.u32 s9, $0x7  }
0x8: {  	s8 =	smul.u32 $0x14000, s9;
	s2 =	sshll.u32 s0, $0x4;
	s7 =	sand.u32 $0x380, s7  }
0x9: {  	s26 =	smul.u32 $0x140000, s0;
	s0 =	ssub.s32 $0x2, s0;
	s2 =	sor.u32 s9, s2  }
0xa: {  	s9 =	smul.u32 $0x50000, s9;
	s31 =	sshrl.u32 s0, $0x1;
	s4 =	sshrl.u32 s2, $0x3  }
0xb: {  	s2 =	sshll.u32 s2, $0xB;
	s0 =	ssub.s32 s0, s31;
	s6 =	smul.u32 $0x13C00, s4  }
0xc: {  	s4 =	simm.s32 $0x0;
	s2 =	sadd.s32 s2, s5;
	s9 =	sshrl.u32 s9, $0x2  }
0xd: {  	s16 =	smax.u32 s0, $0x1;
	[smem:$0x7FF] =	sst s4;
	s6 =	sor.u32 s7, s6  }
0xe: {  	_ =	strace $0x80000047;
	s7 =	sadd.s32 s8, s26;
	s6 =	sshrl.u32 s6, $0x3  }
0xf: {  	s26 =	simm.s32 $0x3;
	s7 =	sshrl.u32 s7, $0x3;
	s6 =	sadd.s32 s6, s5  }
0x10: {  	s15 =	sadd.s32 s7, s5;
	s5 =	sadd.s32 s9, s3;
	s7 =	sadd.s32 $0x3000, s2  }
0x11: {  	s6 =	sadd.s32 $0x13000, s6;
	s8 =	sadd.s32 $0x2800, s5;
	s9 =	sadd.s32 $0x5000, s5  }
0x12: {  	s10 =	sadd.s32 $0x7800, s5;
	s11 =	sadd.s32 $0xA000, s5;
	s12 =	sadd.s32 $0xC800, s5  }
0x13: {  	v0 =	vimm.f32 $0.0e+00;
	s13 =	sadd.s32 $0xF000, s5;
	s14 =	sadd.s32 $0x11800, s5;
	s15 =	sadd.s32 $0x1CE00, s15  }
.LBB2_1:
0x14: {  	s0 =	simm.s32 $0x80;
	s17 =	sand.u32 $0xFE00, s4  }
0x15: {  	[tilespmem:s4], [sflag:$0x1] =	stream.strided.gather [hbm4b:s6+s0], $0x2780, s18, s0, $0x38;
	[tilespmem:$0x1F780] =	vst v63  }
0x16: {  	s31 =	sand.u32 $0x70, s4;
	s0 =	sshrl.u32 s17, $0x2  }
0x17: {  	s2 =	simm.s32 $0x40;
	s0 =	sor.u32 s31, s0;
	s31 =	simm.s32 $0x0  }
0x18: {  	[tilespmem:s19], [sflag:$0x2] =	stream.linear.gather [hbm4b:s7+s4], $0x3E80, $0x38;
	[tilespmem:$0x1F780] =	vst v63  }
.LBB2_2:
0x19: {  	p0 =	sne.s32 s2, $0x9FC0  }
0x1a: {  	[tilespmem:s0+$0x6780] =	vst v0;
	s31 =	sadd.s32 $0x10, s31;
	s0 =	smov.u32 s2;
	s2 =	sadd.s32 $0x40, s2  }
.Ltmp0:
0x1b: {  	(pc) =	sbr.rel @p0 .LBB2_2-.Ltmp0, $4  }
0x1c: {  	_ = 	snop  }
0x1d: {  	s0 =	sand.u32 $0xFE00, s0  }
0x1e: {  	s17 =	sand.u32 $0x70, s31;
	s0 =	sshrl.u32 s0, $0x2  }
0x1f: {  	s0 =	sor.u32 s17, s0  }
0x20: {  	[tilespmem:s0+$0x6780] =	vst v0  }
0x21: {  	[spmem:s5] =	stream.linear.scatter [tilespmem:s20], [sflag:$0x5], $0x2800, $0x38;
	[tilespmem:$0x1F780] =	vst v63  }
0x22: {  	_ =	swait.ge [sflag:s21], $0x2800  }
0x23: {  	[sflag:s21] =	ssyncset.done $0x0  }
0x24: {  	[sflag:s21] =	ssyncadd.s32 $0xFFFFD800  }
0x25: {  	[spmem:s8] =	stream.linear.scatter [tilespmem:s20], [sflag:$0x5], $0x2800, $0x38;
	[tilespmem:$0x1F780] =	vst v63  }
0x26: {  	_ =	swait.ge [sflag:s21], $0x2800  }
0x27: {  	[sflag:s21] =	ssyncset.done $0x0  }
0x28: {  	[sflag:s21] =	ssyncadd.s32 $0xFFFFD800  }
0x29: {  	[spmem:s9] =	stream.linear.scatter [tilespmem:s20], [sflag:$0x5], $0x2800, $0x38;
	[tilespmem:$0x1F780] =	vst v63  }
0x2a: {  	_ =	swait.ge [sflag:s21], $0x2800  }
0x2b: {  	[sflag:s21] =	ssyncset.done $0x0  }
0x2c: {  	[sflag:s21] =	ssyncadd.s32 $0xFFFFD800  }
0x2d: {  	[spmem:s10] =	stream.linear.scatter [tilespmem:s20], [sflag:$0x5], $0x2800, $0x38;
	[tilespmem:$0x1F780] =	vst v63  }
0x2e: {  	_ =	swait.ge [sflag:s21], $0x2800  }
0x2f: {  	[sflag:s21] =	ssyncset.done $0x0  }
0x30: {  	[sflag:s21] =	ssyncadd.s32 $0xFFFFD800  }
0x31: {  	[spmem:s11] =	stream.linear.scatter [tilespmem:s20], [sflag:$0x5], $0x2800, $0x38;
	[tilespmem:$0x1F780] =	vst v63  }
0x32: {  	_ =	swait.ge [sflag:s21], $0x2800  }
0x33: {  	[sflag:s21] =	ssyncset.done $0x0  }
0x34: {  	[sflag:s21] =	ssyncadd.s32 $0xFFFFD800  }
0x35: {  	[spmem:s12] =	stream.linear.scatter [tilespmem:s20], [sflag:$0x5], $0x2800, $0x38;
	[tilespmem:$0x1F780] =	vst v63  }
0x36: {  	_ =	swait.ge [sflag:s21], $0x2800  }
0x37: {  	[sflag:s21] =	ssyncset.done $0x0  }
0x38: {  	[sflag:s21] =	ssyncadd.s32 $0xFFFFD800  }
0x39: {  	[spmem:s13] =	stream.linear.scatter [tilespmem:s20], [sflag:$0x5], $0x2800, $0x38;
	[tilespmem:$0x1F780] =	vst v63  }
0x3a: {  	_ =	swait.ge [sflag:s21], $0x2800  }
0x3b: {  	[sflag:s21] =	ssyncset.done $0x0  }
0x3c: {  	[sflag:s21] =	ssyncadd.s32 $0xFFFFD800  }
0x3d: {  	[spmem:s14] =	stream.linear.scatter [tilespmem:s20], [sflag:$0x5], $0x2800, $0x38;
	[tilespmem:$0x1F780] =	vst v63  }
0x3e: {  	_ =	swait.ge [sflag:s21], $0x2800  }
0x3f: {  	[sflag:s21] =	ssyncset.done $0x0  }
0x40: {  	[sflag:s21] =	ssyncadd.s32 $0xFFFFD800  }
0x41: {  	_ =	swait.ge [sflag:s22], $0x2780  }
0x42: {  	[sflag:s22] =	ssyncset.done $0x0  }
0x43: {  	[sflag:s22] =	ssyncadd.s32 $0xFFFFD880  }
0x44: {  	_ =	swait.ge [sflag:s23], $0x3E80  }
0x45: {  	[sflag:s23] =	ssyncset.done $0x0  }
0x46: {  	[sflag:s23] =	ssyncadd.s32 $0xFFFFC180  }
0x47: {  	s2 =	simm.s32 $0x0;
	[bflag:$0x0] =	sbarrier.arrive $0xFFFF  }
0x48: {  	[tilespmem:s20], [sflag:$0x1] =	stream.indirect.gather [hbm4b:s1+s24], $0x80, s2, s24, $0xb8;
	[tilespmem:$0x1F780] =	vst v63  }
0x49: {  	_ =	swait.ge [sflag:s22], $0x2800  }
0x4a: {  	[sflag:s22] =	ssyncset.done $0x0  }
0x4b: {  	s17 =	simm.s32 $0x2780;
	[sflag:s22] =	ssyncadd.s32 $0xFFFFD800  }
0x4c: {  	[spmem:s3] =	stream.indirect.scatter.add.f32 [tilespmem:s20], [sflag:$0x3], $0x80, s17, s24, $0xb8;
	[tilespmem:$0x1F780] =	vst v63  }
0x4d: {  	s2 =	simm.s32 $0x50  }
0x4e: {  	[tilespmem:s25], [sflag:$0x2] =	stream.indirect.gather [hbm4b:s1+s24], $0x80, s2, s24, $0xb8;
	[tilespmem:$0x1F780] =	vst v63  }
0x4f: {  	_ =	swait.ge [sflag:s23], $0x2800  }
0x50: {  	[sflag:s23] =	ssyncset.done $0x0  }
0x51: {  	s17 =	simm.s32 $0x2800;
	[sflag:s23] =	ssyncadd.s32 $0xFFFFD800  }
0x52: {  	[spmem:s3] =	stream.indirect.scatter.add.f32 [tilespmem:s25], [sflag:$0x4], $0x80, s17, s24, $0xb8;
	[tilespmem:$0x1F780] =	vst v63  }
0x53: {  	_ =	swait.ge [sflag:s26], $0x2800  }
0x54: {  	[sflag:s26] =	ssyncset.done $0x0  }
0x55: {  	s31 =	simm.s32 $0xA0;
	[sflag:s26] =	ssyncadd.s32 $0xFFFFD800  }
0x56: {  	[tilespmem:s20], [sflag:$0x1] =	stream.indirect.gather [hbm4b:s1+s24], $0x80, s31, s24, $0xb8;
	[tilespmem:$0x1F780] =	vst v63  }
0x57: {  	_ =	swait.ge [sflag:s28], $0x2800  }
0x58: {  	s2 =	simm.s32 $0x400;
	[sflag:s28] =	ssyncset.done $0x0  }
.LBB2_4:
0x59: {  	p0 =	sne.s32 s2, $0xF400;
	[sflag:s28] =	ssyncadd.s32 $0xFFFFD800;
	s31 =	sadd.s32 $0xA0, s31  }
0x5a: {  	s0 =	smov.u32 s2;
	s2 =	sadd.s32 $0x400, s2;
	_ =	swait.ge [sflag:s22], $0x2800  }
0x5b: {  	s0 =	sshra.s32 s0, $0x2;
	[sflag:s22] =	ssyncset.done $0x0  }
0x5c: {  	s17 =	sadd.s32 $0x2780, s0;
	[sflag:s22] =	ssyncadd.s32 $0xFFFFD800  }
0x5d: {  	[spmem:s3] =	stream.indirect.scatter.add.f32 [tilespmem:s20], [sflag:$0x3], $0x80, s17, s24, $0xb8;
	[tilespmem:$0x1F780] =	vst v63  }
0x5e: {  	s17 =	sadd.s32 $0xFFFFFFB0, s31  }
0x5f: {  	[tilespmem:s25], [sflag:$0x2] =	stream.indirect.gather [hbm4b:s1+s24], $0x80, s17, s24, $0xb8;
	[tilespmem:$0x1F780] =	vst v63  }
0x60: {  	_ =	swait.ge [sflag:s23], $0x2800  }
0x61: {  	[sflag:s23] =	ssyncset.done $0x0  }
0x62: {  	s0 =	sadd.s32 $0x2800, s0;
	[sflag:s23] =	ssyncadd.s32 $0xFFFFD800  }
0x63: {  	[spmem:s3] =	stream.indirect.scatter.add.f32 [tilespmem:s25], [sflag:$0x4], $0x80, s0, s24, $0xb8;
	[tilespmem:$0x1F780] =	vst v63  }
0x64: {  	_ =	swait.ge [sflag:s26], $0x2800  }
.Ltmp1:
0x65: {  	[sflag:s26] =	ssyncset.done $0x0;
	(pc) =	sbr.rel @p0 .LBB2_4-.Ltmp1, $4  }
0x66: {  	[sflag:s26] =	ssyncadd.s32 $0xFFFFD800  }
0x67: {  	[tilespmem:s20], [sflag:$0x1] =	stream.indirect.gather [hbm4b:s1+s24], $0x80, s31, s24, $0xb8;
	[tilespmem:$0x1F780] =	vst v63  }
0x68: {  	_ =	swait.ge [sflag:s28], $0x2800  }
0x69: {  	[sflag:s28] =	ssyncset.done $0x0  }
0x6a: {  	[sflag:s28] =	ssyncadd.s32 $0xFFFFD800  }
0x6b: {  	_ =	swait.ge [sflag:s22], $0x2800  }
0x6c: {  	[sflag:s22] =	ssyncset.done $0x0  }
0x6d: {  	[sflag:s22] =	ssyncadd.s32 $0xFFFFD800  }
0x6e: {  	[spmem:s3] =	stream.indirect.scatter.add.f32 [tilespmem:s20], [sflag:$0x5], $0x80, s29, s24, $0xb8;
	[tilespmem:$0x1F780] =	vst v63  }
0x6f: {  	s0 =	stileid.u32;
	_ =	swait.ge [sflag:s21], $0x2800  }
0x70: {  	s2 =	sshrl.u32 s5, $0x3;
	s30 =	sadd.s32 $0x1, s30;
	[sflag:s21] =	ssyncset.done $0x0  }
0x71: {  	s0 =	sshll.u32 s0, $0x6;
	p0 =	sne.s32 s30, s16;
	[sflag:s21] =	ssyncadd.s32 $0xFFFFD800  }
.Ltmp2:
0x72: {  	s0 =	sor.u32 $0x1C05, s0;
	[bflag:$0x0] =	sbarrier.arrive $0xFFFF;
	(pc) =	sbr.rel @p0 .LBB2_1-.Ltmp2, $4  }
0x73: {  	[hbm:s15], [sflag:s0] =	dma.local [spmem:s2], $0x2800  }
0x74: {  	_ =	swait.ge [sflag:s21], $0x2800  }
0x75: {  	[sflag:s21] =	ssyncset.done $0x0  }
0x76: {  	[sflag:s21] =	ssyncadd.s32 $0xFFFFD800  }
0x77: {  	_ =	sfence.sel $0x180000  }
0x78: {  	[bflag:$0x0] =	sbarrier.arrive $0xFFFF  }
0x79: {  	_ =	strace $0x90000047  }
0x7a: {  	s0 =	stileid.u32;
	[bflag:$0x2] =	sbarrier.arrive $0xFFFF  }
0x7b: {  	p0 =	sne.s32 s0, $0x0;
	s0 =	rddreg [dreg:$0x3]  }
0x7c: {  	s0 =	sadd.s32 @!p0 $0x100000, s0  }
0x7d: {  	[sflag:s0] =	ssyncadd.tile.s32 @!p0 $0x1;
	_ =	shalt  }
.Lfunc_end2:
_tile_overlayer_lowered:
.L_overlay_start_2:
0x7e: {  	(tag) =	ssettag $0x2  }
0x7f: {  	s0 =	rddreg [dreg:$0x0];
	s2 =	stileid.u32  }
0x80: {  	s1 =	rddreg [dreg:$0x1];
	p0 =	sne.s32 s2, $0x0  }
0x81: {  	s3 =	rddreg [dreg:$0x2];
	[bflag:$0x3] =	sbarrier.arrive $0xFFFF;
	s2 =	simm.s32 @!p0 $0x1C05  }
0x82: {  	[timem:s3], [sflag:s2] =	dma.local @!p0 [hbm:s0], s1  }
0x83: {  	s0 =	simm.s32 @!p0 $0x5  }
0x84: {  	_ =	swait.ge @!p0 [sflag:s0], s1  }
0x85: {  	s1 =	ssub.s32 @!p0 $0x0, s1;
	[sflag:s0] =	ssyncset.done @!p0 $0x0  }
0x86: {  	[sflag:s0] =	ssyncadd.s32 @!p0 s1  }
0x87: {  	[bflag:$0x3] =	sbarrier.arrive $0xFFFF  }
0x88: {  	_ =	shalt  }

// kernel: kernel.15.cloned.1.call-start
scs
__scs_entry_jumppad:
0x0: {  	(pc) =	sbr.rel $0x88, $3  }
0x1: {  	(tag) =	ssettag $0x0;
	lr =	simm.s32 $0x1  }
0x2: {  	[smem:$0x3F96] =	sst lr;
	_ =	strace $0xD0000000  }
0x3: {  	_ = 	snop  }
0x4: {  	_ = 	snop  }
0x5: {  	_ = 	snop  }
0x6: {  	_ = 	snop  }
0x7: {  	_ = 	snop  }
__scs_overlays_trampoline_lowered:
0x8: {  	[smem:$0x3FA5] =	sst s0  }
0x9: {  	[smem:$0x3FA6] =	sst s1  }
0xa: {  	[smem:$0x3FA7] =	sst s2  }
0xb: {  	[smem:$0x3FA8] =	sst s3  }
0xc: {  	[smem:$0x3FA9] =	sst s4  }
0xd: {  	[smem:$0x3FAA] =	sst s5  }
0xe: {  	[smem:$0x3FAB] =	sst s6  }
0xf: {  	[smem:$0x3FAC] =	sst s7  }
0x10: {  	[smem:$0x3FAD] =	sst s8  }
0x11: {  	[smem:$0x3FAE] =	sst s9;
	s0 =	simm.s32 @!p0 $0x0  }
0x12: {  	s1 =	sld [smem:$0x3F94];
	s0 =	simm.s32 @p0 $0x1  }
0x13: {  	[smem:$0x3FAF] =	sst s0;
	s0 =	simm.s32 @!p1 $0x0  }
0x14: {  	s2 =	sld [smem:$0x3F93];
	s0 =	simm.s32 @p1 $0x1  }
0x15: {  	[smem:$0x3FB0] =	sst s0;
	s0 =	simm.s32 @!p2 $0x0  }
0x16: {  	s3 =	sld [smem:$0x3FDB];
	s0 =	simm.s32 @p2 $0x1  }
0x17: {  	s4 =	simm.s32 $0x1BF5;
	[smem:$0x3FB2] =	sst s0  }
0x18: {  	s0 =	sld [smem:$0x3F95];
	_ =	swait.ge [sflag:s4], $0x0  }
0x19: {  	s7 =	sld [smem:$0x3F96]  }
0x1a: {  	s8 =	sadd.s32 $0xFFFFE003, lr  }
0x1b: {  	s9 =	sadd.s32 $0xFFFFFEF7, lr;
	s5 =	simm.s32 $0xFFFFFFFF;
	p2 =	slt.u32 s8, $0xFFFFF086  }
0x1c: {  	p1 =	slt.u32 s9, $0xF7A;
	s5 =	simm.s32 @!p2 $0x0  }
0x1d: {  	s5 =	simm.s32 @p1 $0x1;
	p0 =	seq.s32 s7, s2  }
0x1e: {  	s7 =	smul.u32 @!p0 $0xF7A, s2;
	p2 =	seq.s32 @!p0 s5, $0x0  }
0x1f: {  	s9 =	smul.u32 $0xF7A, s1;
	s8 =	simm.s32 @!p0 $0x1BF5;
	p2 =	por !p2, p0  }
0x20: {  	[sflag:s8] =	ssyncset.s32 @!p0 $0xFFFFF086;
	s6 =	sadd.s32 @!p0 s3, s7;
	s7 =	simm.s32 @!p0 $0x108  }
0x21: {  	s3 =	sadd.s32 s3, s9;
	s6 =	sadd.s32 @!p0 $0x88, s6;
	s7 =	simm.s32 @p2 $0x1082  }
0x22: {  	[simem:s7], [sflag:s8] =	dma.local @!p0 [hbm:s6], $0xF7A  }
0x23: {  	s9 =	sor.u32 $0xD0000000, s2;
	s6 =	simm.s32 $0x108;
	_ =	swait.ge @!p0 [sflag:s8], $0x0  }
0x24: {  	s3 =	sadd.s32 $0x88, s3;
	s6 =	simm.s32 @!p1 $0x1082;
	[sflag:s4] =	ssyncset.s32 $0xFFFFF086  }
0x25: {  	[simem:s6], [sflag:s4] =	dma.local [hbm:s3], $0xF7A  }
0x26: {  	[smem:$0x3F96] =	sst s1;
	(tag) =	ssettag s2;
	_ =	strace s9  }
0x27: {  	s1 =	sld [smem:$0x3FA6]  }
0x28: {  	s2 =	sld [smem:$0x3FA7]  }
0x29: {  	s4 =	sld [smem:$0x3FA9]  }
0x2a: {  	p0 =	seq.s32 s5, $0x0;
	s5 =	sld [smem:$0x3FAA]  }
0x2b: {  	s6 =	sld [smem:$0x3FAB]  }
0x2c: {  	s7 =	sld [smem:$0x3FAC]  }
0x2d: {  	s3 =	simm.s32 $0x108;
	s8 =	sld [smem:$0x3FAD]  }
0x2e: {  	s3 =	simm.s32 @!p0 $0x1082;
	s9 =	sld [smem:$0x3FAE]  }
0x2f: {  	lr =	sadd.s32 s0, s3;
	s0 =	sld [smem:$0x3FA5]  }
0x30: {  	s3 =	sld [smem:$0x3FA8]  }
0x31: {  	[smem:$0x3FB1] =	sst s10  }
0x32: {  	s10 =	sld [smem:$0x3FAF];
	_ =	sdelay $0x3  }
0x33: {  	p0 =	seq.s32 s10, $0x1;
	s10 =	sld [smem:$0x3FB1];
	_ =	sdelay $0x3  }
0x34: {  	[smem:$0x3FB1] =	sst s10  }
0x35: {  	s10 =	sld [smem:$0x3FB0];
	_ =	sdelay $0x3  }
0x36: {  	p1 =	seq.s32 s10, $0x1;
	s10 =	sld [smem:$0x3FB1];
	_ =	sdelay $0x3  }
0x37: {  	[smem:$0x3FB1] =	sst s10  }
0x38: {  	s10 =	sld [smem:$0x3FB2]  }
0x39: {  	_ = 	snop;
	(pc) =	sbr.ind lr, $3  }
0x3a: {  	_ = 	snop  }
0x3b: {  	_ = 	snop  }
0x3c: {  	p2 =	seq.s32 s10, $0x1;
	s10 =	sld [smem:$0x3FB1]  }
0x3d: {  	_ =	shalt  }
0x3e: {  	_ =	shalt  }
0x3f: {  	_ =	shalt  }
0x40: {  	_ =	shalt  }
0x41: {  	_ =	shalt  }
0x42: {  	_ =	shalt  }
0x43: {  	_ =	shalt  }
0x44: {  	_ =	shalt  }
0x45: {  	_ =	shalt  }
0x46: {  	_ =	shalt  }
0x47: {  	_ =	shalt  }
0x48: {  	_ =	shalt  }
0x49: {  	_ =	shalt  }
0x4a: {  	_ =	shalt  }
0x4b: {  	_ =	shalt  }
0x4c: {  	_ =	shalt  }
0x4d: {  	_ =	shalt  }
0x4e: {  	_ =	shalt  }
0x4f: {  	_ =	shalt  }
0x50: {  	_ =	shalt  }
0x51: {  	_ =	shalt  }
0x52: {  	_ =	shalt  }
0x53: {  	_ =	shalt  }
0x54: {  	_ =	shalt  }
0x55: {  	_ =	shalt  }
0x56: {  	_ =	shalt  }
0x57: {  	_ =	shalt  }
0x58: {  	_ =	shalt  }
0x59: {  	_ =	shalt  }
0x5a: {  	_ =	shalt  }
0x5b: {  	_ =	shalt  }
0x5c: {  	_ =	shalt  }
0x5d: {  	_ =	shalt  }
0x5e: {  	_ =	shalt  }
0x5f: {  	_ =	shalt  }
0x60: {  	_ =	shalt  }
0x61: {  	_ =	shalt  }
0x62: {  	_ =	shalt  }
0x63: {  	_ =	shalt  }
0x64: {  	_ =	shalt  }
0x65: {  	_ =	shalt  }
0x66: {  	_ =	shalt  }
0x67: {  	_ =	shalt  }
0x68: {  	_ =	shalt  }
0x69: {  	_ =	shalt  }
0x6a: {  	_ =	shalt  }
0x6b: {  	_ =	shalt  }
0x6c: {  	_ =	shalt  }
0x6d: {  	_ =	shalt  }
0x6e: {  	_ =	shalt  }
0x6f: {  	_ =	shalt  }
0x70: {  	_ =	shalt  }
0x71: {  	_ =	shalt  }
0x72: {  	_ =	shalt  }
0x73: {  	_ =	shalt  }
0x74: {  	_ =	shalt  }
0x75: {  	_ =	shalt  }
0x76: {  	_ =	shalt  }
0x77: {  	_ =	shalt  }
0x78: {  	_ =	shalt  }
0x79: {  	_ =	shalt  }
0x7a: {  	_ =	shalt  }
0x7b: {  	_ =	shalt  }
0x7c: {  	_ =	shalt  }
0x7d: {  	_ =	shalt  }
0x7e: {  	_ =	shalt  }
0x7f: {  	_ =	shalt  }
0x80: {  	_ =	shalt  }
0x81: {  	_ =	shalt  }
0x82: {  	_ =	shalt  }
0x83: {  	_ =	shalt  }
0x84: {  	_ =	shalt  }
0x85: {  	_ =	shalt  }
0x86: {  	_ =	shalt  }
0x87: {  	_ =	shalt  }
.Lfunc_end0:
.L_simem_size_0:
called_computation.2_lowered:
.L_overlay_start_0:
0x88: {  	s2 =	sld [smem:$0x3FD9]  }
0x89: {  	s3 =	sld [smem:$0x3FFE];
	_ =	sdelay $0x1  }
0x8a: {  	s1 =	srdreg.scid  }
0x8b: {  	s0 =	sand.u32 $0x1, s1  }
0x8c: {  	s17 =	sshll.u32 s0, $0xA;
	s2 =	sadd.s32 s3, s2  }
0x8d: {  	s2 =	sadd.s32 s2, s17  }
0x8e: {  	[smem:$0x3FBD] =	sst s2  }
0x8f: {  	_ = 	snop  }
0x90: {  	s2 =	sld [smem:$0x3FD0];
	(tm) =	ssettm $0x1  }
0x91: {  	s18 =	sld [smem:$0x3FFB];
	_ =	sdelay $0x3  }
0x92: {  	_ =	strace s18  }
0x93: {  	s3 =	sld [smem:$0x3FFC];
	_ =	sdelay $0x3  }
0x94: {  	_ =	strace s3  }
0x95: {  	s3 =	sld [smem:$0x3FFD];
	_ =	sdelay $0x3  }
0x96: {  	_ =	strace s3  }
0x97: {  	_ =	strace $0x8FFFFFFF  }
0x98: {  	s19 =	sld [smem:$0x3FDB];
	_ =	sdelay $0x1  }
0x99: {  	s4 =	simm.s32 $_scs_section_size  }
0x9a: {  	s5 =	simm.s32 $_size__tile_overlayer_lowered;
	s6 =	simm.s32 $_tile_overlayer_lowered  }
0x9b: {  	s22 =	simm.s32 $0x1BFF;
	s21 =	sshll.u32 s6, $0x1;
	s3 =	sadd.s32 s4, s19  }
0x9c: {  	s7 =	simm.s32 $0x0;
	s20 =	sshll.u32 s5, $0x1;
	s5 =	sadd.s32 s21, s3  }
0x9d: {  	[timem:s7], [sflag:s22] =	dma.local [hbm:s5], s20  }
0x9e: {  	_ =	swait.ge [sflag:s22], s20  }
0x9f: {  	s4 =	ssub.s32 $0x0, s20;
	[sflag:s22] =	ssyncset.done $0x0  }
0xa0: {  	[sflag:s22] =	ssyncadd.s32 s4;
	_ =	sdelay $0x1  }
0xa1: {  	s23 =	simm.s32 $0x1B8B  }
0xa2: {  	_ =	swait.ge [sflag:s23], $0x1  }
0xa3: {  	[sflag:s23] =	ssyncset.done $0x0  }
0xa4: {  	s25 =	simm.s32 $0x1B8E;
	s24 =	sld [smem:$0x3FFE];
	[sflag:s23] =	ssyncadd.s32 $0xFFFFFFFF  }
0xa5: {  	s26 =	simm.s32 $execute0_lowered;
	[smem:$0x3FD2] =	sst s25  }
0xa6: {  	s5 =	sshll.u32 s26, $0x1;
	_ =	strace $0x8000004C;
	[dreg:$0x1] =	wrdreg $0xFFFFFFFF  }
0xa7: {  	s28 =	simm.s32 $_size_execute0_lowered;
	s3 =	sadd.s32 s3, s5;
	[dreg:$0x0] =	wrdreg $0x0  }
0xa8: {  	s5 =	sshll.u32 s28, $0x1;
	[dreg:$0x2] =	wrdreg s3  }
0xa9: {  	[dreg:$0x3] =	wrdreg s5  }
0xaa: {  	[dreg:$0x4] =	wrdreg $0xC0  }
0xab: {  	_ =	task [dreg:s7], $0x5FFFF  }
0xac: {  	[dreg:$0x1] =	wrdreg $0xFFFFFFFF  }
0xad: {  	[dreg:$0x0] =	wrdreg $0x60  }
0xae: {  	[dreg:$0x2] =	wrdreg s2  }
0xaf: {  	[dreg:$0x3] =	wrdreg s24  }
0xb0: {  	[dreg:$0x4] =	wrdreg $0xB7800  }
0xb1: {  	[dreg:$0x5] =	wrdreg $0x9  }
0xb2: {  	_ =	task.clear_ibuf [dreg:s7], $0x6FFFF;
	_ =	strace $0x9000004C  }
0xb3: {  	s29 =	simm.s32 $0x9;
	_ =	strace $0x8000004E  }
0xb4: {  	_ =	swait.ge [sflag:s29], $0x1  }
0xb5: {  	[sflag:s29] =	ssyncadd.s32 $0xFFFFFFFF  }
0xb6: {  	_ =	strace $0x9000004E  }
0xb7: {  	_ =	sfence  }
0xb8: {  	s30 =	sld [smem:$0x0];
	_ =	sdelay $0x2  }
0xb9: {  	s31 =	sshll.u32 s1, $0xD;
	s1 =	sshrl.u32 s1, $0x2  }
0xba: {  	s3 =	sand.u32 $0x4000, s31;
	s1 =	sadd.s32 s1, s30  }
0xbb: {  	s0 =	sor.u32 s3, s0;
	s1 =	sshll.u32 s1, $0x11  }
0xbc: {  	s0 =	sor.u32 s1, s0  }
0xbd: {  	s0 =	sadd.s32 $0x8F2B, s0  }
0xbe: {  	[sflag:s0] =	ssyncadd.remote.s32 $0x1  }
0xbf: {  	_ =	sfence.sel $0xFFFF  }
0xc0: {  	[dreg:$0x0] =	wrdreg $0xFFFFFFFF;
	(pc) =	sbr.abs _section_cstart, $3  }
0xc1: {  	[dreg:$0x1] =	wrdreg $0xFFFFFFFF  }
0xc2: {  	_ =	task.clear_ibuf [dreg:s7], $0x2FFFF;
	_ =	strace $0x9FFFFFFF  }
0xc3: {  	(tm) =	ssettm $0x7FFFFFFF  }
tec
execute0_lowered:
.L_overlay_start_1:
0x0: {  	(tag) =	ssettag $0x1  }
0x1: {  	s1 =	rddreg [dreg:$0x0]  }
0x2: {  	s0 =	srdreg.scid;
	s5 =	rddreg [dreg:$0x1]  }
0x3: {  	s9 =	stileid.u32;
	s3 =	rddreg [dreg:$0x2];
	s18 =	simm.s32 $0x400  }
0x4: {  	s19 =	simm.s32 $0x2780;
	s20 =	simm.s32 $0x6780;
	s21 =	simm.s32 $0x5  }
0x5: {  	s22 =	simm.s32 $0x1;
	s23 =	simm.s32 $0x2;
	s24 =	simm.s32 $0x50  }
0x6: {  	s25 =	simm.s32 $0x8F80;
	s28 =	simm.s32 $0x4;
	s29 =	simm.s32 $0x6580  }
0x7: {  	s30 =	simm.s32 $0x0;
	s0 =	sand.u32 $0x1, s0;
	s7 =	sshll.u32 s9, $0x7  }
0x8: {  	s8 =	smul.u32 $0x14000, s9;
	s2 =	sshll.u32 s0, $0x4;
	s7 =	sand.u32 $0x380, s7  }
0x9: {  	s26 =	smul.u32 $0x140000, s0;
	s0 =	ssub.s32 $0x2, s0;
	s2 =	sor.u32 s9, s2  }
0xa: {  	s9 =	smul.u32 $0x50000, s9;
	s31 =	sshrl.u32 s0, $0x1;
	s4 =	sshrl.u32 s2, $0x3  }
0xb: {  	s2 =	sshll.u32 s2, $0xB;
	s0 =	ssub.s32 s0, s31;
	s6 =	smul.u32 $0x13C00, s4  }
0xc: {  	s4 =	simm.s32 $0x0;
	s2 =	sadd.s32 s2, s5;
	s9 =	sshrl.u32 s9, $0x2  }
0xd: {  	s16 =	smax.u32 s0, $0x1;
	[smem:$0x7FF] =	sst s4;
	s6 =	sor.u32 s7, s6  }
0xe: {  	_ =	strace $0x8000004D;
	s7 =	sadd.s32 s8, s26;
	s6 =	sshrl.u32 s6, $0x3  }
0xf: {  	s26 =	simm.s32 $0x3;
	s7 =	sshrl.u32 s7, $0x3;
	s6 =	sadd.s32 s6, s5  }
0x10: {  	s15 =	sadd.s32 s7, s5;
	s5 =	sadd.s32 s9, s3;
	s7 =	sadd.s32 $0x3000, s2  }
0x11: {  	s6 =	sadd.s32 $0x13000, s6;
	s8 =	sadd.s32 $0x2800, s5;
	s9 =	sadd.s32 $0x5000, s5  }
0x12: {  	s10 =	sadd.s32 $0x7800, s5;
	s11 =	sadd.s32 $0xA000, s5;
	s12 =	sadd.s32 $0xC800, s5  }
0x13: {  	v0 =	vimm.f32 $0.0e+00;
	s13 =	sadd.s32 $0xF000, s5;
	s14 =	sadd.s32 $0x11800, s5;
	s15 =	sadd.s32 $0x1CE00, s15  }
.LBB2_1:
0x14: {  	s0 =	simm.s32 $0x80;
	s17 =	sand.u32 $0xFE00, s4  }
0x15: {  	[tilespmem:s4], [sflag:$0x1] =	stream.strided.gather [hbm4b:s6+s0], $0x2780, s18, s0, $0x38;
	[tilespmem:$0x1F780] =	vst v63  }
0x16: {  	s31 =	sand.u32 $0x70, s4;
	s0 =	sshrl.u32 s17, $0x2  }
0x17: {  	s2 =	simm.s32 $0x40;
	s0 =	sor.u32 s31, s0;
	s31 =	simm.s32 $0x0  }
0x18: {  	[tilespmem:s19], [sflag:$0x2] =	stream.linear.gather [hbm4b:s7+s4], $0x3E80, $0x38;
	[tilespmem:$0x1F780] =	vst v63  }
.LBB2_2:
0x19: {  	p0 =	sne.s32 s2, $0x9FC0  }
0x1a: {  	[tilespmem:s0+$0x6780] =	vst v0;
	s31 =	sadd.s32 $0x10, s31;
	s0 =	smov.u32 s2;
	s2 =	sadd.s32 $0x40, s2  }
.Ltmp0:
0x1b: {  	(pc) =	sbr.rel @p0 .LBB2_2-.Ltmp0, $4  }
0x1c: {  	_ = 	snop  }
0x1d: {  	s0 =	sand.u32 $0xFE00, s0  }
0x1e: {  	s17 =	sand.u32 $0x70, s31;
	s0 =	sshrl.u32 s0, $0x2  }
0x1f: {  	s0 =	sor.u32 s17, s0  }
0x20: {  	[tilespmem:s0+$0x6780] =	vst v0  }
0x21: {  	[spmem:s5] =	stream.linear.scatter [tilespmem:s20], [sflag:$0x5], $0x2800, $0x38;
	[tilespmem:$0x1F780] =	vst v63  }
0x22: {  	_ =	swait.ge [sflag:s21], $0x2800  }
0x23: {  	[sflag:s21] =	ssyncset.done $0x0  }
0x24: {  	[sflag:s21] =	ssyncadd.s32 $0xFFFFD800  }
0x25: {  	[spmem:s8] =	stream.linear.scatter [tilespmem:s20], [sflag:$0x5], $0x2800, $0x38;
	[tilespmem:$0x1F780] =	vst v63  }
0x26: {  	_ =	swait.ge [sflag:s21], $0x2800  }
0x27: {  	[sflag:s21] =	ssyncset.done $0x0  }
0x28: {  	[sflag:s21] =	ssyncadd.s32 $0xFFFFD800  }
0x29: {  	[spmem:s9] =	stream.linear.scatter [tilespmem:s20], [sflag:$0x5], $0x2800, $0x38;
	[tilespmem:$0x1F780] =	vst v63  }
0x2a: {  	_ =	swait.ge [sflag:s21], $0x2800  }
0x2b: {  	[sflag:s21] =	ssyncset.done $0x0  }
0x2c: {  	[sflag:s21] =	ssyncadd.s32 $0xFFFFD800  }
0x2d: {  	[spmem:s10] =	stream.linear.scatter [tilespmem:s20], [sflag:$0x5], $0x2800, $0x38;
	[tilespmem:$0x1F780] =	vst v63  }
0x2e: {  	_ =	swait.ge [sflag:s21], $0x2800  }
0x2f: {  	[sflag:s21] =	ssyncset.done $0x0  }
0x30: {  	[sflag:s21] =	ssyncadd.s32 $0xFFFFD800  }
0x31: {  	[spmem:s11] =	stream.linear.scatter [tilespmem:s20], [sflag:$0x5], $0x2800, $0x38;
	[tilespmem:$0x1F780] =	vst v63  }
0x32: {  	_ =	swait.ge [sflag:s21], $0x2800  }
0x33: {  	[sflag:s21] =	ssyncset.done $0x0  }
0x34: {  	[sflag:s21] =	ssyncadd.s32 $0xFFFFD800  }
0x35: {  	[spmem:s12] =	stream.linear.scatter [tilespmem:s20], [sflag:$0x5], $0x2800, $0x38;
	[tilespmem:$0x1F780] =	vst v63  }
0x36: {  	_ =	swait.ge [sflag:s21], $0x2800  }
0x37: {  	[sflag:s21] =	ssyncset.done $0x0  }
0x38: {  	[sflag:s21] =	ssyncadd.s32 $0xFFFFD800  }
0x39: {  	[spmem:s13] =	stream.linear.scatter [tilespmem:s20], [sflag:$0x5], $0x2800, $0x38;
	[tilespmem:$0x1F780] =	vst v63  }
0x3a: {  	_ =	swait.ge [sflag:s21], $0x2800  }
0x3b: {  	[sflag:s21] =	ssyncset.done $0x0  }
0x3c: {  	[sflag:s21] =	ssyncadd.s32 $0xFFFFD800  }
0x3d: {  	[spmem:s14] =	stream.linear.scatter [tilespmem:s20], [sflag:$0x5], $0x2800, $0x38;
	[tilespmem:$0x1F780] =	vst v63  }
0x3e: {  	_ =	swait.ge [sflag:s21], $0x2800  }
0x3f: {  	[sflag:s21] =	ssyncset.done $0x0  }
0x40: {  	[sflag:s21] =	ssyncadd.s32 $0xFFFFD800  }
0x41: {  	_ =	swait.ge [sflag:s22], $0x2780  }
0x42: {  	[sflag:s22] =	ssyncset.done $0x0  }
0x43: {  	[sflag:s22] =	ssyncadd.s32 $0xFFFFD880  }
0x44: {  	_ =	swait.ge [sflag:s23], $0x3E80  }
0x45: {  	[sflag:s23] =	ssyncset.done $0x0  }
0x46: {  	[sflag:s23] =	ssyncadd.s32 $0xFFFFC180  }
0x47: {  	s2 =	simm.s32 $0x0;
	[bflag:$0x0] =	sbarrier.arrive $0xFFFF  }
0x48: {  	[tilespmem:s20], [sflag:$0x1] =	stream.indirect.gather [hbm4b:s1+s24], $0x80, s2, s24, $0xb8;
	[tilespmem:$0x1F780] =	vst v63  }
0x49: {  	_ =	swait.ge [sflag:s22], $0x2800  }
0x4a: {  	[sflag:s22] =	ssyncset.done $0x0  }
0x4b: {  	s17 =	simm.s32 $0x2780;
	[sflag:s22] =	ssyncadd.s32 $0xFFFFD800  }
0x4c: {  	[spmem:s3] =	stream.indirect.scatter.add.f32 [tilespmem:s20], [sflag:$0x3], $0x80, s17, s24, $0xb8;
	[tilespmem:$0x1F780] =	vst v63  }
0x4d: {  	s2 =	simm.s32 $0x50  }
0x4e: {  	[tilespmem:s25], [sflag:$0x2] =	stream.indirect.gather [hbm4b:s1+s24], $0x80, s2, s24, $0xb8;
	[tilespmem:$0x1F780] =	vst v63  }
0x4f: {  	_ =	swait.ge [sflag:s23], $0x2800  }
0x50: {  	[sflag:s23] =	ssyncset.done $0x0  }
0x51: {  	s17 =	simm.s32 $0x2800;
	[sflag:s23] =	ssyncadd.s32 $0xFFFFD800  }
0x52: {  	[spmem:s3] =	stream.indirect.scatter.add.f32 [tilespmem:s25], [sflag:$0x4], $0x80, s17, s24, $0xb8;
	[tilespmem:$0x1F780] =	vst v63  }
0x53: {  	_ =	swait.ge [sflag:s26], $0x2800  }
0x54: {  	[sflag:s26] =	ssyncset.done $0x0  }
0x55: {  	s31 =	simm.s32 $0xA0;
	[sflag:s26] =	ssyncadd.s32 $0xFFFFD800  }
0x56: {  	[tilespmem:s20], [sflag:$0x1] =	stream.indirect.gather [hbm4b:s1+s24], $0x80, s31, s24, $0xb8;
	[tilespmem:$0x1F780] =	vst v63  }
0x57: {  	_ =	swait.ge [sflag:s28], $0x2800  }
0x58: {  	s2 =	simm.s32 $0x400;
	[sflag:s28] =	ssyncset.done $0x0  }
.LBB2_4:
0x59: {  	p0 =	sne.s32 s2, $0xF400;
	[sflag:s28] =	ssyncadd.s32 $0xFFFFD800;
	s31 =	sadd.s32 $0xA0, s31  }
0x5a: {  	s0 =	smov.u32 s2;
	s2 =	sadd.s32 $0x400, s2;
	_ =	swait.ge [sflag:s22], $0x2800  }
0x5b: {  	s0 =	sshra.s32 s0, $0x2;
	[sflag:s22] =	ssyncset.done $0x0  }
0x5c: {  	s17 =	sadd.s32 $0x2780, s0;
	[sflag:s22] =	ssyncadd.s32 $0xFFFFD800  }
0x5d: {  	[spmem:s3] =	stream.indirect.scatter.add.f32 [tilespmem:s20], [sflag:$0x3], $0x80, s17, s24, $0xb8;
	[tilespmem:$0x1F780] =	vst v63  }
0x5e: {  	s17 =	sadd.s32 $0xFFFFFFB0, s31  }
0x5f: {  	[tilespmem:s25], [sflag:$0x2] =	stream.indirect.gather [hbm4b:s1+s24], $0x80, s17, s24, $0xb8;
	[tilespmem:$0x1F780] =	vst v63  }
0x60: {  	_ =	swait.ge [sflag:s23], $0x2800  }
0x61: {  	[sflag:s23] =	ssyncset.done $0x0  }
0x62: {  	s0 =	sadd.s32 $0x2800, s0;
	[sflag:s23] =	ssyncadd.s32 $0xFFFFD800  }
0x63: {  	[spmem:s3] =	stream.indirect.scatter.add.f32 [tilespmem:s25], [sflag:$0x4], $0x80, s0, s24, $0xb8;
	[tilespmem:$0x1F780] =	vst v63  }
0x64: {  	_ =	swait.ge [sflag:s26], $0x2800  }
.Ltmp1:
0x65: {  	[sflag:s26] =	ssyncset.done $0x0;
	(pc) =	sbr.rel @p0 .LBB2_4-.Ltmp1, $4  }
0x66: {  	[sflag:s26] =	ssyncadd.s32 $0xFFFFD800  }
0x67: {  	[tilespmem:s20], [sflag:$0x1] =	stream.indirect.gather [hbm4b:s1+s24], $0x80, s31, s24, $0xb8;
	[tilespmem:$0x1F780] =	vst v63  }
0x68: {  	_ =	swait.ge [sflag:s28], $0x2800  }
0x69: {  	[sflag:s28] =	ssyncset.done $0x0  }
0x6a: {  	[sflag:s28] =	ssyncadd.s32 $0xFFFFD800  }
0x6b: {  	_ =	swait.ge [sflag:s22], $0x2800  }
0x6c: {  	[sflag:s22] =	ssyncset.done $0x0  }
0x6d: {  	[sflag:s22] =	ssyncadd.s32 $0xFFFFD800  }
0x6e: {  	[spmem:s3] =	stream.indirect.scatter.add.f32 [tilespmem:s20], [sflag:$0x5], $0x80, s29, s24, $0xb8;
	[tilespmem:$0x1F780] =	vst v63  }
0x6f: {  	s0 =	stileid.u32;
	_ =	swait.ge [sflag:s21], $0x2800  }
0x70: {  	s2 =	sshrl.u32 s5, $0x3;
	s30 =	sadd.s32 $0x1, s30;
	[sflag:s21] =	ssyncset.done $0x0  }
0x71: {  	s0 =	sshll.u32 s0, $0x6;
	p0 =	sne.s32 s30, s16;
	[sflag:s21] =	ssyncadd.s32 $0xFFFFD800  }
.Ltmp2:
0x72: {  	s0 =	sor.u32 $0x1C05, s0;
	[bflag:$0x0] =	sbarrier.arrive $0xFFFF;
	(pc) =	sbr.rel @p0 .LBB2_1-.Ltmp2, $4  }
0x73: {  	[hbm:s15], [sflag:s0] =	dma.local [spmem:s2], $0x2800  }
0x74: {  	_ =	swait.ge [sflag:s21], $0x2800  }
0x75: {  	[sflag:s21] =	ssyncset.done $0x0  }
0x76: {  	[sflag:s21] =	ssyncadd.s32 $0xFFFFD800  }
0x77: {  	_ =	sfence.sel $0x180000  }
0x78: {  	[bflag:$0x0] =	sbarrier.arrive $0xFFFF  }
0x79: {  	_ =	strace $0x9000004D  }
0x7a: {  	s0 =	stileid.u32;
	[bflag:$0x2] =	sbarrier.arrive $0xFFFF  }
0x7b: {  	p0 =	sne.s32 s0, $0x0;
	s0 =	rddreg [dreg:$0x3]  }
0x7c: {  	s0 =	sadd.s32 @!p0 $0x100000, s0  }
0x7d: {  	[sflag:s0] =	ssyncadd.tile.s32 @!p0 $0x1;
	_ =	shalt  }
.Lfunc_end2:
_tile_overlayer_lowered:
.L_overlay_start_2:
0x7e: {  	(tag) =	ssettag $0x2  }
0x7f: {  	s0 =	rddreg [dreg:$0x0];
	s2 =	stileid.u32  }
0x80: {  	s1 =	rddreg [dreg:$0x1];
	p0 =	sne.s32 s2, $0x0  }
0x81: {  	s3 =	rddreg [dreg:$0x2];
	[bflag:$0x3] =	sbarrier.arrive $0xFFFF;
	s2 =	simm.s32 @!p0 $0x1C05  }
0x82: {  	[timem:s3], [sflag:s2] =	dma.local @!p0 [hbm:s0], s1  }
0x83: {  	s0 =	simm.s32 @!p0 $0x5  }
0x84: {  	_ =	swait.ge @!p0 [sflag:s0], s1  }
0x85: {  	s1 =	ssub.s32 @!p0 $0x0, s1;
	[sflag:s0] =	ssyncset.done @!p0 $0x0  }
0x86: {  	[sflag:s0] =	ssyncadd.s32 @!p0 s1  }
0x87: {  	[bflag:$0x3] =	sbarrier.arrive $0xFFFF  }
0x88: {  	_ =	shalt  }

// kernel: kernel.18.cloned.1.call-start
scs
__scs_entry_jumppad:
0x0: {  	(pc) =	sbr.rel $0x88, $3  }
0x1: {  	(tag) =	ssettag $0x0;
	lr =	simm.s32 $0x1  }
0x2: {  	[smem:$0x3F96] =	sst lr;
	_ =	strace $0xD0000000  }
0x3: {  	_ = 	snop  }
0x4: {  	_ = 	snop  }
0x5: {  	_ = 	snop  }
0x6: {  	_ = 	snop  }
0x7: {  	_ = 	snop  }
__scs_overlays_trampoline_lowered:
0x8: {  	[smem:$0x3FA5] =	sst s0  }
0x9: {  	[smem:$0x3FA6] =	sst s1  }
0xa: {  	[smem:$0x3FA7] =	sst s2  }
0xb: {  	[smem:$0x3FA8] =	sst s3  }
0xc: {  	[smem:$0x3FA9] =	sst s4  }
0xd: {  	[smem:$0x3FAA] =	sst s5  }
0xe: {  	[smem:$0x3FAB] =	sst s6  }
0xf: {  	[smem:$0x3FAC] =	sst s7  }
0x10: {  	[smem:$0x3FAD] =	sst s8  }
0x11: {  	[smem:$0x3FAE] =	sst s9;
	s0 =	simm.s32 @!p0 $0x0  }
0x12: {  	s1 =	sld [smem:$0x3F94];
	s0 =	simm.s32 @p0 $0x1  }
0x13: {  	[smem:$0x3FAF] =	sst s0;
	s0 =	simm.s32 @!p1 $0x0  }
0x14: {  	s2 =	sld [smem:$0x3F93];
	s0 =	simm.s32 @p1 $0x1  }
0x15: {  	[smem:$0x3FB0] =	sst s0;
	s0 =	simm.s32 @!p2 $0x0  }
0x16: {  	s3 =	sld [smem:$0x3FDB];
	s0 =	simm.s32 @p2 $0x1  }
0x17: {  	s4 =	simm.s32 $0x1BF5;
	[smem:$0x3FB2] =	sst s0  }
0x18: {  	s0 =	sld [smem:$0x3F95];
	_ =	swait.ge [sflag:s4], $0x0  }
0x19: {  	s7 =	sld [smem:$0x3F96]  }
0x1a: {  	s8 =	sadd.s32 $0xFFFFE003, lr  }
0x1b: {  	s9 =	sadd.s32 $0xFFFFFEF7, lr;
	s5 =	simm.s32 $0xFFFFFFFF;
	p2 =	slt.u32 s8, $0xFFFFF086  }
0x1c: {  	p1 =	slt.u32 s9, $0xF7A;
	s5 =	simm.s32 @!p2 $0x0  }
0x1d: {  	s5 =	simm.s32 @p1 $0x1;
	p0 =	seq.s32 s7, s2  }
0x1e: {  	s7 =	smul.u32 @!p0 $0xF7A, s2;
	p2 =	seq.s32 @!p0 s5, $0x0  }
0x1f: {  	s9 =	smul.u32 $0xF7A, s1;
	s8 =	simm.s32 @!p0 $0x1BF5;
	p2 =	por !p2, p0  }
0x20: {  	[sflag:s8] =	ssyncset.s32 @!p0 $0xFFFFF086;
	s6 =	sadd.s32 @!p0 s3, s7;
	s7 =	simm.s32 @!p0 $0x108  }
0x21: {  	s3 =	sadd.s32 s3, s9;
	s6 =	sadd.s32 @!p0 $0x88, s6;
	s7 =	simm.s32 @p2 $0x1082  }
0x22: {  	[simem:s7], [sflag:s8] =	dma.local @!p0 [hbm:s6], $0xF7A  }
0x23: {  	s9 =	sor.u32 $0xD0000000, s2;
	s6 =	simm.s32 $0x108;
	_ =	swait.ge @!p0 [sflag:s8], $0x0  }
0x24: {  	s3 =	sadd.s32 $0x88, s3;
	s6 =	simm.s32 @!p1 $0x1082;
	[sflag:s4] =	ssyncset.s32 $0xFFFFF086  }
0x25: {  	[simem:s6], [sflag:s4] =	dma.local [hbm:s3], $0xF7A  }
0x26: {  	[smem:$0x3F96] =	sst s1;
	(tag) =	ssettag s2;
	_ =	strace s9  }
0x27: {  	s1 =	sld [smem:$0x3FA6]  }
0x28: {  	s2 =	sld [smem:$0x3FA7]  }
0x29: {  	s4 =	sld [smem:$0x3FA9]  }
0x2a: {  	p0 =	seq.s32 s5, $0x0;
	s5 =	sld [smem:$0x3FAA]  }
0x2b: {  	s6 =	sld [smem:$0x3FAB]  }
0x2c: {  	s7 =	sld [smem:$0x3FAC]  }
0x2d: {  	s3 =	simm.s32 $0x108;
	s8 =	sld [smem:$0x3FAD]  }
0x2e: {  	s3 =	simm.s32 @!p0 $0x1082;
	s9 =	sld [smem:$0x3FAE]  }
0x2f: {  	lr =	sadd.s32 s0, s3;
	s0 =	sld [smem:$0x3FA5]  }
0x30: {  	s3 =	sld [smem:$0x3FA8]  }
0x31: {  	[smem:$0x3FB1] =	sst s10  }
0x32: {  	s10 =	sld [smem:$0x3FAF];
	_ =	sdelay $0x3  }
0x33: {  	p0 =	seq.s32 s10, $0x1;
	s10 =	sld [smem:$0x3FB1];
	_ =	sdelay $0x3  }
0x34: {  	[smem:$0x3FB1] =	sst s10  }
0x35: {  	s10 =	sld [smem:$0x3FB0];
	_ =	sdelay $0x3  }
0x36: {  	p1 =	seq.s32 s10, $0x1;
	s10 =	sld [smem:$0x3FB1];
	_ =	sdelay $0x3  }
0x37: {  	[smem:$0x3FB1] =	sst s10  }
0x38: {  	s10 =	sld [smem:$0x3FB2]  }
0x39: {  	_ = 	snop;
	(pc) =	sbr.ind lr, $3  }
0x3a: {  	_ = 	snop  }
0x3b: {  	_ = 	snop  }
0x3c: {  	p2 =	seq.s32 s10, $0x1;
	s10 =	sld [smem:$0x3FB1]  }
0x3d: {  	_ =	shalt  }
0x3e: {  	_ =	shalt  }
0x3f: {  	_ =	shalt  }
0x40: {  	_ =	shalt  }
0x41: {  	_ =	shalt  }
0x42: {  	_ =	shalt  }
0x43: {  	_ =	shalt  }
0x44: {  	_ =	shalt  }
0x45: {  	_ =	shalt  }
0x46: {  	_ =	shalt  }
0x47: {  	_ =	shalt  }
0x48: {  	_ =	shalt  }
0x49: {  	_ =	shalt  }
0x4a: {  	_ =	shalt  }
0x4b: {  	_ =	shalt  }
0x4c: {  	_ =	shalt  }
0x4d: {  	_ =	shalt  }
0x4e: {  	_ =	shalt  }
0x4f: {  	_ =	shalt  }
0x50: {  	_ =	shalt  }
0x51: {  	_ =	shalt  }
0x52: {  	_ =	shalt  }
0x53: {  	_ =	shalt  }
0x54: {  	_ =	shalt  }
0x55: {  	_ =	shalt  }
0x56: {  	_ =	shalt  }
0x57: {  	_ =	shalt  }
0x58: {  	_ =	shalt  }
0x59: {  	_ =	shalt  }
0x5a: {  	_ =	shalt  }
0x5b: {  	_ =	shalt  }
0x5c: {  	_ =	shalt  }
0x5d: {  	_ =	shalt  }
0x5e: {  	_ =	shalt  }
0x5f: {  	_ =	shalt  }
0x60: {  	_ =	shalt  }
0x61: {  	_ =	shalt  }
0x62: {  	_ =	shalt  }
0x63: {  	_ =	shalt  }
0x64: {  	_ =	shalt  }
0x65: {  	_ =	shalt  }
0x66: {  	_ =	shalt  }
0x67: {  	_ =	shalt  }
0x68: {  	_ =	shalt  }
0x69: {  	_ =	shalt  }
0x6a: {  	_ =	shalt  }
0x6b: {  	_ =	shalt  }
0x6c: {  	_ =	shalt  }
0x6d: {  	_ =	shalt  }
0x6e: {  	_ =	shalt  }
0x6f: {  	_ =	shalt  }
0x70: {  	_ =	shalt  }
0x71: {  	_ =	shalt  }
0x72: {  	_ =	shalt  }
0x73: {  	_ =	shalt  }
0x74: {  	_ =	shalt  }
0x75: {  	_ =	shalt  }
0x76: {  	_ =	shalt  }
0x77: {  	_ =	shalt  }
0x78: {  	_ =	shalt  }
0x79: {  	_ =	shalt  }
0x7a: {  	_ =	shalt  }
0x7b: {  	_ =	shalt  }
0x7c: {  	_ =	shalt  }
0x7d: {  	_ =	shalt  }
0x7e: {  	_ =	shalt  }
0x7f: {  	_ =	shalt  }
0x80: {  	_ =	shalt  }
0x81: {  	_ =	shalt  }
0x82: {  	_ =	shalt  }
0x83: {  	_ =	shalt  }
0x84: {  	_ =	shalt  }
0x85: {  	_ =	shalt  }
0x86: {  	_ =	shalt  }
0x87: {  	_ =	shalt  }
.Lfunc_end0:
.L_simem_size_0:
called_computation.3_lowered:
.L_overlay_start_0:
0x88: {  	s2 =	sld [smem:$0x3FD9]  }
0x89: {  	s3 =	sld [smem:$0x3FFE];
	_ =	sdelay $0x1  }
0x8a: {  	s1 =	srdreg.scid  }
0x8b: {  	s0 =	sand.u32 $0x1, s1  }
0x8c: {  	s17 =	sshll.u32 s0, $0xA;
	s2 =	sadd.s32 s3, s2  }
0x8d: {  	s2 =	sadd.s32 s2, s17  }
0x8e: {  	[smem:$0x3FBD] =	sst s2  }
0x8f: {  	_ = 	snop  }
0x90: {  	s2 =	sld [smem:$0x3FD0];
	(tm) =	ssettm $0x1  }
0x91: {  	s18 =	sld [smem:$0x3FFB];
	_ =	sdelay $0x3  }
0x92: {  	_ =	strace s18  }
0x93: {  	s3 =	sld [smem:$0x3FFC];
	_ =	sdelay $0x3  }
0x94: {  	_ =	strace s3  }
0x95: {  	s3 =	sld [smem:$0x3FFD];
	_ =	sdelay $0x3  }
0x96: {  	_ =	strace s3  }
0x97: {  	_ =	strace $0x8FFFFFFF  }
0x98: {  	s19 =	sld [smem:$0x3FDB];
	_ =	sdelay $0x1  }
0x99: {  	s4 =	simm.s32 $_scs_section_size  }
0x9a: {  	s5 =	simm.s32 $_size__tile_overlayer_lowered;
	s6 =	simm.s32 $_tile_overlayer_lowered  }
0x9b: {  	s22 =	simm.s32 $0x1BFF;
	s21 =	sshll.u32 s6, $0x1;
	s3 =	sadd.s32 s4, s19  }
0x9c: {  	s7 =	simm.s32 $0x0;
	s20 =	sshll.u32 s5, $0x1;
	s5 =	sadd.s32 s21, s3  }
0x9d: {  	[timem:s7], [sflag:s22] =	dma.local [hbm:s5], s20  }
0x9e: {  	_ =	swait.ge [sflag:s22], s20  }
0x9f: {  	s4 =	ssub.s32 $0x0, s20;
	[sflag:s22] =	ssyncset.done $0x0  }
0xa0: {  	[sflag:s22] =	ssyncadd.s32 s4;
	_ =	sdelay $0x1  }
0xa1: {  	s23 =	simm.s32 $0x1B8B  }
0xa2: {  	_ =	swait.ge [sflag:s23], $0x1  }
0xa3: {  	[sflag:s23] =	ssyncset.done $0x0  }
0xa4: {  	s25 =	simm.s32 $0x1B8E;
	s24 =	sld [smem:$0x3FFE];
	[sflag:s23] =	ssyncadd.s32 $0xFFFFFFFF  }
0xa5: {  	s26 =	simm.s32 $execute0_lowered;
	[smem:$0x3FD2] =	sst s25  }
0xa6: {  	s5 =	sshll.u32 s26, $0x1;
	_ =	strace $0x8000004F;
	[dreg:$0x1] =	wrdreg $0xFFFFFFFF  }
0xa7: {  	s28 =	simm.s32 $_size_execute0_lowered;
	s3 =	sadd.s32 s3, s5;
	[dreg:$0x0] =	wrdreg $0x0  }
0xa8: {  	s5 =	sshll.u32 s28, $0x1;
	[dreg:$0x2] =	wrdreg s3  }
0xa9: {  	[dreg:$0x3] =	wrdreg s5  }
0xaa: {  	[dreg:$0x4] =	wrdreg $0xC0  }
0xab: {  	_ =	task [dreg:s7], $0x5FFFF  }
0xac: {  	[dreg:$0x1] =	wrdreg $0xFFFFFFFF  }
0xad: {  	[dreg:$0x0] =	wrdreg $0x60  }
0xae: {  	[dreg:$0x2] =	wrdreg s2  }
0xaf: {  	[dreg:$0x3] =	wrdreg s24  }
0xb0: {  	[dreg:$0x4] =	wrdreg $0xB7800  }
0xb1: {  	[dreg:$0x5] =	wrdreg $0x9  }
0xb2: {  	_ =	task.clear_ibuf [dreg:s7], $0x6FFFF;
	_ =	strace $0x9000004F  }
0xb3: {  	s29 =	simm.s32 $0x9;
	_ =	strace $0x80000051  }
0xb4: {  	_ =	swait.ge [sflag:s29], $0x1  }
0xb5: {  	[sflag:s29] =	ssyncadd.s32 $0xFFFFFFFF  }
0xb6: {  	_ =	strace $0x90000051  }
0xb7: {  	_ =	sfence  }
0xb8: {  	s30 =	sld [smem:$0x0];
	_ =	sdelay $0x2  }
0xb9: {  	s31 =	sshll.u32 s1, $0xD;
	s1 =	sshrl.u32 s1, $0x2  }
0xba: {  	s3 =	sand.u32 $0x4000, s31;
	s1 =	sadd.s32 s1, s30  }
0xbb: {  	s0 =	sor.u32 s3, s0;
	s1 =	sshll.u32 s1, $0x11  }
0xbc: {  	s0 =	sor.u32 s1, s0  }
0xbd: {  	s0 =	sadd.s32 $0x8F2B, s0  }
0xbe: {  	[sflag:s0] =	ssyncadd.remote.s32 $0x1  }
0xbf: {  	_ =	sfence.sel $0xFFFF  }
0xc0: {  	[dreg:$0x0] =	wrdreg $0xFFFFFFFF;
	(pc) =	sbr.abs _section_cstart, $3  }
0xc1: {  	[dreg:$0x1] =	wrdreg $0xFFFFFFFF  }
0xc2: {  	_ =	task.clear_ibuf [dreg:s7], $0x2FFFF;
	_ =	strace $0x9FFFFFFF  }
0xc3: {  	(tm) =	ssettm $0x7FFFFFFF  }
tec
execute0_lowered:
.L_overlay_start_1:
0x0: {  	(tag) =	ssettag $0x1  }
0x1: {  	s1 =	rddreg [dreg:$0x0]  }
0x2: {  	s0 =	srdreg.scid;
	s5 =	rddreg [dreg:$0x1]  }
0x3: {  	s9 =	stileid.u32;
	s3 =	rddreg [dreg:$0x2];
	s18 =	simm.s32 $0x400  }
0x4: {  	s19 =	simm.s32 $0x2780;
	s20 =	simm.s32 $0x6780;
	s21 =	simm.s32 $0x5  }
0x5: {  	s22 =	simm.s32 $0x1;
	s23 =	simm.s32 $0x2;
	s24 =	simm.s32 $0x50  }
0x6: {  	s25 =	simm.s32 $0x8F80;
	s28 =	simm.s32 $0x4;
	s29 =	simm.s32 $0x6580  }
0x7: {  	s30 =	simm.s32 $0x0;
	s0 =	sand.u32 $0x1, s0;
	s7 =	sshll.u32 s9, $0x7  }
0x8: {  	s8 =	smul.u32 $0x14000, s9;
	s2 =	sshll.u32 s0, $0x4;
	s7 =	sand.u32 $0x380, s7  }
0x9: {  	s26 =	smul.u32 $0x140000, s0;
	s0 =	ssub.s32 $0x2, s0;
	s2 =	sor.u32 s9, s2  }
0xa: {  	s9 =	smul.u32 $0x50000, s9;
	s31 =	sshrl.u32 s0, $0x1;
	s4 =	sshrl.u32 s2, $0x3  }
0xb: {  	s2 =	sshll.u32 s2, $0xB;
	s0 =	ssub.s32 s0, s31;
	s6 =	smul.u32 $0x13C00, s4  }
0xc: {  	s4 =	simm.s32 $0x0;
	s2 =	sadd.s32 s2, s5;
	s9 =	sshrl.u32 s9, $0x2  }
0xd: {  	s16 =	smax.u32 s0, $0x1;
	[smem:$0x7FF] =	sst s4;
	s6 =	sor.u32 s7, s6  }
0xe: {  	_ =	strace $0x80000050;
	s7 =	sadd.s32 s8, s26;
	s6 =	sshrl.u32 s6, $0x3  }
0xf: {  	s26 =	simm.s32 $0x3;
	s7 =	sshrl.u32 s7, $0x3;
	s6 =	sadd.s32 s6, s5  }
0x10: {  	s15 =	sadd.s32 s7, s5;
	s5 =	sadd.s32 s9, s3;
	s7 =	sadd.s32 $0x3000, s2  }
0x11: {  	s6 =	sadd.s32 $0x13000, s6;
	s8 =	sadd.s32 $0x2800, s5;
	s9 =	sadd.s32 $0x5000, s5  }
0x12: {  	s10 =	sadd.s32 $0x7800, s5;
	s11 =	sadd.s32 $0xA000, s5;
	s12 =	sadd.s32 $0xC800, s5  }
0x13: {  	v0 =	vimm.f32 $0.0e+00;
	s13 =	sadd.s32 $0xF000, s5;
	s14 =	sadd.s32 $0x11800, s5;
	s15 =	sadd.s32 $0x1CE00, s15  }
.LBB2_1:
0x14: {  	s0 =	simm.s32 $0x80;
	s17 =	sand.u32 $0xFE00, s4  }
0x15: {  	[tilespmem:s4], [sflag:$0x1] =	stream.strided.gather [hbm4b:s6+s0], $0x2780, s18, s0, $0x38;
	[tilespmem:$0x1F780] =	vst v63  }
0x16: {  	s31 =	sand.u32 $0x70, s4;
	s0 =	sshrl.u32 s17, $0x2  }
0x17: {  	s2 =	simm.s32 $0x40;
	s0 =	sor.u32 s31, s0;
	s31 =	simm.s32 $0x0  }
0x18: {  	[tilespmem:s19], [sflag:$0x2] =	stream.linear.gather [hbm4b:s7+s4], $0x3E80, $0x38;
	[tilespmem:$0x1F780] =	vst v63  }
.LBB2_2:
0x19: {  	p0 =	sne.s32 s2, $0x9FC0  }
0x1a: {  	[tilespmem:s0+$0x6780] =	vst v0;
	s31 =	sadd.s32 $0x10, s31;
	s0 =	smov.u32 s2;
	s2 =	sadd.s32 $0x40, s2  }
.Ltmp0:
0x1b: {  	(pc) =	sbr.rel @p0 .LBB2_2-.Ltmp0, $4  }
0x1c: {  	_ = 	snop  }
0x1d: {  	s0 =	sand.u32 $0xFE00, s0  }
0x1e: {  	s17 =	sand.u32 $0x70, s31;
	s0 =	sshrl.u32 s0, $0x2  }
0x1f: {  	s0 =	sor.u32 s17, s0  }
0x20: {  	[tilespmem:s0+$0x6780] =	vst v0  }
0x21: {  	[spmem:s5] =	stream.linear.scatter [tilespmem:s20], [sflag:$0x5], $0x2800, $0x38;
	[tilespmem:$0x1F780] =	vst v63  }
0x22: {  	_ =	swait.ge [sflag:s21], $0x2800  }
0x23: {  	[sflag:s21] =	ssyncset.done $0x0  }
0x24: {  	[sflag:s21] =	ssyncadd.s32 $0xFFFFD800  }
0x25: {  	[spmem:s8] =	stream.linear.scatter [tilespmem:s20], [sflag:$0x5], $0x2800, $0x38;
	[tilespmem:$0x1F780] =	vst v63  }
0x26: {  	_ =	swait.ge [sflag:s21], $0x2800  }
0x27: {  	[sflag:s21] =	ssyncset.done $0x0  }
0x28: {  	[sflag:s21] =	ssyncadd.s32 $0xFFFFD800  }
0x29: {  	[spmem:s9] =	stream.linear.scatter [tilespmem:s20], [sflag:$0x5], $0x2800, $0x38;
	[tilespmem:$0x1F780] =	vst v63  }
0x2a: {  	_ =	swait.ge [sflag:s21], $0x2800  }
0x2b: {  	[sflag:s21] =	ssyncset.done $0x0  }
0x2c: {  	[sflag:s21] =	ssyncadd.s32 $0xFFFFD800  }
0x2d: {  	[spmem:s10] =	stream.linear.scatter [tilespmem:s20], [sflag:$0x5], $0x2800, $0x38;
	[tilespmem:$0x1F780] =	vst v63  }
0x2e: {  	_ =	swait.ge [sflag:s21], $0x2800  }
0x2f: {  	[sflag:s21] =	ssyncset.done $0x0  }
0x30: {  	[sflag:s21] =	ssyncadd.s32 $0xFFFFD800  }
0x31: {  	[spmem:s11] =	stream.linear.scatter [tilespmem:s20], [sflag:$0x5], $0x2800, $0x38;
	[tilespmem:$0x1F780] =	vst v63  }
0x32: {  	_ =	swait.ge [sflag:s21], $0x2800  }
0x33: {  	[sflag:s21] =	ssyncset.done $0x0  }
0x34: {  	[sflag:s21] =	ssyncadd.s32 $0xFFFFD800  }
0x35: {  	[spmem:s12] =	stream.linear.scatter [tilespmem:s20], [sflag:$0x5], $0x2800, $0x38;
	[tilespmem:$0x1F780] =	vst v63  }
0x36: {  	_ =	swait.ge [sflag:s21], $0x2800  }
0x37: {  	[sflag:s21] =	ssyncset.done $0x0  }
0x38: {  	[sflag:s21] =	ssyncadd.s32 $0xFFFFD800  }
0x39: {  	[spmem:s13] =	stream.linear.scatter [tilespmem:s20], [sflag:$0x5], $0x2800, $0x38;
	[tilespmem:$0x1F780] =	vst v63  }
0x3a: {  	_ =	swait.ge [sflag:s21], $0x2800  }
0x3b: {  	[sflag:s21] =	ssyncset.done $0x0  }
0x3c: {  	[sflag:s21] =	ssyncadd.s32 $0xFFFFD800  }
0x3d: {  	[spmem:s14] =	stream.linear.scatter [tilespmem:s20], [sflag:$0x5], $0x2800, $0x38;
	[tilespmem:$0x1F780] =	vst v63  }
0x3e: {  	_ =	swait.ge [sflag:s21], $0x2800  }
0x3f: {  	[sflag:s21] =	ssyncset.done $0x0  }
0x40: {  	[sflag:s21] =	ssyncadd.s32 $0xFFFFD800  }
0x41: {  	_ =	swait.ge [sflag:s22], $0x2780  }
0x42: {  	[sflag:s22] =	ssyncset.done $0x0  }
0x43: {  	[sflag:s22] =	ssyncadd.s32 $0xFFFFD880  }
0x44: {  	_ =	swait.ge [sflag:s23], $0x3E80  }
0x45: {  	[sflag:s23] =	ssyncset.done $0x0  }
0x46: {  	[sflag:s23] =	ssyncadd.s32 $0xFFFFC180  }
0x47: {  	s2 =	simm.s32 $0x0;
	[bflag:$0x0] =	sbarrier.arrive $0xFFFF  }
0x48: {  	[tilespmem:s20], [sflag:$0x1] =	stream.indirect.gather [hbm4b:s1+s24], $0x80, s2, s24, $0xb8;
	[tilespmem:$0x1F780] =	vst v63  }
0x49: {  	_ =	swait.ge [sflag:s22], $0x2800  }
0x4a: {  	[sflag:s22] =	ssyncset.done $0x0  }
0x4b: {  	s17 =	simm.s32 $0x2780;
	[sflag:s22] =	ssyncadd.s32 $0xFFFFD800  }
0x4c: {  	[spmem:s3] =	stream.indirect.scatter.add.f32 [tilespmem:s20], [sflag:$0x3], $0x80, s17, s24, $0xb8;
	[tilespmem:$0x1F780] =	vst v63  }
0x4d: {  	s2 =	simm.s32 $0x50  }
0x4e: {  	[tilespmem:s25], [sflag:$0x2] =	stream.indirect.gather [hbm4b:s1+s24], $0x80, s2, s24, $0xb8;
	[tilespmem:$0x1F780] =	vst v63  }
0x4f: {  	_ =	swait.ge [sflag:s23], $0x2800  }
0x50: {  	[sflag:s23] =	ssyncset.done $0x0  }
0x51: {  	s17 =	simm.s32 $0x2800;
	[sflag:s23] =	ssyncadd.s32 $0xFFFFD800  }
0x52: {  	[spmem:s3] =	stream.indirect.scatter.add.f32 [tilespmem:s25], [sflag:$0x4], $0x80, s17, s24, $0xb8;
	[tilespmem:$0x1F780] =	vst v63  }
0x53: {  	_ =	swait.ge [sflag:s26], $0x2800  }
0x54: {  	[sflag:s26] =	ssyncset.done $0x0  }
0x55: {  	s31 =	simm.s32 $0xA0;
	[sflag:s26] =	ssyncadd.s32 $0xFFFFD800  }
0x56: {  	[tilespmem:s20], [sflag:$0x1] =	stream.indirect.gather [hbm4b:s1+s24], $0x80, s31, s24, $0xb8;
	[tilespmem:$0x1F780] =	vst v63  }
0x57: {  	_ =	swait.ge [sflag:s28], $0x2800  }
0x58: {  	s2 =	simm.s32 $0x400;
	[sflag:s28] =	ssyncset.done $0x0  }
.LBB2_4:
0x59: {  	p0 =	sne.s32 s2, $0xF400;
	[sflag:s28] =	ssyncadd.s32 $0xFFFFD800;
	s31 =	sadd.s32 $0xA0, s31  }
0x5a: {  	s0 =	smov.u32 s2;
	s2 =	sadd.s32 $0x400, s2;
	_ =	swait.ge [sflag:s22], $0x2800  }
0x5b: {  	s0 =	sshra.s32 s0, $0x2;
	[sflag:s22] =	ssyncset.done $0x0  }
0x5c: {  	s17 =	sadd.s32 $0x2780, s0;
	[sflag:s22] =	ssyncadd.s32 $0xFFFFD800  }
0x5d: {  	[spmem:s3] =	stream.indirect.scatter.add.f32 [tilespmem:s20], [sflag:$0x3], $0x80, s17, s24, $0xb8;
	[tilespmem:$0x1F780] =	vst v63  }
0x5e: {  	s17 =	sadd.s32 $0xFFFFFFB0, s31  }
0x5f: {  	[tilespmem:s25], [sflag:$0x2] =	stream.indirect.gather [hbm4b:s1+s24], $0x80, s17, s24, $0xb8;
	[tilespmem:$0x1F780] =	vst v63  }
0x60: {  	_ =	swait.ge [sflag:s23], $0x2800  }
0x61: {  	[sflag:s23] =	ssyncset.done $0x0  }
0x62: {  	s0 =	sadd.s32 $0x2800, s0;
	[sflag:s23] =	ssyncadd.s32 $0xFFFFD800  }
0x63: {  	[spmem:s3] =	stream.indirect.scatter.add.f32 [tilespmem:s25], [sflag:$0x4], $0x80, s0, s24, $0xb8;
	[tilespmem:$0x1F780] =	vst v63  }
0x64: {  	_ =	swait.ge [sflag:s26], $0x2800  }
.Ltmp1:
0x65: {  	[sflag:s26] =	ssyncset.done $0x0;
	(pc) =	sbr.rel @p0 .LBB2_4-.Ltmp1, $4  }
0x66: {  	[sflag:s26] =	ssyncadd.s32 $0xFFFFD800  }
0x67: {  	[tilespmem:s20], [sflag:$0x1] =	stream.indirect.gather [hbm4b:s1+s24], $0x80, s31, s24, $0xb8;
	[tilespmem:$0x1F780] =	vst v63  }
0x68: {  	_ =	swait.ge [sflag:s28], $0x2800  }
0x69: {  	[sflag:s28] =	ssyncset.done $0x0  }
0x6a: {  	[sflag:s28] =	ssyncadd.s32 $0xFFFFD800  }
0x6b: {  	_ =	swait.ge [sflag:s22], $0x2800  }
0x6c: {  	[sflag:s22] =	ssyncset.done $0x0  }
0x6d: {  	[sflag:s22] =	ssyncadd.s32 $0xFFFFD800  }
0x6e: {  	[spmem:s3] =	stream.indirect.scatter.add.f32 [tilespmem:s20], [sflag:$0x5], $0x80, s29, s24, $0xb8;
	[tilespmem:$0x1F780] =	vst v63  }
0x6f: {  	s0 =	stileid.u32;
	_ =	swait.ge [sflag:s21], $0x2800  }
0x70: {  	s2 =	sshrl.u32 s5, $0x3;
	s30 =	sadd.s32 $0x1, s30;
	[sflag:s21] =	ssyncset.done $0x0  }
0x71: {  	s0 =	sshll.u32 s0, $0x6;
	p0 =	sne.s32 s30, s16;
	[sflag:s21] =	ssyncadd.s32 $0xFFFFD800  }
.Ltmp2:
0x72: {  	s0 =	sor.u32 $0x1C05, s0;
	[bflag:$0x0] =	sbarrier.arrive $0xFFFF;
	(pc) =	sbr.rel @p0 .LBB2_1-.Ltmp2, $4  }
0x73: {  	[hbm:s15], [sflag:s0] =	dma.local [spmem:s2], $0x2800  }
0x74: {  	_ =	swait.ge [sflag:s21], $0x2800  }
0x75: {  	[sflag:s21] =	ssyncset.done $0x0  }
0x76: {  	[sflag:s21] =	ssyncadd.s32 $0xFFFFD800  }
0x77: {  	_ =	sfence.sel $0x180000  }
0x78: {  	[bflag:$0x0] =	sbarrier.arrive $0xFFFF  }
0x79: {  	_ =	strace $0x90000050  }
0x7a: {  	s0 =	stileid.u32;
	[bflag:$0x2] =	sbarrier.arrive $0xFFFF  }
0x7b: {  	p0 =	sne.s32 s0, $0x0;
	s0 =	rddreg [dreg:$0x3]  }
0x7c: {  	s0 =	sadd.s32 @!p0 $0x100000, s0  }
0x7d: {  	[sflag:s0] =	ssyncadd.tile.s32 @!p0 $0x1;
	_ =	shalt  }
.Lfunc_end2:
_tile_overlayer_lowered:
.L_overlay_start_2:
0x7e: {  	(tag) =	ssettag $0x2  }
0x7f: {  	s0 =	rddreg [dreg:$0x0];
	s2 =	stileid.u32  }
0x80: {  	s1 =	rddreg [dreg:$0x1];
	p0 =	sne.s32 s2, $0x0  }
0x81: {  	s3 =	rddreg [dreg:$0x2];
	[bflag:$0x3] =	sbarrier.arrive $0xFFFF;
	s2 =	simm.s32 @!p0 $0x1C05  }
0x82: {  	[timem:s3], [sflag:s2] =	dma.local @!p0 [hbm:s0], s1  }
0x83: {  	s0 =	simm.s32 @!p0 $0x5  }
0x84: {  	_ =	swait.ge @!p0 [sflag:s0], s1  }
0x85: {  	s1 =	ssub.s32 @!p0 $0x0, s1;
	[sflag:s0] =	ssyncset.done @!p0 $0x0  }
0x86: {  	[sflag:s0] =	ssyncadd.s32 @!p0 s1  }
0x87: {  	[bflag:$0x3] =	sbarrier.arrive $0xFFFF  }
0x88: {  	_ =	shalt  }

// kernel: kernel.9.cloned.1.call-start
scs
__scs_entry_jumppad:
0x0: {  	(pc) =	sbr.rel $0x88, $3  }
0x1: {  	(tag) =	ssettag $0x0;
	lr =	simm.s32 $0x1  }
0x2: {  	[smem:$0x3F96] =	sst lr;
	_ =	strace $0xD0000000  }
0x3: {  	_ = 	snop  }
0x4: {  	_ = 	snop  }
0x5: {  	_ = 	snop  }
0x6: {  	_ = 	snop  }
0x7: {  	_ = 	snop  }
__scs_overlays_trampoline_lowered:
0x8: {  	[smem:$0x3FA5] =	sst s0  }
0x9: {  	[smem:$0x3FA6] =	sst s1  }
0xa: {  	[smem:$0x3FA7] =	sst s2  }
0xb: {  	[smem:$0x3FA8] =	sst s3  }
0xc: {  	[smem:$0x3FA9] =	sst s4  }
0xd: {  	[smem:$0x3FAA] =	sst s5  }
0xe: {  	[smem:$0x3FAB] =	sst s6  }
0xf: {  	[smem:$0x3FAC] =	sst s7  }
0x10: {  	[smem:$0x3FAD] =	sst s8  }
0x11: {  	[smem:$0x3FAE] =	sst s9;
	s0 =	simm.s32 @!p0 $0x0  }
0x12: {  	s1 =	sld [smem:$0x3F94];
	s0 =	simm.s32 @p0 $0x1  }
0x13: {  	[smem:$0x3FAF] =	sst s0;
	s0 =	simm.s32 @!p1 $0x0  }
0x14: {  	s2 =	sld [smem:$0x3F93];
	s0 =	simm.s32 @p1 $0x1  }
0x15: {  	[smem:$0x3FB0] =	sst s0;
	s0 =	simm.s32 @!p2 $0x0  }
0x16: {  	s3 =	sld [smem:$0x3FDB];
	s0 =	simm.s32 @p2 $0x1  }
0x17: {  	s4 =	simm.s32 $0x1BF5;
	[smem:$0x3FB2] =	sst s0  }
0x18: {  	s0 =	sld [smem:$0x3F95];
	_ =	swait.ge [sflag:s4], $0x0  }
0x19: {  	s7 =	sld [smem:$0x3F96]  }
0x1a: {  	s8 =	sadd.s32 $0xFFFFE003, lr  }
0x1b: {  	s9 =	sadd.s32 $0xFFFFFEF7, lr;
	s5 =	simm.s32 $0xFFFFFFFF;
	p2 =	slt.u32 s8, $0xFFFFF086  }
0x1c: {  	p1 =	slt.u32 s9, $0xF7A;
	s5 =	simm.s32 @!p2 $0x0  }
0x1d: {  	s5 =	simm.s32 @p1 $0x1;
	p0 =	seq.s32 s7, s2  }
0x1e: {  	s7 =	smul.u32 @!p0 $0xF7A, s2;
	p2 =	seq.s32 @!p0 s5, $0x0  }
0x1f: {  	s9 =	smul.u32 $0xF7A, s1;
	s8 =	simm.s32 @!p0 $0x1BF5;
	p2 =	por !p2, p0  }
0x20: {  	[sflag:s8] =	ssyncset.s32 @!p0 $0xFFFFF086;
	s6 =	sadd.s32 @!p0 s3, s7;
	s7 =	simm.s32 @!p0 $0x108  }
0x21: {  	s3 =	sadd.s32 s3, s9;
	s6 =	sadd.s32 @!p0 $0x88, s6;
	s7 =	simm.s32 @p2 $0x1082  }
0x22: {  	[simem:s7], [sflag:s8] =	dma.local @!p0 [hbm:s6], $0xF7A  }
0x23: {  	s9 =	sor.u32 $0xD0000000, s2;
	s6 =	simm.s32 $0x108;
	_ =	swait.ge @!p0 [sflag:s8], $0x0  }
0x24: {  	s3 =	sadd.s32 $0x88, s3;
	s6 =	simm.s32 @!p1 $0x1082;
	[sflag:s4] =	ssyncset.s32 $0xFFFFF086  }
0x25: {  	[simem:s6], [sflag:s4] =	dma.local [hbm:s3], $0xF7A  }
0x26: {  	[smem:$0x3F96] =	sst s1;
	(tag) =	ssettag s2;
	_ =	strace s9  }
0x27: {  	s1 =	sld [smem:$0x3FA6]  }
0x28: {  	s2 =	sld [smem:$0x3FA7]  }
0x29: {  	s4 =	sld [smem:$0x3FA9]  }
0x2a: {  	p0 =	seq.s32 s5, $0x0;
	s5 =	sld [smem:$0x3FAA]  }
0x2b: {  	s6 =	sld [smem:$0x3FAB]  }
0x2c: {  	s7 =	sld [smem:$0x3FAC]  }
0x2d: {  	s3 =	simm.s32 $0x108;
	s8 =	sld [smem:$0x3FAD]  }
0x2e: {  	s3 =	simm.s32 @!p0 $0x1082;
	s9 =	sld [smem:$0x3FAE]  }
0x2f: {  	lr =	sadd.s32 s0, s3;
	s0 =	sld [smem:$0x3FA5]  }
0x30: {  	s3 =	sld [smem:$0x3FA8]  }
0x31: {  	[smem:$0x3FB1] =	sst s10  }
0x32: {  	s10 =	sld [smem:$0x3FAF];
	_ =	sdelay $0x3  }
0x33: {  	p0 =	seq.s32 s10, $0x1;
	s10 =	sld [smem:$0x3FB1];
	_ =	sdelay $0x3  }
0x34: {  	[smem:$0x3FB1] =	sst s10  }
0x35: {  	s10 =	sld [smem:$0x3FB0];
	_ =	sdelay $0x3  }
0x36: {  	p1 =	seq.s32 s10, $0x1;
	s10 =	sld [smem:$0x3FB1];
	_ =	sdelay $0x3  }
0x37: {  	[smem:$0x3FB1] =	sst s10  }
0x38: {  	s10 =	sld [smem:$0x3FB2]  }
0x39: {  	_ = 	snop;
	(pc) =	sbr.ind lr, $3  }
0x3a: {  	_ = 	snop  }
0x3b: {  	_ = 	snop  }
0x3c: {  	p2 =	seq.s32 s10, $0x1;
	s10 =	sld [smem:$0x3FB1]  }
0x3d: {  	_ =	shalt  }
0x3e: {  	_ =	shalt  }
0x3f: {  	_ =	shalt  }
0x40: {  	_ =	shalt  }
0x41: {  	_ =	shalt  }
0x42: {  	_ =	shalt  }
0x43: {  	_ =	shalt  }
0x44: {  	_ =	shalt  }
0x45: {  	_ =	shalt  }
0x46: {  	_ =	shalt  }
0x47: {  	_ =	shalt  }
0x48: {  	_ =	shalt  }
0x49: {  	_ =	shalt  }
0x4a: {  	_ =	shalt  }
0x4b: {  	_ =	shalt  }
0x4c: {  	_ =	shalt  }
0x4d: {  	_ =	shalt  }
0x4e: {  	_ =	shalt  }
0x4f: {  	_ =	shalt  }
0x50: {  	_ =	shalt  }
0x51: {  	_ =	shalt  }
0x52: {  	_ =	shalt  }
0x53: {  	_ =	shalt  }
0x54: {  	_ =	shalt  }
0x55: {  	_ =	shalt  }
0x56: {  	_ =	shalt  }
0x57: {  	_ =	shalt  }
0x58: {  	_ =	shalt  }
0x59: {  	_ =	shalt  }
0x5a: {  	_ =	shalt  }
0x5b: {  	_ =	shalt  }
0x5c: {  	_ =	shalt  }
0x5d: {  	_ =	shalt  }
0x5e: {  	_ =	shalt  }
0x5f: {  	_ =	shalt  }
0x60: {  	_ =	shalt  }
0x61: {  	_ =	shalt  }
0x62: {  	_ =	shalt  }
0x63: {  	_ =	shalt  }
0x64: {  	_ =	shalt  }
0x65: {  	_ =	shalt  }
0x66: {  	_ =	shalt  }
0x67: {  	_ =	shalt  }
0x68: {  	_ =	shalt  }
0x69: {  	_ =	shalt  }
0x6a: {  	_ =	shalt  }
0x6b: {  	_ =	shalt  }
0x6c: {  	_ =	shalt  }
0x6d: {  	_ =	shalt  }
0x6e: {  	_ =	shalt  }
0x6f: {  	_ =	shalt  }
0x70: {  	_ =	shalt  }
0x71: {  	_ =	shalt  }
0x72: {  	_ =	shalt  }
0x73: {  	_ =	shalt  }
0x74: {  	_ =	shalt  }
0x75: {  	_ =	shalt  }
0x76: {  	_ =	shalt  }
0x77: {  	_ =	shalt  }
0x78: {  	_ =	shalt  }
0x79: {  	_ =	shalt  }
0x7a: {  	_ =	shalt  }
0x7b: {  	_ =	shalt  }
0x7c: {  	_ =	shalt  }
0x7d: {  	_ =	shalt  }
0x7e: {  	_ =	shalt  }
0x7f: {  	_ =	shalt  }
0x80: {  	_ =	shalt  }
0x81: {  	_ =	shalt  }
0x82: {  	_ =	shalt  }
0x83: {  	_ =	shalt  }
0x84: {  	_ =	shalt  }
0x85: {  	_ =	shalt  }
0x86: {  	_ =	shalt  }
0x87: {  	_ =	shalt  }
.Lfunc_end0:
.L_simem_size_0:
called_computation_lowered:
.L_overlay_start_0:
0x88: {  	s2 =	sld [smem:$0x3FD9]  }
0x89: {  	s3 =	sld [smem:$0x3FFE];
	_ =	sdelay $0x1  }
0x8a: {  	s1 =	srdreg.scid  }
0x8b: {  	s0 =	sand.u32 $0x1, s1  }
0x8c: {  	s17 =	sshll.u32 s0, $0xA;
	s2 =	sadd.s32 s3, s2  }
0x8d: {  	s2 =	sadd.s32 s2, s17  }
0x8e: {  	[smem:$0x3FBD] =	sst s2  }
0x8f: {  	_ = 	snop  }
0x90: {  	(tm) =	ssettm $0x1  }
0x91: {  	s18 =	sld [smem:$0x3FFB];
	_ =	sdelay $0x3  }
0x92: {  	_ =	strace s18  }
0x93: {  	s2 =	sld [smem:$0x3FFC];
	_ =	sdelay $0x3  }
0x94: {  	_ =	strace s2  }
0x95: {  	s2 =	sld [smem:$0x3FFD];
	_ =	sdelay $0x3  }
0x96: {  	_ =	strace s2  }
0x97: {  	_ =	strace $0x8FFFFFFF  }
0x98: {  	s19 =	sld [smem:$0x3FDB];
	_ =	sdelay $0x1  }
0x99: {  	s20 =	simm.s32 $_scs_section_size  }
0x9a: {  	s4 =	simm.s32 $_size__tile_overlayer_lowered;
	s5 =	simm.s32 $_tile_overlayer_lowered  }
0x9b: {  	s6 =	simm.s32 $0x1BFF;
	s21 =	sshll.u32 s5, $0x1;
	s3 =	sadd.s32 s20, s19  }
0x9c: {  	s22 =	simm.s32 $0x0;
	s4 =	sshll.u32 s4, $0x1;
	s5 =	sadd.s32 s21, s3  }
0x9d: {  	[timem:s22], [sflag:s6] =	dma.local [hbm:s5], s4  }
0x9e: {  	_ =	swait.ge [sflag:s6], s4  }
0x9f: {  	s4 =	ssub.s32 $0x0, s4;
	[sflag:s6] =	ssyncset.done $0x0  }
0xa0: {  	[sflag:s6] =	ssyncadd.s32 s4;
	_ =	sdelay $0x1  }
0xa1: {  	s23 =	simm.s32 $0x1B8B  }
0xa2: {  	_ =	swait.ge [sflag:s23], $0x1  }
0xa3: {  	[sflag:s23] =	ssyncset.done $0x0  }
0xa4: {  	[sflag:s23] =	ssyncadd.s32 $0xFFFFFFFF  }
0xa5: {  	s4 =	sld [smem:$0x0]  }
0xa6: {  	s5 =	sand.u32 $0xFFFFFFFE, s1  }
0xa7: {  	p0 =	sne.s32 s1, s5  }
0xa8: {  	s5 =	sshll.u32 @p0 s5, $0xE  }
0xa9: {  	s5 =	sadd.s32 @p0 $0x11B8D, s5;
	s6 =	sshll.u32 @p0 s4, $0x11  }
0xaa: {  	s5 =	sor.u32 @p0 s6, s5  }
0xab: {  	[sflag:s5] =	ssyncadd.remote.s32 @p0 $0x1;
	_ =	sdelay $0x1  }
0xac: {  	s5 =	simm.s32 @p0 $0x1B8D  }
0xad: {  	_ =	swait.eq @p0 [sflag:s5], $0x1  }
0xae: {  	[sflag:s5] =	ssyncadd.s32 @p0 $0xFFFFFFFF  }
0xaf: {  	s6 =	sshll.u32 @!p0 s1, $0xE  }
0xb0: {  	s6 =	sor.u32 @!p0 $0x4000, s6;
	s5 =	simm.s32 @!p0 $0x1B8D  }
0xb1: {  	s4 =	sshll.u32 @!p0 s4, $0x11;
	s6 =	sadd.s32 @!p0 $0x11B8D, s6;
	_ =	swait.eq @!p0 [sflag:s5], $0x1  }
0xb2: {  	s4 =	sor.u32 @!p0 s4, s6;
	[sflag:s5] =	ssyncadd.s32 @!p0 $0xFFFFFFFF  }
0xb3: {  	s25 =	simm.s32 $0x1B8E;
	s24 =	sld [smem:$0x3FFE];
	[sflag:s4] =	ssyncadd.remote.s32 @!p0 $0x1  }
0xb4: {  	s26 =	simm.s32 $execute0_lowered;
	[smem:$0x3FD2] =	sst s25  }
0xb5: {  	s5 =	sshll.u32 s26, $0x1;
	_ =	strace $0x80000049;
	[dreg:$0x1] =	wrdreg $0xFFFFFFFF  }
0xb6: {  	s28 =	simm.s32 $_size_execute0_lowered;
	s3 =	sadd.s32 s3, s5;
	[dreg:$0x0] =	wrdreg $0x0  }
0xb7: {  	s5 =	sshll.u32 s28, $0x1;
	[dreg:$0x2] =	wrdreg s3  }
0xb8: {  	[dreg:$0x3] =	wrdreg s5  }
0xb9: {  	[dreg:$0x4] =	wrdreg $0xC0  }
0xba: {  	_ =	task [dreg:s22], $0x5FFFF  }
0xbb: {  	[dreg:$0x1] =	wrdreg $0xFFFFFFFF  }
0xbc: {  	[dreg:$0x0] =	wrdreg $0x60  }
0xbd: {  	[dreg:$0x2] =	wrdreg s24  }
0xbe: {  	[dreg:$0x3] =	wrdreg $0x68000  }
0xbf: {  	[dreg:$0x4] =	wrdreg $0x9  }
0xc0: {  	_ =	task.clear_ibuf [dreg:s22], $0x5FFFF;
	_ =	strace $0x90000049  }
0xc1: {  	s29 =	simm.s32 $0x9;
	_ =	strace $0x8000004B  }
0xc2: {  	_ =	swait.ge [sflag:s29], $0x1  }
0xc3: {  	[sflag:s29] =	ssyncadd.s32 $0xFFFFFFFF  }
0xc4: {  	_ =	strace $0x9000004B  }
0xc5: {  	_ =	sfence  }
0xc6: {  	s30 =	sld [smem:$0x0];
	_ =	sdelay $0x2  }
0xc7: {  	s31 =	sshll.u32 s1, $0xD;
	s1 =	sshrl.u32 s1, $0x2  }
0xc8: {  	s4 =	sand.u32 $0x4000, s31;
	s1 =	sadd.s32 s1, s30  }
0xc9: {  	s0 =	sor.u32 s4, s0;
	s1 =	sshll.u32 s1, $0x11  }
0xca: {  	s0 =	sor.u32 s1, s0  }
0xcb: {  	s0 =	sadd.s32 $0x8F2B, s0  }
0xcc: {  	[sflag:s0] =	ssyncadd.remote.s32 $0x1  }
0xcd: {  	_ =	sfence.sel $0xFFFF  }
0xce: {  	[dreg:$0x0] =	wrdreg $0xFFFFFFFF;
	(pc) =	sbr.abs _section_cstart, $3  }
0xcf: {  	[dreg:$0x1] =	wrdreg $0xFFFFFFFF  }
0xd0: {  	_ =	task.clear_ibuf [dreg:s22], $0x2FFFF;
	_ =	strace $0x9FFFFFFF  }
0xd1: {  	(tm) =	ssettm $0x7FFFFFFF  }
tec
execute0_lowered:
.L_overlay_start_1:
0x0: {  	(tag) =	ssettag $0x1  }
0x1: {  	s4 =	rddreg [dreg:$0x0]  }
0x2: {  	s0 =	srdreg.scid;
	s2 =	rddreg [dreg:$0x1]  }
0x3: {  	s1 =	stileid.u32;
	s3 =	simm.s32 $0x0;
	s15 =	simm.s32 $0x4000  }
0x4: {  	s16 =	simm.s32 $0x4;
	s17 =	simm.s32 $0x1;
	s18 =	simm.s32 $0x50  }
0x5: {  	s19 =	simm.s32 $0x2;
	s20 =	simm.s32 $0x3;
	s21 =	simm.s32 $0x3E00  }
0x6: {  	s5 =	sand.u32 $0x1, s0;
	s0 =	rddreg [dreg:$0x2];
	s7 =	smul.u32 $0x14000, s1  }
0x7: {  	s22 =	simm.s32 $0x0;
	[smem:$0x7FF] =	sst s3;
	s8 =	smul.u32 $0x50000, s1  }
0x8: {  	s29 =	sshll.u32 s1, $0xB;
	s6 =	smul.u32 $0x140000, s5;
	s30 =	ssub.s32 $0x2, s5  }
0x9: {  	_ =	strace $0x8000004A;
	s5 =	sshll.u32 s5, $0xF;
	s31 =	sshrl.u32 s30, $0x1  }
0xa: {  	s8 =	sshrl.u32 s8, $0x2;
	s6 =	sadd.s32 s7, s6;
	s7 =	sadd.s32 s29, s4  }
0xb: {  	s14 =	ssub.s32 s30, s31;
	s6 =	sshrl.u32 s6, $0x3;
	s5 =	sadd.s32 s5, s7  }
0xc: {  	s14 =	smax.u32 s14, $0x1;
	s13 =	sadd.s32 s6, s4;
	s4 =	sadd.s32 s8, s2  }
0xd: {  	s5 =	sadd.s32 $0x3000, s5;
	s6 =	sadd.s32 $0x2800, s4;
	s7 =	sadd.s32 $0x5000, s4  }
0xe: {  	s8 =	sadd.s32 $0x7800, s4;
	s9 =	sadd.s32 $0xA000, s4;
	s10 =	sadd.s32 $0xC800, s4  }
0xf: {  	v0 =	vimm.f32 $0.0e+00;
	v1 =	vimm.f32 $1.000000000e+00;
	s11 =	sadd.s32 $0xF000, s4;
	s12 =	sadd.s32 $0x11800, s4;
	s13 =	sadd.s32 $0x6CE00, s13  }
.LBB2_1:
0x10: {  	[tilespmem:s3], [sflag:$0x1] =	stream.linear.gather [hbm4b:s5+s3], $0x3E80, $0x38;
	[tilespmem:$0x1A800] =	vst v63  }
0x11: {  	s23 =	sand.u32 $0xFE00, s3  }
0x12: {  	s24 =	sand.u32 $0x70, s3;
	s25 =	sshrl.u32 s23, $0x2  }
0x13: {  	s23 =	simm.s32 $0x40;
	s25 =	sor.u32 s24, s25;
	s24 =	simm.s32 $0x0  }
.LBB2_2:
0x14: {  	p0 =	sne.s32 s23, $0x9FC0  }
0x15: {  	[tilespmem:s25+$0x4000] =	vst v0;
	s24 =	sadd.s32 $0x10, s24;
	s25 =	smov.u32 s23;
	s23 =	sadd.s32 $0x40, s23  }
.Ltmp0:
0x16: {  	(pc) =	sbr.rel @p0 .LBB2_2-.Ltmp0, $4  }
0x17: {  	_ = 	snop  }
0x18: {  	s25 =	sand.u32 $0xFE00, s25  }
0x19: {  	s26 =	sand.u32 $0x70, s24;
	s25 =	sshrl.u32 s25, $0x2  }
0x1a: {  	s25 =	sor.u32 s26, s25  }
0x1b: {  	[tilespmem:s25+$0x4000] =	vst v0  }
0x1c: {  	[spmem:s4] =	stream.linear.scatter [tilespmem:s15], [sflag:$0x4], $0x2800, $0x38;
	[tilespmem:$0x1A800] =	vst v63  }
0x1d: {  	_ =	swait.ge [sflag:s16], $0x2800  }
0x1e: {  	[sflag:s16] =	ssyncset.done $0x0  }
0x1f: {  	[sflag:s16] =	ssyncadd.s32 $0xFFFFD800  }
0x20: {  	[spmem:s6] =	stream.linear.scatter [tilespmem:s15], [sflag:$0x4], $0x2800, $0x38;
	[tilespmem:$0x1A800] =	vst v63  }
0x21: {  	_ =	swait.ge [sflag:s16], $0x2800  }
0x22: {  	[sflag:s16] =	ssyncset.done $0x0  }
0x23: {  	[sflag:s16] =	ssyncadd.s32 $0xFFFFD800  }
0x24: {  	[spmem:s7] =	stream.linear.scatter [tilespmem:s15], [sflag:$0x4], $0x2800, $0x38;
	[tilespmem:$0x1A800] =	vst v63  }
0x25: {  	_ =	swait.ge [sflag:s16], $0x2800  }
0x26: {  	[sflag:s16] =	ssyncset.done $0x0  }
0x27: {  	[sflag:s16] =	ssyncadd.s32 $0xFFFFD800  }
0x28: {  	[spmem:s8] =	stream.linear.scatter [tilespmem:s15], [sflag:$0x4], $0x2800, $0x38;
	[tilespmem:$0x1A800] =	vst v63  }
0x29: {  	_ =	swait.ge [sflag:s16], $0x2800  }
0x2a: {  	[sflag:s16] =	ssyncset.done $0x0  }
0x2b: {  	[sflag:s16] =	ssyncadd.s32 $0xFFFFD800  }
0x2c: {  	[spmem:s9] =	stream.linear.scatter [tilespmem:s15], [sflag:$0x4], $0x2800, $0x38;
	[tilespmem:$0x1A800] =	vst v63  }
0x2d: {  	_ =	swait.ge [sflag:s16], $0x2800  }
0x2e: {  	[sflag:s16] =	ssyncset.done $0x0  }
0x2f: {  	[sflag:s16] =	ssyncadd.s32 $0xFFFFD800  }
0x30: {  	[spmem:s10] =	stream.linear.scatter [tilespmem:s15], [sflag:$0x4], $0x2800, $0x38;
	[tilespmem:$0x1A800] =	vst v63  }
0x31: {  	_ =	swait.ge [sflag:s16], $0x2800  }
0x32: {  	[sflag:s16] =	ssyncset.done $0x0  }
0x33: {  	[sflag:s16] =	ssyncadd.s32 $0xFFFFD800  }
0x34: {  	[spmem:s11] =	stream.linear.scatter [tilespmem:s15], [sflag:$0x4], $0x2800, $0x38;
	[tilespmem:$0x1A800] =	vst v63  }
0x35: {  	_ =	swait.ge [sflag:s16], $0x2800  }
0x36: {  	[sflag:s16] =	ssyncset.done $0x0  }
0x37: {  	s23 =	simm.s32 $0x0;
	[sflag:s16] =	ssyncadd.s32 $0xFFFFD800  }
0x38: {  	[spmem:s12] =	stream.linear.scatter [tilespmem:s15], [sflag:$0x4], $0x2800, $0x38;
	[tilespmem:$0x1A800] =	vst v63  }
0x39: {  	s24 =	sand.u32 $0xFE00, s23;
	_ =	swait.ge [sflag:s16], $0x2800  }
0x3a: {  	s31 =	sand.u32 $0x70, s23;
	s26 =	sshrl.u32 s24, $0x2;
	[sflag:s16] =	ssyncset.done $0x0  }
0x3b: {  	s24 =	simm.s32 $0x40;
	s25 =	sor.u32 s31, s26;
	[sflag:s16] =	ssyncadd.s32 $0xFFFFD800  }
.LBB2_4:
0x3c: {  	p0 =	sne.s32 s24, $0x9FC0  }
0x3d: {  	[tilespmem:s25+$0x4000] =	vst v1;
	s23 =	sadd.s32 $0x10, s23;
	s25 =	smov.u32 s24;
	s24 =	sadd.s32 $0x40, s24  }
.Ltmp1:
0x3e: {  	(pc) =	sbr.rel @p0 .LBB2_4-.Ltmp1, $4  }
0x3f: {  	_ = 	snop  }
0x40: {  	s25 =	sand.u32 $0xFE00, s25  }
0x41: {  	s26 =	sand.u32 $0x70, s23;
	s25 =	sshrl.u32 s25, $0x2  }
0x42: {  	s25 =	sor.u32 s26, s25  }
0x43: {  	[tilespmem:s25+$0x4000] =	vst v1  }
0x44: {  	_ =	swait.ge [sflag:s17], $0x3E80  }
0x45: {  	[sflag:s17] =	ssyncset.done $0x0  }
0x46: {  	[sflag:s17] =	ssyncadd.s32 $0xFFFFC180  }
0x47: {  	s23 =	simm.s32 $0x0;
	[bflag:$0x0] =	sbarrier.arrive $0xFFFF  }
0x48: {  	[spmem:s2] =	stream.indirect.scatter.add.f32 [tilespmem:s15], [sflag:$0x2], $0x80, s23, s18, $0xb8;
	[tilespmem:$0x1A800] =	vst v63  }
0x49: {  	s31 =	simm.s32 $0x80  }
0x4a: {  	[spmem:s2] =	stream.indirect.scatter.add.f32 [tilespmem:s15], [sflag:$0x3], $0x80, s31, s18, $0xb8;
	[tilespmem:$0x1A800] =	vst v63  }
0x4b: {  	_ =	swait.ge [sflag:s19], $0x2800  }
0x4c: {  	[sflag:s19] =	ssyncset.done $0x0  }
0x4d: {  	[sflag:s19] =	ssyncadd.s32 $0xFFFFD800  }
0x4e: {  	_ =	swait.ge [sflag:s20], $0x2800  }
0x4f: {  	s24 =	simm.s32 $0x800;
	s23 =	simm.s32 $0x400;
	[sflag:s20] =	ssyncset.done $0x0  }
.LBB2_6:
0x50: {  	s25 =	sshra.s32 s23, $0x2  }
0x51: {  	[sflag:s20] =	ssyncadd.s32 $0xFFFFD800;
	s23 =	smov.u32 s24;
	s26 =	sadd.s32 $0x400, s24  }
0x52: {  	[spmem:s2] =	stream.indirect.scatter.add.f32 [tilespmem:s15], [sflag:$0x2], $0x80, s25, s18, $0xb8;
	[tilespmem:$0x1A800] =	vst v63  }
0x53: {  	p0 =	sne.s32 s24, $0xF400;
	s24 =	sadd.s32 $0x80, s25  }
0x54: {  	[spmem:s2] =	stream.indirect.scatter.add.f32 [tilespmem:s15], [sflag:$0x3], $0x80, s24, s18, $0xb8;
	[tilespmem:$0x1A800] =	vst v63  }
.Ltmp2:
0x55: {  	_ =	swait.ge [sflag:s19], $0x2800;
	(pc) =	sbr.rel @p0 .LBB2_6-.Ltmp2, $4  }
0x56: {  	[sflag:s19] =	ssyncset.done $0x0  }
0x57: {  	[sflag:s19] =	ssyncadd.s32 $0xFFFFD800  }
0x58: {  	_ =	swait.ge [sflag:s20], $0x2800  }
0x59: {  	s24 =	smov.u32 s26;
	[sflag:s20] =	ssyncset.done $0x0  }
0x5a: {  	s23 =	sshra.s32 s23, $0x2;
	[sflag:s20] =	ssyncadd.s32 $0xFFFFD800  }
0x5b: {  	[spmem:s2] =	stream.indirect.scatter.add.f32 [tilespmem:s15], [sflag:$0x2], $0x80, s23, s18, $0xb8;
	[tilespmem:$0x1A800] =	vst v63  }
0x5c: {  	s23 =	sadd.s32 $0x80, s23  }
0x5d: {  	[spmem:s2] =	stream.indirect.scatter.add.f32 [tilespmem:s15], [sflag:$0x3], $0x80, s23, s18, $0xb8;
	[tilespmem:$0x1A800] =	vst v63  }
0x5e: {  	_ =	swait.ge [sflag:s19], $0x2800  }
0x5f: {  	[sflag:s19] =	ssyncset.done $0x0  }
0x60: {  	[sflag:s19] =	ssyncadd.s32 $0xFFFFD800  }
0x61: {  	_ =	swait.ge [sflag:s20], $0x2800  }
0x62: {  	[sflag:s20] =	ssyncset.done $0x0  }
0x63: {  	[sflag:s20] =	ssyncadd.s32 $0xFFFFD800  }
0x64: {  	[spmem:s2] =	stream.indirect.scatter.add.f32 [tilespmem:s15], [sflag:$0x4], $0x80, s21, s18, $0xb8;
	[tilespmem:$0x1A800] =	vst v63  }
0x65: {  	_ =	swait.ge [sflag:s16], $0x2800  }
0x66: {  	s31 =	sshll.u32 s1, $0x6;
	s22 =	sadd.s32 $0x1, s22;
	[sflag:s16] =	ssyncset.done $0x0  }
0x67: {  	s24 =	sshrl.u32 s4, $0x3;
	p0 =	sne.s32 s22, s14;
	[sflag:s16] =	ssyncadd.s32 $0xFFFFD800  }
.Ltmp3:
0x68: {  	s23 =	sor.u32 $0x1C04, s31;
	[bflag:$0x0] =	sbarrier.arrive $0xFFFF;
	(pc) =	sbr.rel @p0 .LBB2_1-.Ltmp3, $4  }
0x69: {  	[hbm:s13], [sflag:s23] =	dma.local [spmem:s24], $0x2800  }
0x6a: {  	_ =	swait.ge [sflag:s16], $0x2800  }
0x6b: {  	[sflag:s16] =	ssyncset.done $0x0  }
0x6c: {  	[sflag:s16] =	ssyncadd.s32 $0xFFFFD800  }
0x6d: {  	_ =	sfence.sel $0x180000  }
0x6e: {  	[bflag:$0x0] =	sbarrier.arrive $0xFFFF  }
0x6f: {  	p0 =	sne.s32 s1, $0x0;
	_ =	strace $0x9000004A  }
0x70: {  	s0 =	sadd.s32 @!p0 $0x100000, s0;
	[bflag:$0x2] =	sbarrier.arrive $0xFFFF  }
0x71: {  	[sflag:s0] =	ssyncadd.tile.s32 @!p0 $0x1;
	_ =	shalt  }
.Lfunc_end2:
_tile_overlayer_lowered:
.L_overlay_start_2:
0x72: {  	(tag) =	ssettag $0x2  }
0x73: {  	s0 =	rddreg [dreg:$0x0];
	s2 =	stileid.u32  }
0x74: {  	s1 =	rddreg [dreg:$0x1];
	p0 =	sne.s32 s2, $0x0  }
0x75: {  	s3 =	rddreg [dreg:$0x2];
	[bflag:$0x3] =	sbarrier.arrive $0xFFFF;
	s2 =	simm.s32 @!p0 $0x1C04  }
0x76: {  	[timem:s3], [sflag:s2] =	dma.local @!p0 [hbm:s0], s1  }
0x77: {  	s0 =	simm.s32 @!p0 $0x4  }
0x78: {  	_ =	swait.ge @!p0 [sflag:s0], s1  }
0x79: {  	s1 =	ssub.s32 @!p0 $0x0, s1;
	[sflag:s0] =	ssyncset.done @!p0 $0x0  }
0x7a: {  	[sflag:s0] =	ssyncadd.s32 @!p0 s1  }
0x7b: {  	[bflag:$0x3] =	sbarrier.arrive $0xFFFF  }
0x7c: {  	_ =	shalt  }

</sc_bundles>
